<compile_context>
chip_gen: v7x
topology: tpu7x:2x2x1
jax: 0.10.2.dev20260603
libtpu: 0.0.44.dev20260713+nightly
codegen_flags: <defaults>
</compile_context>

<pallas_src>
import functools

import jax
import jax.numpy as jnp
from jax import lax
from jax.experimental import pallas as pl
from jax.experimental.pallas import tpu as pltpu
from jax.experimental.pallas import tpu_sc as plsc

NHI = 32
NLO = 64
NBINS = NHI * NLO

_NC = 2
_NS = 16
_NW = _NC * _NS


def _pick_chunk(P):
    for ch in (18432, 9216, 4608, 2304, 1152, 768, 512, 384, 256, 128):
        if P % ch == 0:
            return ch
    return P


def _bin_kernel(inv_ref, x_ref, t_ref, gidx_ref, *, C, CH):
    x = x_ref[0]
    t = t_ref[0]
    inv = inv_ref[0, 0]

    iota_c = jax.lax.broadcasted_iota(jnp.int32, (C, CH), 0)
    mxv = jnp.max(t, axis=0, keepdims=True)
    lab = jnp.min(jnp.where(t == mxv, iota_c, C), axis=0, keepdims=True)

    fg_all = (lab == iota_c)
    e_all = jnp.abs(fg_all.astype(jnp.float32) - x)
    idx = (NBINS * (1.0 - e_all * inv)).astype(jnp.int32)
    idx = jnp.clip(idx, 0, NBINS - 1)
    idx = jnp.where(fg_all, idx + NBINS, idx)
    gidx_ref[0] = idx + iota_c * (2 * NBINS)


def _sc_hist_kernel(gidx_hbm, out_hbm, idx_buf, ones_buf, tmp_buf, shist,
                    *, hbins, items_w, chunk, nchunk):
    cid = lax.axis_index("c")
    sid = lax.axis_index("s")
    wid = sid * _NC + cid
    base = wid * items_w
    zeros16 = jnp.zeros((16,), jnp.float32)
    ones16 = jnp.full((16,), 1.0, jnp.float32)

    def zbody(i, carry):
        tmp_buf[pl.ds(i * 16, 16)] = zeros16
        return carry

    lax.fori_loop(0, hbins // 16, zbody, 0)

    def obody(i, carry):
        ones_buf[pl.ds(i * 16, 16)] = ones16
        return carry

    lax.fori_loop(0, chunk // 16, obody, 0)

    @pl.when(sid == 0)
    def _():
        pltpu.sync_copy(tmp_buf, shist)

    plsc.subcore_barrier()

    def chunk_body(j, carry):
        pltpu.sync_copy(gidx_hbm.at[pl.ds(base + j * chunk, chunk)],
                        idx_buf)
        pltpu.sync_copy(ones_buf, shist.at[idx_buf], add=True)
        return carry

    lax.fori_loop(0, nchunk, chunk_body, 0)
    plsc.subcore_barrier()

    @pl.when(sid == 0)
    def _():
        pltpu.sync_copy(shist, out_hbm.at[pl.ds(cid * hbins, hbins)])


def _tc_hist_kernel(inv_ref, x_ref, t_ref, hist_ref, *, C, CH):
    i = pl.program_id(1)

    @pl.when(i == 0)
    def _():
        hist_ref[...] = jnp.zeros_like(hist_ref)

    x = x_ref[0]
    t = t_ref[0]
    inv = inv_ref[0, 0]

    iota_c = jax.lax.broadcasted_iota(jnp.int32, (C, CH), 0)
    mxv = jnp.max(t, axis=0, keepdims=True)
    lab = jnp.min(jnp.where(t == mxv, iota_c, C), axis=0, keepdims=True)

    fg_all = (lab == iota_c)
    e_all = jnp.abs(fg_all.astype(jnp.float32) - x)
    idx = (NBINS * (1.0 - e_all * inv)).astype(jnp.int32)
    idx = jnp.clip(idx, 0, NBINS - 1)
    hi_all = jnp.right_shift(idx, 6)
    hi_all = jnp.where(fg_all, hi_all + NHI, hi_all)
    lo_all = jnp.bitwise_and(idx, NLO - 1)

    iota_hi = jax.lax.broadcasted_iota(jnp.int32, (2 * NHI, CH), 0)
    iota_lo = jax.lax.broadcasted_iota(jnp.int32, (NLO, CH), 0)
    for c in range(C):
        ohi = (hi_all[c:c + 1] == iota_hi).astype(jnp.bfloat16)
        olo = (lo_all[c:c + 1] == iota_lo).astype(jnp.bfloat16)
        upd = jax.lax.dot_general(
            ohi, olo, (((1,), (1,)), ((), ())),
            preferred_element_type=jnp.float32)
        hist_ref[0, c] = hist_ref[0, c] + upd


def _reduce_kernel(inv_ref, hsc_ref, htc_ref, out_ref, *, C, NB):
    iu = jax.lax.broadcasted_iota(jnp.int32, (NLO, NLO), 0)
    ju = jax.lax.broadcasted_iota(jnp.int32, (NLO, NLO), 1)
    U = (iu <= ju).astype(jnp.float32)
    O = jnp.ones((NLO, NLO), jnp.float32)
    il = jax.lax.broadcasted_iota(jnp.int32, (NHI, NHI), 0)
    jl = jax.lax.broadcasted_iota(jnp.int32, (NHI, NHI), 1)
    L = (jl < il).astype(jnp.float32)

    def dn(a, bm):
        return jax.lax.dot_general(a, bm, (((1,), (0,)), ((), ())),
                                   preferred_element_type=jnp.float32)

    bidx = (jax.lax.broadcasted_iota(jnp.int32, (NHI, NLO), 0) * NLO +
            jax.lax.broadcasted_iota(jnp.int32, (NHI, NLO), 1))
    centers = ((1.0 - (bidx.astype(jnp.float32) + 0.5) / NBINS) /
               inv_ref[0, 0])

    total = jnp.float32(0.0)
    for c in range(C):
        h = hsc_ref[0, c]
        for w in range(1, _NC):
            h = h + hsc_ref[w, c]
        for b in range(NB):
            h = h + htc_ref[b, c]
        g = h[1]
        n = h[0] + g
        R = dn(n, U) + dn(L, dn(n, O))
        G = dn(g, U) + dn(L, dn(g, O))
        gts = jnp.sum(g)
        un_in = jnp.maximum(gts + R - G, 1.0)
        j_in = jnp.where(R > 0.5, 1.0 - (gts - G) / un_in, 0.0)
        Rx = R - n
        Gx = G - g
        un_ex = jnp.maximum(gts + Rx - Gx, 1.0)
        j_ex = jnp.where(Rx > 0.5, 1.0 - (gts - Gx) / un_ex, 0.0)
        total = total + jnp.sum(centers * (j_in - j_ex))
    out_ref[...] = jnp.broadcast_to(total / C, (1, 1))


def _lovasz_pallas(x, t):
    Bq, C, P = x.shape
    CH = _pick_chunk(P)
    nstep = P // CH
    ns_sc = max(1, (5 * nstep) // 8)
    if Bq * C * (ns_sc * CH) % (_NW * 16):
        ns_sc = nstep
    ns_tc = nstep - ns_sc
    Ps = ns_sc * CH
    inv = (1.0 / (jnp.max(jnp.abs(x)) + 1.0)).reshape(1, 1)

    gidx = pl.pallas_call(
        functools.partial(_bin_kernel, C=C, CH=CH),
        grid=(Bq, ns_sc),
        in_specs=[
            pl.BlockSpec(memory_space=pltpu.SMEM),
            pl.BlockSpec((1, C, CH), lambda b, i: (b, 0, i)),
            pl.BlockSpec((1, C, CH), lambda b, i: (b, 0, i)),
        ],
        out_specs=pl.BlockSpec((1, C, CH), lambda b, i: (b, 0, i)),
        out_shape=jax.ShapeDtypeStruct((Bq, C, Ps), jnp.int32),
    )(inv, x, t)

    items = Bq * C * Ps
    items_w = items // _NW
    hbins = C * 2 * NBINS
    chunk = items_w
    for nch in range(2, 64):
        if items_w % nch == 0 and items_w // nch <= 16384 \
                and (items_w // nch) % 16 == 0:
            chunk = items_w // nch
            break
    nchunk = items_w // chunk

    hist_sc = pl.kernel(
        functools.partial(_sc_hist_kernel, hbins=hbins, items_w=items_w,
                          chunk=chunk, nchunk=nchunk),
        out_type=jax.ShapeDtypeStruct((_NC * hbins,), jnp.float32),
        mesh=plsc.VectorSubcoreMesh(core_axis_name="c",
                                    subcore_axis_name="s"),
        scratch_types=[
            pltpu.VMEM((chunk,), jnp.int32),
            pltpu.VMEM((chunk,), jnp.float32),
            pltpu.VMEM((hbins,), jnp.float32),
            pltpu.VMEM_SHARED((hbins,), jnp.float32),
        ],
    )(gidx.reshape(items))

    if ns_tc:
        hist_tc = pl.pallas_call(
            functools.partial(_tc_hist_kernel, C=C, CH=CH),
            grid=(Bq, ns_tc),
            in_specs=[
                pl.BlockSpec(memory_space=pltpu.SMEM),
                pl.BlockSpec((1, C, CH), lambda b, i: (b, 0, i + ns_sc)),
                pl.BlockSpec((1, C, CH), lambda b, i: (b, 0, i + ns_sc)),
            ],
            out_specs=pl.BlockSpec((1, C, 2 * NHI, NLO),
                                   lambda b, i: (b, 0, 0, 0)),
            out_shape=jax.ShapeDtypeStruct((Bq, C, 2 * NHI, NLO),
                                           jnp.float32),
        )(inv, x, t)
    else:
        hist_tc = jnp.zeros((Bq, C, 2 * NHI, NLO), jnp.float32)

    out = pl.pallas_call(
        functools.partial(_reduce_kernel, C=C, NB=Bq),
        in_specs=[
            pl.BlockSpec(memory_space=pltpu.SMEM),
            pl.BlockSpec(memory_space=pltpu.VMEM),
            pl.BlockSpec(memory_space=pltpu.VMEM),
        ],
        out_shape=jax.ShapeDtypeStruct((1, 1), jnp.float32),
    )(inv, hist_sc.reshape(_NC, C, 2, NHI, NLO),
      hist_tc.reshape(Bq, C, 2, NHI, NLO))
    return out[0, 0]


def kernel(pred, score, target):
    del score
    Bq, C = pred.shape[1], pred.shape[2]
    P = pred.shape[3] * pred.shape[4]
    x = pred.reshape(Bq, C, P).astype(jnp.float32)
    t = target.reshape(Bq, C, P).astype(jnp.float32)
    return _lovasz_pallas(x, t)

# --- scband reference (transcript-rebuilt; emitter-appended) ---
"""Pipeline reference for scband-lovasz-loss-7954279432344 (READ-ONLY COPY).

The authoritative reference and input builder live on the scoring server;
editing this copy changes nothing except your own understanding.
"""

import jax, jax.numpy as jnp
import numpy as np


def setup_inputs(seed: int = 0) -> dict:
    key = jax.random.key(seed)
    k1, k2, k3 = jax.random.split(key, 3)
    pred = jax.random.normal(k1, (1, 2, 19, 384, 384), dtype=jnp.float32)
    score = jax.random.normal(k2, (2, 19, 384, 384), dtype=jnp.float32)
    target = jax.random.normal(k3, (2, 19, 384, 384), dtype=jnp.float32)
    return {"pred": pred, "score": score, "target": target}


def _lovasz_grad(gt_sorted):
    gts = gt_sorted.sum()
    intersection = gts - jnp.cumsum(gt_sorted)
    union = gts + jnp.cumsum(1.0 - gt_sorted)
    jaccard = 1.0 - intersection / union
    jaccard = jnp.concatenate([jaccard[:1], jaccard[1:] - jaccard[:-1]])
    return jaccard


def _lovasz_softmax_flat(probas, labels):
    # classes='all' path of the torch module
    C = probas.shape[1]
    losses = []
    for c in range(C):
        fg = (labels == c).astype(jnp.float32)
        class_pred = probas[:, c]
        errors = jnp.abs(fg - class_pred)
        perm = jnp.argsort(-errors)  # descending sort of errors
        errors_sorted = errors[perm]
        fg_sorted = fg[perm]
        losses.append(jnp.dot(errors_sorted, _lovasz_grad(fg_sorted)))
    return jnp.mean(jnp.stack(losses))


def reference(pred, score, target):
    # hyp: num_outputs=1 -> score wrapped in list (unused in math);
    # weights = [1.0]; pred iterated along leading axis (list of 1 output)
    weights = [1.0]
    labels = jnp.argmax(target, axis=1)  # (B, H, W)
    lab_flat = labels.reshape(-1)
    total = jnp.float32(0.0)
    for w, x in zip(weights, pred):
        B, C, H, W = x.shape
        probas = jnp.transpose(x, (0, 2, 3, 1)).reshape(-1, C)
        total = total + w * _lovasz_softmax_flat(probas, lab_flat)
    return total

if __name__ == "__main__":
    import jax
    _d = setup_inputs()
    print(jax.jit(kernel)(*tuple(_d.values())))

</pallas_src>

<mosaic_0001>
#map = affine_map<(d0, d1) -> (0)>
module attributes {stable_mosaic.version = 14 : i64} {
  func.func @_sc_hist_kernel(%arg0: i32, %arg1: i32, %arg2: memref<3502080xi32, #tpu.memory_space<hbm>>, %arg3: memref<155648xf32, #tpu.memory_space<hbm>>, %arg4: memref<13680xi32, #tpu.memory_space<vmem>>, %arg5: memref<13680xf32, #tpu.memory_space<vmem>>, %arg6: memref<77824xf32, #tpu.memory_space<vmem>>, %arg7: memref<77824xf32, #tpu.memory_space<vmem_shared>>) attributes {dimension_semantics = [#tpu.dimension_semantics<core_parallel>, #tpu.dimension_semantics<subcore_parallel>], iteration_bounds = array<i64: 2, 16>, scalar_prefetch = 0 : i64, scratch_operands = 4 : i64, tpu.core_type = #tpu.core_type<sc_vector_subcore>, window_params = [{transform_indices = #map}, {transform_indices = #map}]} {
    %mul3A = arith.constant 2 : i32
    %mul3A_0 = arith.muli %arg1, %mul3A : i32
    %add3A = arith.addi %mul3A_0, %arg0 : i32
    %mul3A_1 = arith.constant 109440 : i32
    %mul3A_2 = arith.muli %add3A, %mul3A_1 : i32
    %broadcast_in_dim3A = arith.constant 0.000000e+00 : f32
    %broadcast_in_dim3A_3 = vector.broadcast %broadcast_in_dim3A : f32 to vector<16xf32>
    %broadcast_in_dim3A_4 = arith.constant 1.000000e+00 : f32
    %broadcast_in_dim3A_5 = vector.broadcast %broadcast_in_dim3A_4 : f32 to vector<16xf32>
    %scan3A = arith.constant 0 : i32
    %scan3A_6 = arith.constant 0 : i32
    %scan3A_7 = arith.constant 4864 : i32
    %scan3A_8 = arith.addi %scan3A_6, %scan3A_7 : i32
    %scan3A_9 = arith.constant 1 : i32
    scf.for %scan3A_31 = %scan3A_6 to %scan3A_8 step %scan3A_9  : i32 {
      %mul3A_32 = arith.constant 16 : i32
      %mul3A_33 = arith.muli %scan3A_31, %mul3A_32 : i32
      %swap3A = arith.index_cast %mul3A_33 : i32 to index
      %swap3A_34 = tpu.vector_load %arg6[%swap3A] {strides = array<i32>} : memref<77824xf32, #tpu.memory_space<vmem>>, vector<16xf32>,
      %swap3A_35 = vector.shape_cast %swap3A_34 : vector<16xf32> to vector<16xf32>
      %swap3A_36 = vector.shape_cast %broadcast_in_dim3A_3 : vector<16xf32> to vector<16xf32>
      tpu.vector_store %arg6[%swap3A], %swap3A_36 {strides = array<i32>} : memref<77824xf32, #tpu.memory_space<vmem>>, vector<16xf32>,
    }
    %scan3A_10 = arith.constant 4864 : i32
    %scan3A_11 = arith.constant 0 : i32
    %scan3A_12 = arith.constant 0 : i32
    %scan3A_13 = arith.constant 855 : i32
    %scan3A_14 = arith.addi %scan3A_12, %scan3A_13 : i32
    %scan3A_15 = arith.constant 1 : i32
    scf.for %scan3A_31 = %scan3A_12 to %scan3A_14 step %scan3A_15  : i32 {
      %mul3A_32 = arith.constant 16 : i32
      %mul3A_33 = arith.muli %scan3A_31, %mul3A_32 : i32
      %swap3A = arith.index_cast %mul3A_33 : i32 to index
      %swap3A_34 = tpu.vector_load %arg5[%swap3A] {strides = array<i32>} : memref<13680xf32, #tpu.memory_space<vmem>>, vector<16xf32>,
      %swap3A_35 = vector.shape_cast %swap3A_34 : vector<16xf32> to vector<16xf32>
      %swap3A_36 = vector.shape_cast %broadcast_in_dim3A_5 : vector<16xf32> to vector<16xf32>
      tpu.vector_store %arg5[%swap3A], %swap3A_36 {strides = array<i32>} : memref<13680xf32, #tpu.memory_space<vmem>>, vector<16xf32>,
    }
    %scan3A_16 = arith.constant 855 : i32
    %eq3A = arith.constant 0 : i32
    %eq3A_17 = arith.cmpi eq, %arg1, %eq3A : i32
    %convert_element_type3A = arith.extui %eq3A_17 : i1 to i32
    %cond3A = arith.constant 0 : i32
    %cond3A_18 = arith.cmpi ne, %convert_element_type3A, %cond3A : i32
    scf.if %cond3A_18 {
      "tpu.region"() ({
        %run_scoped3A = tpu.sem_alloc : memref<!tpu.dma_semaphore, #tpu.memory_space<semaphore_mem>>
        tpu.enqueue_dma source(%arg6 : memref<77824xf32, #tpu.memory_space<vmem>>) target(%arg7 : memref<77824xf32, #tpu.memory_space<vmem_shared>>) target_semaphore(%run_scoped3A : memref<!tpu.dma_semaphore, #tpu.memory_space<semaphore_mem>>)
        tpu.wait_dma2 semaphore(%run_scoped3A : memref<!tpu.dma_semaphore, #tpu.memory_space<semaphore_mem>>) src(%arg6 : memref<77824xf32, #tpu.memory_space<vmem>>) dst(%arg7 : memref<77824xf32, #tpu.memory_space<vmem_shared>>)
        tpu.yield
      }) : () -> ()
    } else {
    }
    %barrier3A = arith.constant 0 : index
    tpu.barrier barrier_id(%barrier3A)
    %scan3A_19 = arith.constant 0 : i32
    %scan3A_20 = arith.constant 0 : i32
    %scan3A_21 = arith.constant 8 : i32
    %scan3A_22 = arith.addi %scan3A_20, %scan3A_21 : i32
    %scan3A_23 = arith.constant 1 : i32
    scf.for %scan3A_31 = %scan3A_20 to %scan3A_22 step %scan3A_23  : i32 {
      %mul3A_32 = arith.constant 13680 : i32
      %mul3A_33 = arith.muli %scan3A_31, %mul3A_32 : i32
      %add3A_34 = arith.addi %mul3A_2, %mul3A_33 : i32
      "tpu.region"() ({
        %run_scoped3A = tpu.sem_alloc : memref<!tpu.dma_semaphore, #tpu.memory_space<semaphore_mem>>
        %dma_start3A = tpu.memref_slice %arg2[%add3A_34] : memref<3502080xi32, #tpu.memory_space<hbm>> -> memref<13680xi32, #tpu.memory_space<hbm>>
        %dma_start3A_35 = tpu.memref_slice %arg2[%add3A_34] : memref<3502080xi32, #tpu.memory_space<hbm>> -> memref<13680xi32, #tpu.memory_space<hbm>>
        tpu.enqueue_dma source(%dma_start3A_35 : memref<13680xi32, #tpu.memory_space<hbm>>) target(%arg4 : memref<13680xi32, #tpu.memory_space<vmem>>) target_semaphore(%run_scoped3A : memref<!tpu.dma_semaphore, #tpu.memory_space<semaphore_mem>>)
        %dma_wait3A = tpu.memref_slice %arg2[%add3A_34] : memref<3502080xi32, #tpu.memory_space<hbm>> -> memref<13680xi32, #tpu.memory_space<hbm>>
        %dma_wait3A_36 = tpu.memref_slice %arg2[%add3A_34] : memref<3502080xi32, #tpu.memory_space<hbm>> -> memref<13680xi32, #tpu.memory_space<hbm>>
        tpu.wait_dma2 semaphore(%run_scoped3A : memref<!tpu.dma_semaphore, #tpu.memory_space<semaphore_mem>>) src(%dma_wait3A_36 : memref<13680xi32, #tpu.memory_space<hbm>>) dst(%arg4 : memref<13680xi32, #tpu.memory_space<vmem>>)
        tpu.yield
      }) : () -> ()
      "tpu.region"() ({
        %run_scoped3A = tpu.sem_alloc : memref<!tpu.dma_semaphore, #tpu.memory_space<semaphore_mem>>
        %dma_start3A = arith.constant 0 : i32
        %dma_start3A_35 = tpu.memref_slice %arg7[%dma_start3A] : memref<77824xf32, #tpu.memory_space<vmem_shared>> -> memref<77824xf32, #tpu.memory_space<vmem_shared>>
        tpu.enqueue_indirect_dma source(%arg5 : memref<13680xf32, #tpu.memory_space<vmem>>) target(%dma_start3A_35 : memref<77824xf32, #tpu.memory_space<vmem_shared>>) offsets(%arg4 : memref<13680xi32, #tpu.memory_space<vmem>>) semaphore(%run_scoped3A : memref<!tpu.dma_semaphore, #tpu.memory_space<semaphore_mem>>) {add = true}
        %dma_wait3A = arith.constant 0 : i32
        %dma_wait3A_36 = tpu.memref_slice %arg7[%dma_wait3A] : memref<77824xf32, #tpu.memory_space<vmem_shared>> -> memref<77824xf32, #tpu.memory_space<vmem_shared>>
        tpu.wait_indirect_dma semaphore(%run_scoped3A : memref<!tpu.dma_semaphore, #tpu.memory_space<semaphore_mem>>) src(%arg5 : memref<13680xf32, #tpu.memory_space<vmem>>) dst(%dma_wait3A_36 : memref<77824xf32, #tpu.memory_space<vmem_shared>>)
        tpu.yield
      }) : () -> ()
    }
    %scan3A_24 = arith.constant 8 : i32
    %barrier3A_25 = arith.constant 0 : index
    tpu.barrier barrier_id(%barrier3A_25)
    %eq3A_26 = arith.constant 0 : i32
    %eq3A_27 = arith.cmpi eq, %arg1, %eq3A_26 : i32
    %convert_element_type3A_28 = arith.extui %eq3A_27 : i1 to i32
    %cond3A_29 = arith.constant 0 : i32
    %cond3A_30 = arith.cmpi ne, %convert_element_type3A_28, %cond3A_29 : i32
    scf.if %cond3A_30 {
      %mul3A_31 = arith.constant 77824 : i32
      %mul3A_32 = arith.muli %arg0, %mul3A_31 : i32
      "tpu.region"() ({
        %run_scoped3A = tpu.sem_alloc : memref<!tpu.dma_semaphore, #tpu.memory_space<semaphore_mem>>
        %dma_start3A = tpu.memref_slice %arg3[%mul3A_32] : memref<155648xf32, #tpu.memory_space<hbm>> -> memref<77824xf32, #tpu.memory_space<hbm>>
        tpu.enqueue_dma source(%arg7 : memref<77824xf32, #tpu.memory_space<vmem_shared>>) target(%dma_start3A : memref<77824xf32, #tpu.memory_space<hbm>>) target_semaphore(%run_scoped3A : memref<!tpu.dma_semaphore, #tpu.memory_space<semaphore_mem>>)
        %dma_wait3A = tpu.memref_slice %arg3[%mul3A_32] : memref<155648xf32, #tpu.memory_space<hbm>> -> memref<77824xf32, #tpu.memory_space<hbm>>
        tpu.wait_dma2 semaphore(%run_scoped3A : memref<!tpu.dma_semaphore, #tpu.memory_space<semaphore_mem>>) src(%arg7 : memref<77824xf32, #tpu.memory_space<vmem_shared>>) dst(%dma_wait3A : memref<77824xf32, #tpu.memory_space<hbm>>)
        tpu.yield
      }) : () -> ()
    } else {
    }
    return
  }
}

module attributes {stable_mosaic.version = 14 : i64} {
  func.func @_bin_kernel(%arg0: i32, %arg1: i32, %arg2: memref<1x1xf32, #tpu.memory_space<smem>>, %arg3: memref<1x19x18432xf32, #tpu.memory_space<vmem>>, %arg4: memref<1x19x18432xf32, #tpu.memory_space<vmem>>, %arg5: memref<1x19x18432xi32, #tpu.memory_space<vmem>>) attributes {dimension_semantics = [#tpu.dimension_semantics<arbitrary>, #tpu.dimension_semantics<arbitrary>], iteration_bounds = array<i64: 2, 5>, scalar_prefetch = 0 : i64, scratch_operands = 0 : i64, tpu.core_type = #tpu.core_type<tc>, window_params = [{transform_indices = @transform_0, window_bounds = array<i64: 1, 1>}, {transform_indices = @transform_1, window_bounds = array<i64: 1, 19, 18432>}, {transform_indices = @transform_2, window_bounds = array<i64: 1, 19, 18432>}, {transform_indices = @transform_3, window_bounds = array<i64: 1, 19, 18432>}]} {
    %get3A = arith.constant 0 : index
    %get3A_0 = arith.constant 0 : index
    %get3A_1 = arith.constant 0 : index
    %get3A_2 = vector.load %arg3[%get3A, %get3A_0, %get3A_1] : memref<1x19x18432xf32, #tpu.memory_space<vmem>>, vector<1x19x18432xf32>
    %get3A_3 = vector.shape_cast %get3A_2 : vector<1x19x18432xf32> to vector<19x18432xf32>
    %get3A_4 = arith.constant 0 : index
    %get3A_5 = arith.constant 0 : index
    %get3A_6 = arith.constant 0 : index
    %get3A_7 = vector.load %arg4[%get3A_4, %get3A_5, %get3A_6] : memref<1x19x18432xf32, #tpu.memory_space<vmem>>, vector<1x19x18432xf32>
    %get3A_8 = vector.shape_cast %get3A_7 : vector<1x19x18432xf32> to vector<19x18432xf32>
    %get3A_9 = arith.constant 0 : index
    %get3A_10 = arith.constant 0 : index
    %get3A_11 = memref.load %arg2[%get3A_9, %get3A_10] : memref<1x1xf32, #tpu.memory_space<smem>>
    %iota3A = tpu.iota {dimensions = array<i32: 0>} : vector<19x18432xi32>
    %reduce_max3A = arith.constant dense<0xFF800000> : vector<18432xf32>
    %reduce_max3A_12 = vector.multi_reduction <maximumf>, %get3A_8, %reduce_max3A [0] : vector<19x18432xf32> to vector<18432xf32>
    %broadcast_in_dim3A = vector.shape_cast %reduce_max3A_12 : vector<18432xf32> to vector<1x18432xf32>
    %eq3A = vector.broadcast %broadcast_in_dim3A : vector<1x18432xf32> to vector<19x18432xf32>
    %eq3A_13 = arith.cmpf oeq, %get3A_8, %eq3A : vector<19x18432xf32>
    %jit3A = arith.constant 19 : i32
    %broadcast_in_dim3A_14 = vector.broadcast %jit3A : i32 to vector<19x18432xi32>
    %select_n3A = arith.select %eq3A_13, %iota3A, %broadcast_in_dim3A_14 : vector<19x18432xi1>, vector<19x18432xi32>
    %reduce_min3A = arith.constant dense<2147483647> : vector<18432xi32>
    %reduce_min3A_15 = vector.multi_reduction <minsi>, %select_n3A, %reduce_min3A [0] : vector<19x18432xi32> to vector<18432xi32>
    %broadcast_in_dim3A_16 = vector.shape_cast %reduce_min3A_15 : vector<18432xi32> to vector<1x18432xi32>
    %eq3A_17 = vector.broadcast %broadcast_in_dim3A_16 : vector<1x18432xi32> to vector<19x18432xi32>
    %eq3A_18 = arith.cmpi eq, %eq3A_17, %iota3A : vector<19x18432xi32>
    %convert_element_type3A = arith.extui %eq3A_18 : vector<19x18432xi1> to vector<19x18432xi32>
    %convert_element_type3A_19 = arith.sitofp %convert_element_type3A : vector<19x18432xi32> to vector<19x18432xf32>
    %sub3A = arith.subf %convert_element_type3A_19, %get3A_3 : vector<19x18432xf32>
    %abs3A = math.absf %sub3A : vector<19x18432xf32>
    %mul3A = vector.broadcast %get3A_11 : f32 to vector<19x18432xf32>
    %mul3A_20 = arith.mulf %abs3A, %mul3A : vector<19x18432xf32>
    %sub3A_21 = arith.constant 1.000000e+00 : f32
    %sub3A_22 = vector.broadcast %sub3A_21 : f32 to vector<19x18432xf32>
    %sub3A_23 = arith.subf %sub3A_22, %mul3A_20 : vector<19x18432xf32>
    %mul3A_24 = arith.constant 2.048000e+03 : f32
    %mul3A_25 = vector.broadcast %mul3A_24 : f32 to vector<19x18432xf32>
    %mul3A_26 = arith.mulf %mul3A_25, %sub3A_23 : vector<19x18432xf32>
    %convert_element_type3A_27 = arith.fptosi %mul3A_26 : vector<19x18432xf32> to vector<19x18432xi32>
    %jit3A_28 = arith.constant 0 : i32
    %jit3A_29 = arith.constant 2047 : i32
    %max3A = vector.broadcast %jit3A_28 : i32 to vector<19x18432xi32>
    %max3A_30 = arith.maxsi %max3A, %convert_element_type3A_27 : vector<19x18432xi32>
    %min3A = vector.broadcast %jit3A_29 : i32 to vector<19x18432xi32>
    %min3A_31 = arith.minsi %min3A, %max3A_30 : vector<19x18432xi32>
    %add3A = arith.constant 2048 : i32
    %add3A_32 = vector.broadcast %add3A : i32 to vector<19x18432xi32>
    %add3A_33 = arith.addi %min3A_31, %add3A_32 : vector<19x18432xi32>
    %select_n3A_34 = arith.select %eq3A_18, %add3A_33, %min3A_31 : vector<19x18432xi1>, vector<19x18432xi32>
    %mul3A_35 = arith.constant 4096 : i32
    %mul3A_36 = vector.broadcast %mul3A_35 : i32 to vector<19x18432xi32>
    %mul3A_37 = arith.muli %iota3A, %mul3A_36 : vector<19x18432xi32>
    %add3A_38 = arith.addi %select_n3A_34, %mul3A_37 : vector<19x18432xi32>
    %swap3A = arith.constant 0 : index
    %swap3A_39 = arith.constant 0 : index
    %swap3A_40 = arith.constant 0 : index
    %swap3A_41 = vector.load %arg5[%swap3A, %swap3A_39, %swap3A_40] : memref<1x19x18432xi32, #tpu.memory_space<vmem>>, vector<1x19x18432xi32>
    %swap3A_42 = vector.shape_cast %swap3A_41 : vector<1x19x18432xi32> to vector<19x18432xi32>
    %swap3A_43 = vector.shape_cast %add3A_38 : vector<19x18432xi32> to vector<1x19x18432xi32>
    tpu.vector_store %arg5[%swap3A, %swap3A_39, %swap3A_40], %swap3A_43 {strides = array<i32>} : memref<1x19x18432xi32, #tpu.memory_space<vmem>>, vector<1x19x18432xi32>,
    return
  }
  func.func @transform_0(%arg0: i32, %arg1: i32) -> (i32, i32) {
    %c0_i32 = arith.constant 0 : i32
    %c0_i32_0 = arith.constant 0 : i32
    %c0_i32_1 = arith.constant 0 : i32
    return %c0_i32, %c0_i32_0 : i32, i32
  }
  func.func @transform_1(%arg0: i32, %arg1: i32) -> (i32, i32, i32) {
    %c0_i32 = arith.constant 0 : i32
    %c0_i32_0 = arith.constant 0 : i32
    return %arg0, %c0_i32, %arg1 : i32, i32, i32
  }
  func.func @transform_2(%arg0: i32, %arg1: i32) -> (i32, i32, i32) {
    %c0_i32 = arith.constant 0 : i32
    %c0_i32_0 = arith.constant 0 : i32
    return %arg0, %c0_i32, %arg1 : i32, i32, i32
  }
  func.func @transform_3(%arg0: i32, %arg1: i32) -> (i32, i32, i32) {
    %c0_i32 = arith.constant 0 : i32
    %c0_i32_0 = arith.constant 0 : i32
    return %arg0, %c0_i32, %arg1 : i32, i32, i32
  }
}

module attributes {stable_mosaic.version = 14 : i64} {
  func.func @_tc_hist_kernel(%arg0: i32, %arg1: i32, %arg2: memref<1x1xf32, #tpu.memory_space<smem>>, %arg3: memref<1x19x18432xf32, #tpu.memory_space<vmem>>, %arg4: memref<1x19x18432xf32, #tpu.memory_space<vmem>>, %arg5: memref<1x19x64x64xf32, #tpu.memory_space<vmem>>) attributes {dimension_semantics = [#tpu.dimension_semantics<arbitrary>, #tpu.dimension_semantics<arbitrary>], iteration_bounds = array<i64: 2, 3>, scalar_prefetch = 0 : i64, scratch_operands = 0 : i64, tpu.core_type = #tpu.core_type<tc>, window_params = [{transform_indices = @transform_0, window_bounds = array<i64: 1, 1>}, {transform_indices = @transform_1, window_bounds = array<i64: 1, 19, 18432>}, {transform_indices = @transform_2, window_bounds = array<i64: 1, 19, 18432>}, {transform_indices = @transform_3, window_bounds = array<i64: 1, 19, 64, 64>}]} {
    %eq3A = arith.constant 0 : i32
    %eq3A_0 = arith.cmpi eq, %arg1, %eq3A : i32
    %convert_element_type3A = arith.extui %eq3A_0 : i1 to i32
    %cond3A = arith.constant 0 : i32
    %cond3A_1 = arith.cmpi ne, %convert_element_type3A, %cond3A : i32
    scf.if %cond3A_1 {
      %broadcast_in_dim3A_574 = arith.constant 0.000000e+00 : f32
      %broadcast_in_dim3A_575 = vector.broadcast %broadcast_in_dim3A_574 : f32 to vector<1x19x64x64xf32>
      %swap3A_576 = arith.constant 0 : index
      %swap3A_577 = arith.constant 0 : index
      %swap3A_578 = arith.constant 0 : index
      %swap3A_579 = arith.constant 0 : index
      %swap3A_580 = vector.load %arg5[%swap3A_576, %swap3A_577, %swap3A_578, %swap3A_579] : memref<1x19x64x64xf32, #tpu.memory_space<vmem>>, vector<1x19x64x64xf32>
      tpu.vector_store %arg5[%swap3A_576, %swap3A_577, %swap3A_578, %swap3A_579], %broadcast_in_dim3A_575 {strides = array<i32>} : memref<1x19x64x64xf32, #tpu.memory_space<vmem>>, vector<1x19x64x64xf32>,
    } else {
    }
    %get3A = arith.constant 0 : index
    %get3A_2 = arith.constant 0 : index
    %get3A_3 = arith.constant 0 : index
    %get3A_4 = vector.load %arg3[%get3A, %get3A_2, %get3A_3] : memref<1x19x18432xf32, #tpu.memory_space<vmem>>, vector<1x19x18432xf32>
    %get3A_5 = vector.shape_cast %get3A_4 : vector<1x19x18432xf32> to vector<19x18432xf32>
    %get3A_6 = arith.constant 0 : index
    %get3A_7 = arith.constant 0 : index
    %get3A_8 = arith.constant 0 : index
    %get3A_9 = vector.load %arg4[%get3A_6, %get3A_7, %get3A_8] : memref<1x19x18432xf32, #tpu.memory_space<vmem>>, vector<1x19x18432xf32>
    %get3A_10 = vector.shape_cast %get3A_9 : vector<1x19x18432xf32> to vector<19x18432xf32>
    %get3A_11 = arith.constant 0 : index
    %get3A_12 = arith.constant 0 : index
    %get3A_13 = memref.load %arg2[%get3A_11, %get3A_12] : memref<1x1xf32, #tpu.memory_space<smem>>
    %iota3A = tpu.iota {dimensions = array<i32: 0>} : vector<19x18432xi32>
    %reduce_max3A = arith.constant dense<0xFF800000> : vector<18432xf32>
    %reduce_max3A_14 = vector.multi_reduction <maximumf>, %get3A_10, %reduce_max3A [0] : vector<19x18432xf32> to vector<18432xf32>
    %broadcast_in_dim3A = vector.shape_cast %reduce_max3A_14 : vector<18432xf32> to vector<1x18432xf32>
    %eq3A_15 = vector.broadcast %broadcast_in_dim3A : vector<1x18432xf32> to vector<19x18432xf32>
    %eq3A_16 = arith.cmpf oeq, %get3A_10, %eq3A_15 : vector<19x18432xf32>
    %jit3A = arith.constant 19 : i32
    %broadcast_in_dim3A_17 = vector.broadcast %jit3A : i32 to vector<19x18432xi32>
    %select_n3A = arith.select %eq3A_16, %iota3A, %broadcast_in_dim3A_17 : vector<19x18432xi1>, vector<19x18432xi32>
    %reduce_min3A = arith.constant dense<2147483647> : vector<18432xi32>
    %reduce_min3A_18 = vector.multi_reduction <minsi>, %select_n3A, %reduce_min3A [0] : vector<19x18432xi32> to vector<18432xi32>
    %broadcast_in_dim3A_19 = vector.shape_cast %reduce_min3A_18 : vector<18432xi32> to vector<1x18432xi32>
    %eq3A_20 = vector.broadcast %broadcast_in_dim3A_19 : vector<1x18432xi32> to vector<19x18432xi32>
    %eq3A_21 = arith.cmpi eq, %eq3A_20, %iota3A : vector<19x18432xi32>
    %convert_element_type3A_22 = arith.extui %eq3A_21 : vector<19x18432xi1> to vector<19x18432xi32>
    %convert_element_type3A_23 = arith.sitofp %convert_element_type3A_22 : vector<19x18432xi32> to vector<19x18432xf32>
    %sub3A = arith.subf %convert_element_type3A_23, %get3A_5 : vector<19x18432xf32>
    %abs3A = math.absf %sub3A : vector<19x18432xf32>
    %mul3A = vector.broadcast %get3A_13 : f32 to vector<19x18432xf32>
    %mul3A_24 = arith.mulf %abs3A, %mul3A : vector<19x18432xf32>
    %sub3A_25 = arith.constant 1.000000e+00 : f32
    %sub3A_26 = vector.broadcast %sub3A_25 : f32 to vector<19x18432xf32>
    %sub3A_27 = arith.subf %sub3A_26, %mul3A_24 : vector<19x18432xf32>
    %mul3A_28 = arith.constant 2.048000e+03 : f32
    %mul3A_29 = vector.broadcast %mul3A_28 : f32 to vector<19x18432xf32>
    %mul3A_30 = arith.mulf %mul3A_29, %sub3A_27 : vector<19x18432xf32>
    %convert_element_type3A_31 = arith.fptosi %mul3A_30 : vector<19x18432xf32> to vector<19x18432xi32>
    %jit3A_32 = arith.constant 0 : i32
    %jit3A_33 = arith.constant 2047 : i32
    %max3A = vector.broadcast %jit3A_32 : i32 to vector<19x18432xi32>
    %max3A_34 = arith.maxsi %max3A, %convert_element_type3A_31 : vector<19x18432xi32>
    %min3A = vector.broadcast %jit3A_33 : i32 to vector<19x18432xi32>
    %min3A_35 = arith.minsi %min3A, %max3A_34 : vector<19x18432xi32>
    %shift_right_arithmetic3A = arith.constant 6 : i32
    %shift_right_arithmetic3A_36 = vector.broadcast %shift_right_arithmetic3A : i32 to vector<19x18432xi32>
    %shift_right_arithmetic3A_37 = arith.shrsi %min3A_35, %shift_right_arithmetic3A_36 : vector<19x18432xi32>
    %add3A = arith.constant 32 : i32
    %add3A_38 = vector.broadcast %add3A : i32 to vector<19x18432xi32>
    %add3A_39 = arith.addi %shift_right_arithmetic3A_37, %add3A_38 : vector<19x18432xi32>
    %select_n3A_40 = arith.select %eq3A_21, %add3A_39, %shift_right_arithmetic3A_37 : vector<19x18432xi1>, vector<19x18432xi32>
    %and3A = arith.constant 63 : i32
    %and3A_41 = vector.broadcast %and3A : i32 to vector<19x18432xi32>
    %and3A_42 = arith.andi %min3A_35, %and3A_41 : vector<19x18432xi32>
    %iota3A_43 = tpu.iota {dimensions = array<i32: 0>} : vector<64x18432xi32>
    %iota3A_44 = tpu.iota {dimensions = array<i32: 0>} : vector<64x18432xi32>
    %slice3A = vector.extract_strided_slice %select_n3A_40 {offsets = [0, 0], sizes = [1, 18432], strides = [1, 1]} : vector<19x18432xi32> to vector<1x18432xi32>
    %eq3A_45 = vector.broadcast %slice3A : vector<1x18432xi32> to vector<64x18432xi32>
    %eq3A_46 = arith.cmpi eq, %eq3A_45, %iota3A_43 : vector<64x18432xi32>
    %convert_element_type3A_47 = arith.extui %eq3A_46 : vector<64x18432xi1> to vector<64x18432xi32>
    %convert_element_type3A_48 = arith.sitofp %convert_element_type3A_47 : vector<64x18432xi32> to vector<64x18432xf32>
    %convert_element_type3A_49 = arith.truncf %convert_element_type3A_48 : vector<64x18432xf32> to vector<64x18432xbf16>
    %slice3A_50 = vector.extract_strided_slice %and3A_42 {offsets = [0, 0], sizes = [1, 18432], strides = [1, 1]} : vector<19x18432xi32> to vector<1x18432xi32>
    %eq3A_51 = vector.broadcast %slice3A_50 : vector<1x18432xi32> to vector<64x18432xi32>
    %eq3A_52 = arith.cmpi eq, %eq3A_51, %iota3A_44 : vector<64x18432xi32>
    %convert_element_type3A_53 = arith.extui %eq3A_52 : vector<64x18432xi1> to vector<64x18432xi32>
    %convert_element_type3A_54 = arith.sitofp %convert_element_type3A_53 : vector<64x18432xi32> to vector<64x18432xf32>
    %convert_element_type3A_55 = arith.truncf %convert_element_type3A_54 : vector<64x18432xf32> to vector<64x18432xbf16>
    %dot_general3A = arith.constant dense<0.000000e+00> : vector<64x64xf32>
    %dot_general3A_56 = tpu.matmul %convert_element_type3A_49, %convert_element_type3A_55, %dot_general3A {dimension_numbers = #tpu.dot_dimension_numbers<[1], [1], [0], [0], [0, 0, 1, 0], [], []>, transpose_lhs_hint = false} : vector<64x18432xbf16>, vector<64x18432xbf16>, vector<64x64xf32> -> vector<64x64xf32>
    %get3A_57 = arith.constant 0 : index
    %get3A_58 = arith.constant 0 : index
    %get3A_59 = arith.constant 0 : index
    %get3A_60 = arith.constant 0 : index
    %get3A_61 = vector.load %arg5[%get3A_57, %get3A_58, %get3A_59, %get3A_60] : memref<1x19x64x64xf32, #tpu.memory_space<vmem>>, vector<1x1x64x64xf32>
    %get3A_62 = vector.shape_cast %get3A_61 : vector<1x1x64x64xf32> to vector<64x64xf32>
    %add3A_63 = arith.addf %get3A_62, %dot_general3A_56 : vector<64x64xf32>
    %swap3A = arith.constant 0 : index
    %swap3A_64 = arith.constant 0 : index
    %swap3A_65 = arith.constant 0 : index
    %swap3A_66 = arith.constant 0 : index
    %swap3A_67 = vector.load %arg5[%swap3A, %swap3A_64, %swap3A_65, %swap3A_66] : memref<1x19x64x64xf32, #tpu.memory_space<vmem>>, vector<1x1x64x64xf32>
    %swap3A_68 = vector.shape_cast %swap3A_67 : vector<1x1x64x64xf32> to vector<64x64xf32>
    %swap3A_69 = vector.shape_cast %add3A_63 : vector<64x64xf32> to vector<1x1x64x64xf32>
    tpu.vector_store %arg5[%swap3A, %swap3A_64, %swap3A_65, %swap3A_66], %swap3A_69 {strides = array<i32>} : memref<1x19x64x64xf32, #tpu.memory_space<vmem>>, vector<1x1x64x64xf32>,
    %slice3A_70 = vector.extract_strided_slice %select_n3A_40 {offsets = [1, 0], sizes = [1, 18432], strides = [1, 1]} : vector<19x18432xi32> to vector<1x18432xi32>
    %eq3A_71 = vector.broadcast %slice3A_70 : vector<1x18432xi32> to vector<64x18432xi32>
    %eq3A_72 = arith.cmpi eq, %eq3A_71, %iota3A_43 : vector<64x18432xi32>
    %convert_element_type3A_73 = arith.extui %eq3A_72 : vector<64x18432xi1> to vector<64x18432xi32>
    %convert_element_type3A_74 = arith.sitofp %convert_element_type3A_73 : vector<64x18432xi32> to vector<64x18432xf32>
    %convert_element_type3A_75 = arith.truncf %convert_element_type3A_74 : vector<64x18432xf32> to vector<64x18432xbf16>
    %slice3A_76 = vector.extract_strided_slice %and3A_42 {offsets = [1, 0], sizes = [1, 18432], strides = [1, 1]} : vector<19x18432xi32> to vector<1x18432xi32>
    %eq3A_77 = vector.broadcast %slice3A_76 : vector<1x18432xi32> to vector<64x18432xi32>
    %eq3A_78 = arith.cmpi eq, %eq3A_77, %iota3A_44 : vector<64x18432xi32>
    %convert_element_type3A_79 = arith.extui %eq3A_78 : vector<64x18432xi1> to vector<64x18432xi32>
    %convert_element_type3A_80 = arith.sitofp %convert_element_type3A_79 : vector<64x18432xi32> to vector<64x18432xf32>
    %convert_element_type3A_81 = arith.truncf %convert_element_type3A_80 : vector<64x18432xf32> to vector<64x18432xbf16>
    %dot_general3A_82 = arith.constant dense<0.000000e+00> : vector<64x64xf32>
    %dot_general3A_83 = tpu.matmul %convert_element_type3A_75, %convert_element_type3A_81, %dot_general3A_82 {dimension_numbers = #tpu.dot_dimension_numbers<[1], [1], [0], [0], [0, 0, 1, 0], [], []>, transpose_lhs_hint = false} : vector<64x18432xbf16>, vector<64x18432xbf16>, vector<64x64xf32> -> vector<64x64xf32>
    %get3A_84 = arith.constant 0 : index
    %get3A_85 = arith.constant 1 : index
    %get3A_86 = arith.constant 0 : index
    %get3A_87 = arith.constant 0 : index
    %get3A_88 = vector.load %arg5[%get3A_84, %get3A_85, %get3A_86, %get3A_87] : memref<1x19x64x64xf32, #tpu.memory_space<vmem>>, vector<1x1x64x64xf32>
    %get3A_89 = vector.shape_cast %get3A_88 : vector<1x1x64x64xf32> to vector<64x64xf32>
    %add3A_90 = arith.addf %get3A_89, %dot_general3A_83 : vector<64x64xf32>
    %swap3A_91 = arith.constant 0 : index
    %swap3A_92 = arith.constant 1 : index
    %swap3A_93 = arith.constant 0 : index
    %swap3A_94 = arith.constant 0 : index
    %swap3A_95 = vector.load %arg5[%swap3A_91, %swap3A_92, %swap3A_93, %swap3A_94] : memref<1x19x64x64xf32, #tpu.memory_space<vmem>>, vector<1x1x64x64xf32>
    %swap3A_96 = vector.shape_cast %swap3A_95 : vector<1x1x64x64xf32> to vector<64x64xf32>
    %swap3A_97 = vector.shape_cast %add3A_90 : vector<64x64xf32> to vector<1x1x64x64xf32>
    tpu.vector_store %arg5[%swap3A_91, %swap3A_92, %swap3A_93, %swap3A_94], %swap3A_97 {strides = array<i32>} : memref<1x19x64x64xf32, #tpu.memory_space<vmem>>, vector<1x1x64x64xf32>,
    %slice3A_98 = vector.extract_strided_slice %select_n3A_40 {offsets = [2, 0], sizes = [1, 18432], strides = [1, 1]} : vector<19x18432xi32> to vector<1x18432xi32>
    %eq3A_99 = vector.broadcast %slice3A_98 : vector<1x18432xi32> to vector<64x18432xi32>
    %eq3A_100 = arith.cmpi eq, %eq3A_99, %iota3A_43 : vector<64x18432xi32>
    %convert_element_type3A_101 = arith.extui %eq3A_100 : vector<64x18432xi1> to vector<64x18432xi32>
    %convert_element_type3A_102 = arith.sitofp %convert_element_type3A_101 : vector<64x18432xi32> to vector<64x18432xf32>
    %convert_element_type3A_103 = arith.truncf %convert_element_type3A_102 : vector<64x18432xf32> to vector<64x18432xbf16>
    %slice3A_104 = vector.extract_strided_slice %and3A_42 {offsets = [2, 0], sizes = [1, 18432], strides = [1, 1]} : vector<19x18432xi32> to vector<1x18432xi32>
    %eq3A_105 = vector.broadcast %slice3A_104 : vector<1x18432xi32> to vector<64x18432xi32>
    %eq3A_106 = arith.cmpi eq, %eq3A_105, %iota3A_44 : vector<64x18432xi32>
    %convert_element_type3A_107 = arith.extui %eq3A_106 : vector<64x18432xi1> to vector<64x18432xi32>
    %convert_element_type3A_108 = arith.sitofp %convert_element_type3A_107 : vector<64x18432xi32> to vector<64x18432xf32>
    %convert_element_type3A_109 = arith.truncf %convert_element_type3A_108 : vector<64x18432xf32> to vector<64x18432xbf16>
    %dot_general3A_110 = arith.constant dense<0.000000e+00> : vector<64x64xf32>
    %dot_general3A_111 = tpu.matmul %convert_element_type3A_103, %convert_element_type3A_109, %dot_general3A_110 {dimension_numbers = #tpu.dot_dimension_numbers<[1], [1], [0], [0], [0, 0, 1, 0], [], []>, transpose_lhs_hint = false} : vector<64x18432xbf16>, vector<64x18432xbf16>, vector<64x64xf32> -> vector<64x64xf32>
    %get3A_112 = arith.constant 0 : index
    %get3A_113 = arith.constant 2 : index
    %get3A_114 = arith.constant 0 : index
    %get3A_115 = arith.constant 0 : index
    %get3A_116 = vector.load %arg5[%get3A_112, %get3A_113, %get3A_114, %get3A_115] : memref<1x19x64x64xf32, #tpu.memory_space<vmem>>, vector<1x1x64x64xf32>
    %get3A_117 = vector.shape_cast %get3A_116 : vector<1x1x64x64xf32> to vector<64x64xf32>
    %add3A_118 = arith.addf %get3A_117, %dot_general3A_111 : vector<64x64xf32>
    %swap3A_119 = arith.constant 0 : index
    %swap3A_120 = arith.constant 2 : index
    %swap3A_121 = arith.constant 0 : index
    %swap3A_122 = arith.constant 0 : index
    %swap3A_123 = vector.load %arg5[%swap3A_119, %swap3A_120, %swap3A_121, %swap3A_122] : memref<1x19x64x64xf32, #tpu.memory_space<vmem>>, vector<1x1x64x64xf32>
    %swap3A_124 = vector.shape_cast %swap3A_123 : vector<1x1x64x64xf32> to vector<64x64xf32>
    %swap3A_125 = vector.shape_cast %add3A_118 : vector<64x64xf32> to vector<1x1x64x64xf32>
    tpu.vector_store %arg5[%swap3A_119, %swap3A_120, %swap3A_121, %swap3A_122], %swap3A_125 {strides = array<i32>} : memref<1x19x64x64xf32, #tpu.memory_space<vmem>>, vector<1x1x64x64xf32>,
    %slice3A_126 = vector.extract_strided_slice %select_n3A_40 {offsets = [3, 0], sizes = [1, 18432], strides = [1, 1]} : vector<19x18432xi32> to vector<1x18432xi32>
    %eq3A_127 = vector.broadcast %slice3A_126 : vector<1x18432xi32> to vector<64x18432xi32>
    %eq3A_128 = arith.cmpi eq, %eq3A_127, %iota3A_43 : vector<64x18432xi32>
    %convert_element_type3A_129 = arith.extui %eq3A_128 : vector<64x18432xi1> to vector<64x18432xi32>
    %convert_element_type3A_130 = arith.sitofp %convert_element_type3A_129 : vector<64x18432xi32> to vector<64x18432xf32>
    %convert_element_type3A_131 = arith.truncf %convert_element_type3A_130 : vector<64x18432xf32> to vector<64x18432xbf16>
    %slice3A_132 = vector.extract_strided_slice %and3A_42 {offsets = [3, 0], sizes = [1, 18432], strides = [1, 1]} : vector<19x18432xi32> to vector<1x18432xi32>
    %eq3A_133 = vector.broadcast %slice3A_132 : vector<1x18432xi32> to vector<64x18432xi32>
    %eq3A_134 = arith.cmpi eq, %eq3A_133, %iota3A_44 : vector<64x18432xi32>
    %convert_element_type3A_135 = arith.extui %eq3A_134 : vector<64x18432xi1> to vector<64x18432xi32>
    %convert_element_type3A_136 = arith.sitofp %convert_element_type3A_135 : vector<64x18432xi32> to vector<64x18432xf32>
    %convert_element_type3A_137 = arith.truncf %convert_element_type3A_136 : vector<64x18432xf32> to vector<64x18432xbf16>
    %dot_general3A_138 = arith.constant dense<0.000000e+00> : vector<64x64xf32>
    %dot_general3A_139 = tpu.matmul %convert_element_type3A_131, %convert_element_type3A_137, %dot_general3A_138 {dimension_numbers = #tpu.dot_dimension_numbers<[1], [1], [0], [0], [0, 0, 1, 0], [], []>, transpose_lhs_hint = false} : vector<64x18432xbf16>, vector<64x18432xbf16>, vector<64x64xf32> -> vector<64x64xf32>
    %get3A_140 = arith.constant 0 : index
    %get3A_141 = arith.constant 3 : index
    %get3A_142 = arith.constant 0 : index
    %get3A_143 = arith.constant 0 : index
    %get3A_144 = vector.load %arg5[%get3A_140, %get3A_141, %get3A_142, %get3A_143] : memref<1x19x64x64xf32, #tpu.memory_space<vmem>>, vector<1x1x64x64xf32>
    %get3A_145 = vector.shape_cast %get3A_144 : vector<1x1x64x64xf32> to vector<64x64xf32>
    %add3A_146 = arith.addf %get3A_145, %dot_general3A_139 : vector<64x64xf32>
    %swap3A_147 = arith.constant 0 : index
    %swap3A_148 = arith.constant 3 : index
    %swap3A_149 = arith.constant 0 : index
    %swap3A_150 = arith.constant 0 : index
    %swap3A_151 = vector.load %arg5[%swap3A_147, %swap3A_148, %swap3A_149, %swap3A_150] : memref<1x19x64x64xf32, #tpu.memory_space<vmem>>, vector<1x1x64x64xf32>
    %swap3A_152 = vector.shape_cast %swap3A_151 : vector<1x1x64x64xf32> to vector<64x64xf32>
    %swap3A_153 = vector.shape_cast %add3A_146 : vector<64x64xf32> to vector<1x1x64x64xf32>
    tpu.vector_store %arg5[%swap3A_147, %swap3A_148, %swap3A_149, %swap3A_150], %swap3A_153 {strides = array<i32>} : memref<1x19x64x64xf32, #tpu.memory_space<vmem>>, vector<1x1x64x64xf32>,
    %slice3A_154 = vector.extract_strided_slice %select_n3A_40 {offsets = [4, 0], sizes = [1, 18432], strides = [1, 1]} : vector<19x18432xi32> to vector<1x18432xi32>
    %eq3A_155 = vector.broadcast %slice3A_154 : vector<1x18432xi32> to vector<64x18432xi32>
    %eq3A_156 = arith.cmpi eq, %eq3A_155, %iota3A_43 : vector<64x18432xi32>
    %convert_element_type3A_157 = arith.extui %eq3A_156 : vector<64x18432xi1> to vector<64x18432xi32>
    %convert_element_type3A_158 = arith.sitofp %convert_element_type3A_157 : vector<64x18432xi32> to vector<64x18432xf32>
    %convert_element_type3A_159 = arith.truncf %convert_element_type3A_158 : vector<64x18432xf32> to vector<64x18432xbf16>
    %slice3A_160 = vector.extract_strided_slice %and3A_42 {offsets = [4, 0], sizes = [1, 18432], strides = [1, 1]} : vector<19x18432xi32> to vector<1x18432xi32>
    %eq3A_161 = vector.broadcast %slice3A_160 : vector<1x18432xi32> to vector<64x18432xi32>
    %eq3A_162 = arith.cmpi eq, %eq3A_161, %iota3A_44 : vector<64x18432xi32>
    %convert_element_type3A_163 = arith.extui %eq3A_162 : vector<64x18432xi1> to vector<64x18432xi32>
    %convert_element_type3A_164 = arith.sitofp %convert_element_type3A_163 : vector<64x18432xi32> to vector<64x18432xf32>
    %convert_element_type3A_165 = arith.truncf %convert_element_type3A_164 : vector<64x18432xf32> to vector<64x18432xbf16>
    %dot_general3A_166 = arith.constant dense<0.000000e+00> : vector<64x64xf32>
    %dot_general3A_167 = tpu.matmul %convert_element_type3A_159, %convert_element_type3A_165, %dot_general3A_166 {dimension_numbers = #tpu.dot_dimension_numbers<[1], [1], [0], [0], [0, 0, 1, 0], [], []>, transpose_lhs_hint = false} : vector<64x18432xbf16>, vector<64x18432xbf16>, vector<64x64xf32> -> vector<64x64xf32>
    %get3A_168 = arith.constant 0 : index
    %get3A_169 = arith.constant 4 : index
    %get3A_170 = arith.constant 0 : index
    %get3A_171 = arith.constant 0 : index
    %get3A_172 = vector.load %arg5[%get3A_168, %get3A_169, %get3A_170, %get3A_171] : memref<1x19x64x64xf32, #tpu.memory_space<vmem>>, vector<1x1x64x64xf32>
    %get3A_173 = vector.shape_cast %get3A_172 : vector<1x1x64x64xf32> to vector<64x64xf32>
    %add3A_174 = arith.addf %get3A_173, %dot_general3A_167 : vector<64x64xf32>
    %swap3A_175 = arith.constant 0 : index
    %swap3A_176 = arith.constant 4 : index
    %swap3A_177 = arith.constant 0 : index
    %swap3A_178 = arith.constant 0 : index
    %swap3A_179 = vector.load %arg5[%swap3A_175, %swap3A_176, %swap3A_177, %swap3A_178] : memref<1x19x64x64xf32, #tpu.memory_space<vmem>>, vector<1x1x64x64xf32>
    %swap3A_180 = vector.shape_cast %swap3A_179 : vector<1x1x64x64xf32> to vector<64x64xf32>
    %swap3A_181 = vector.shape_cast %add3A_174 : vector<64x64xf32> to vector<1x1x64x64xf32>
    tpu.vector_store %arg5[%swap3A_175, %swap3A_176, %swap3A_177, %swap3A_178], %swap3A_181 {strides = array<i32>} : memref<1x19x64x64xf32, #tpu.memory_space<vmem>>, vector<1x1x64x64xf32>,
    %slice3A_182 = vector.extract_strided_slice %select_n3A_40 {offsets = [5, 0], sizes = [1, 18432], strides = [1, 1]} : vector<19x18432xi32> to vector<1x18432xi32>
    %eq3A_183 = vector.broadcast %slice3A_182 : vector<1x18432xi32> to vector<64x18432xi32>
    %eq3A_184 = arith.cmpi eq, %eq3A_183, %iota3A_43 : vector<64x18432xi32>
    %convert_element_type3A_185 = arith.extui %eq3A_184 : vector<64x18432xi1> to vector<64x18432xi32>
    %convert_element_type3A_186 = arith.sitofp %convert_element_type3A_185 : vector<64x18432xi32> to vector<64x18432xf32>
    %convert_element_type3A_187 = arith.truncf %convert_element_type3A_186 : vector<64x18432xf32> to vector<64x18432xbf16>
    %slice3A_188 = vector.extract_strided_slice %and3A_42 {offsets = [5, 0], sizes = [1, 18432], strides = [1, 1]} : vector<19x18432xi32> to vector<1x18432xi32>
    %eq3A_189 = vector.broadcast %slice3A_188 : vector<1x18432xi32> to vector<64x18432xi32>
    %eq3A_190 = arith.cmpi eq, %eq3A_189, %iota3A_44 : vector<64x18432xi32>
    %convert_element_type3A_191 = arith.extui %eq3A_190 : vector<64x18432xi1> to vector<64x18432xi32>
    %convert_element_type3A_192 = arith.sitofp %convert_element_type3A_191 : vector<64x18432xi32> to vector<64x18432xf32>
    %convert_element_type3A_193 = arith.truncf %convert_element_type3A_192 : vector<64x18432xf32> to vector<64x18432xbf16>
    %dot_general3A_194 = arith.constant dense<0.000000e+00> : vector<64x64xf32>
    %dot_general3A_195 = tpu.matmul %convert_element_type3A_187, %convert_element_type3A_193, %dot_general3A_194 {dimension_numbers = #tpu.dot_dimension_numbers<[1], [1], [0], [0], [0, 0, 1, 0], [], []>, transpose_lhs_hint = false} : vector<64x18432xbf16>, vector<64x18432xbf16>, vector<64x64xf32> -> vector<64x64xf32>
    %get3A_196 = arith.constant 0 : index
    %get3A_197 = arith.constant 5 : index
    %get3A_198 = arith.constant 0 : index
    %get3A_199 = arith.constant 0 : index
    %get3A_200 = vector.load %arg5[%get3A_196, %get3A_197, %get3A_198, %get3A_199] : memref<1x19x64x64xf32, #tpu.memory_space<vmem>>, vector<1x1x64x64xf32>
    %get3A_201 = vector.shape_cast %get3A_200 : vector<1x1x64x64xf32> to vector<64x64xf32>
    %add3A_202 = arith.addf %get3A_201, %dot_general3A_195 : vector<64x64xf32>
    %swap3A_203 = arith.constant 0 : index
    %swap3A_204 = arith.constant 5 : index
    %swap3A_205 = arith.constant 0 : index
    %swap3A_206 = arith.constant 0 : index
    %swap3A_207 = vector.load %arg5[%swap3A_203, %swap3A_204, %swap3A_205, %swap3A_206] : memref<1x19x64x64xf32, #tpu.memory_space<vmem>>, vector<1x1x64x64xf32>
    %swap3A_208 = vector.shape_cast %swap3A_207 : vector<1x1x64x64xf32> to vector<64x64xf32>
    %swap3A_209 = vector.shape_cast %add3A_202 : vector<64x64xf32> to vector<1x1x64x64xf32>
    tpu.vector_store %arg5[%swap3A_203, %swap3A_204, %swap3A_205, %swap3A_206], %swap3A_209 {strides = array<i32>} : memref<1x19x64x64xf32, #tpu.memory_space<vmem>>, vector<1x1x64x64xf32>,
    %slice3A_210 = vector.extract_strided_slice %select_n3A_40 {offsets = [6, 0], sizes = [1, 18432], strides = [1, 1]} : vector<19x18432xi32> to vector<1x18432xi32>
    %eq3A_211 = vector.broadcast %slice3A_210 : vector<1x18432xi32> to vector<64x18432xi32>
    %eq3A_212 = arith.cmpi eq, %eq3A_211, %iota3A_43 : vector<64x18432xi32>
    %convert_element_type3A_213 = arith.extui %eq3A_212 : vector<64x18432xi1> to vector<64x18432xi32>
    %convert_element_type3A_214 = arith.sitofp %convert_element_type3A_213 : vector<64x18432xi32> to vector<64x18432xf32>
    %convert_element_type3A_215 = arith.truncf %convert_element_type3A_214 : vector<64x18432xf32> to vector<64x18432xbf16>
    %slice3A_216 = vector.extract_strided_slice %and3A_42 {offsets = [6, 0], sizes = [1, 18432], strides = [1, 1]} : vector<19x18432xi32> to vector<1x18432xi32>
    %eq3A_217 = vector.broadcast %slice3A_216 : vector<1x18432xi32> to vector<64x18432xi32>
    %eq3A_218 = arith.cmpi eq, %eq3A_217, %iota3A_44 : vector<64x18432xi32>
    %convert_element_type3A_219 = arith.extui %eq3A_218 : vector<64x18432xi1> to vector<64x18432xi32>
    %convert_element_type3A_220 = arith.sitofp %convert_element_type3A_219 : vector<64x18432xi32> to vector<64x18432xf32>
    %convert_element_type3A_221 = arith.truncf %convert_element_type3A_220 : vector<64x18432xf32> to vector<64x18432xbf16>
    %dot_general3A_222 = arith.constant dense<0.000000e+00> : vector<64x64xf32>
    %dot_general3A_223 = tpu.matmul %convert_element_type3A_215, %convert_element_type3A_221, %dot_general3A_222 {dimension_numbers = #tpu.dot_dimension_numbers<[1], [1], [0], [0], [0, 0, 1, 0], [], []>, transpose_lhs_hint = false} : vector<64x18432xbf16>, vector<64x18432xbf16>, vector<64x64xf32> -> vector<64x64xf32>
    %get3A_224 = arith.constant 0 : index
    %get3A_225 = arith.constant 6 : index
    %get3A_226 = arith.constant 0 : index
    %get3A_227 = arith.constant 0 : index
    %get3A_228 = vector.load %arg5[%get3A_224, %get3A_225, %get3A_226, %get3A_227] : memref<1x19x64x64xf32, #tpu.memory_space<vmem>>, vector<1x1x64x64xf32>
    %get3A_229 = vector.shape_cast %get3A_228 : vector<1x1x64x64xf32> to vector<64x64xf32>
    %add3A_230 = arith.addf %get3A_229, %dot_general3A_223 : vector<64x64xf32>
    %swap3A_231 = arith.constant 0 : index
    %swap3A_232 = arith.constant 6 : index
    %swap3A_233 = arith.constant 0 : index
    %swap3A_234 = arith.constant 0 : index
    %swap3A_235 = vector.load %arg5[%swap3A_231, %swap3A_232, %swap3A_233, %swap3A_234] : memref<1x19x64x64xf32, #tpu.memory_space<vmem>>, vector<1x1x64x64xf32>
    %swap3A_236 = vector.shape_cast %swap3A_235 : vector<1x1x64x64xf32> to vector<64x64xf32>
    %swap3A_237 = vector.shape_cast %add3A_230 : vector<64x64xf32> to vector<1x1x64x64xf32>
    tpu.vector_store %arg5[%swap3A_231, %swap3A_232, %swap3A_233, %swap3A_234], %swap3A_237 {strides = array<i32>} : memref<1x19x64x64xf32, #tpu.memory_space<vmem>>, vector<1x1x64x64xf32>,
    %slice3A_238 = vector.extract_strided_slice %select_n3A_40 {offsets = [7, 0], sizes = [1, 18432], strides = [1, 1]} : vector<19x18432xi32> to vector<1x18432xi32>
    %eq3A_239 = vector.broadcast %slice3A_238 : vector<1x18432xi32> to vector<64x18432xi32>
    %eq3A_240 = arith.cmpi eq, %eq3A_239, %iota3A_43 : vector<64x18432xi32>
    %convert_element_type3A_241 = arith.extui %eq3A_240 : vector<64x18432xi1> to vector<64x18432xi32>
    %convert_element_type3A_242 = arith.sitofp %convert_element_type3A_241 : vector<64x18432xi32> to vector<64x18432xf32>
    %convert_element_type3A_243 = arith.truncf %convert_element_type3A_242 : vector<64x18432xf32> to vector<64x18432xbf16>
    %slice3A_244 = vector.extract_strided_slice %and3A_42 {offsets = [7, 0], sizes = [1, 18432], strides = [1, 1]} : vector<19x18432xi32> to vector<1x18432xi32>
    %eq3A_245 = vector.broadcast %slice3A_244 : vector<1x18432xi32> to vector<64x18432xi32>
    %eq3A_246 = arith.cmpi eq, %eq3A_245, %iota3A_44 : vector<64x18432xi32>
    %convert_element_type3A_247 = arith.extui %eq3A_246 : vector<64x18432xi1> to vector<64x18432xi32>
    %convert_element_type3A_248 = arith.sitofp %convert_element_type3A_247 : vector<64x18432xi32> to vector<64x18432xf32>
    %convert_element_type3A_249 = arith.truncf %convert_element_type3A_248 : vector<64x18432xf32> to vector<64x18432xbf16>
    %dot_general3A_250 = arith.constant dense<0.000000e+00> : vector<64x64xf32>
    %dot_general3A_251 = tpu.matmul %convert_element_type3A_243, %convert_element_type3A_249, %dot_general3A_250 {dimension_numbers = #tpu.dot_dimension_numbers<[1], [1], [0], [0], [0, 0, 1, 0], [], []>, transpose_lhs_hint = false} : vector<64x18432xbf16>, vector<64x18432xbf16>, vector<64x64xf32> -> vector<64x64xf32>
    %get3A_252 = arith.constant 0 : index
    %get3A_253 = arith.constant 7 : index
    %get3A_254 = arith.constant 0 : index
    %get3A_255 = arith.constant 0 : index
    %get3A_256 = vector.load %arg5[%get3A_252, %get3A_253, %get3A_254, %get3A_255] : memref<1x19x64x64xf32, #tpu.memory_space<vmem>>, vector<1x1x64x64xf32>
    %get3A_257 = vector.shape_cast %get3A_256 : vector<1x1x64x64xf32> to vector<64x64xf32>
    %add3A_258 = arith.addf %get3A_257, %dot_general3A_251 : vector<64x64xf32>
    %swap3A_259 = arith.constant 0 : index
    %swap3A_260 = arith.constant 7 : index
    %swap3A_261 = arith.constant 0 : index
    %swap3A_262 = arith.constant 0 : index
    %swap3A_263 = vector.load %arg5[%swap3A_259, %swap3A_260, %swap3A_261, %swap3A_262] : memref<1x19x64x64xf32, #tpu.memory_space<vmem>>, vector<1x1x64x64xf32>
    %swap3A_264 = vector.shape_cast %swap3A_263 : vector<1x1x64x64xf32> to vector<64x64xf32>
    %swap3A_265 = vector.shape_cast %add3A_258 : vector<64x64xf32> to vector<1x1x64x64xf32>
    tpu.vector_store %arg5[%swap3A_259, %swap3A_260, %swap3A_261, %swap3A_262], %swap3A_265 {strides = array<i32>} : memref<1x19x64x64xf32, #tpu.memory_space<vmem>>, vector<1x1x64x64xf32>,
    %slice3A_266 = vector.extract_strided_slice %select_n3A_40 {offsets = [8, 0], sizes = [1, 18432], strides = [1, 1]} : vector<19x18432xi32> to vector<1x18432xi32>
    %eq3A_267 = vector.broadcast %slice3A_266 : vector<1x18432xi32> to vector<64x18432xi32>
    %eq3A_268 = arith.cmpi eq, %eq3A_267, %iota3A_43 : vector<64x18432xi32>
    %convert_element_type3A_269 = arith.extui %eq3A_268 : vector<64x18432xi1> to vector<64x18432xi32>
    %convert_element_type3A_270 = arith.sitofp %convert_element_type3A_269 : vector<64x18432xi32> to vector<64x18432xf32>
    %convert_element_type3A_271 = arith.truncf %convert_element_type3A_270 : vector<64x18432xf32> to vector<64x18432xbf16>
    %slice3A_272 = vector.extract_strided_slice %and3A_42 {offsets = [8, 0], sizes = [1, 18432], strides = [1, 1]} : vector<19x18432xi32> to vector<1x18432xi32>
    %eq3A_273 = vector.broadcast %slice3A_272 : vector<1x18432xi32> to vector<64x18432xi32>
    %eq3A_274 = arith.cmpi eq, %eq3A_273, %iota3A_44 : vector<64x18432xi32>
    %convert_element_type3A_275 = arith.extui %eq3A_274 : vector<64x18432xi1> to vector<64x18432xi32>
    %convert_element_type3A_276 = arith.sitofp %convert_element_type3A_275 : vector<64x18432xi32> to vector<64x18432xf32>
    %convert_element_type3A_277 = arith.truncf %convert_element_type3A_276 : vector<64x18432xf32> to vector<64x18432xbf16>
    %dot_general3A_278 = arith.constant dense<0.000000e+00> : vector<64x64xf32>
    %dot_general3A_279 = tpu.matmul %convert_element_type3A_271, %convert_element_type3A_277, %dot_general3A_278 {dimension_numbers = #tpu.dot_dimension_numbers<[1], [1], [0], [0], [0, 0, 1, 0], [], []>, transpose_lhs_hint = false} : vector<64x18432xbf16>, vector<64x18432xbf16>, vector<64x64xf32> -> vector<64x64xf32>
    %get3A_280 = arith.constant 0 : index
    %get3A_281 = arith.constant 8 : index
    %get3A_282 = arith.constant 0 : index
    %get3A_283 = arith.constant 0 : index
    %get3A_284 = vector.load %arg5[%get3A_280, %get3A_281, %get3A_282, %get3A_283] : memref<1x19x64x64xf32, #tpu.memory_space<vmem>>, vector<1x1x64x64xf32>
    %get3A_285 = vector.shape_cast %get3A_284 : vector<1x1x64x64xf32> to vector<64x64xf32>
    %add3A_286 = arith.addf %get3A_285, %dot_general3A_279 : vector<64x64xf32>
    %swap3A_287 = arith.constant 0 : index
    %swap3A_288 = arith.constant 8 : index
    %swap3A_289 = arith.constant 0 : index
    %swap3A_290 = arith.constant 0 : index
    %swap3A_291 = vector.load %arg5[%swap3A_287, %swap3A_288, %swap3A_289, %swap3A_290] : memref<1x19x64x64xf32, #tpu.memory_space<vmem>>, vector<1x1x64x64xf32>
    %swap3A_292 = vector.shape_cast %swap3A_291 : vector<1x1x64x64xf32> to vector<64x64xf32>
    %swap3A_293 = vector.shape_cast %add3A_286 : vector<64x64xf32> to vector<1x1x64x64xf32>
    tpu.vector_store %arg5[%swap3A_287, %swap3A_288, %swap3A_289, %swap3A_290], %swap3A_293 {strides = array<i32>} : memref<1x19x64x64xf32, #tpu.memory_space<vmem>>, vector<1x1x64x64xf32>,
    %slice3A_294 = vector.extract_strided_slice %select_n3A_40 {offsets = [9, 0], sizes = [1, 18432], strides = [1, 1]} : vector<19x18432xi32> to vector<1x18432xi32>
    %eq3A_295 = vector.broadcast %slice3A_294 : vector<1x18432xi32> to vector<64x18432xi32>
    %eq3A_296 = arith.cmpi eq, %eq3A_295, %iota3A_43 : vector<64x18432xi32>
    %convert_element_type3A_297 = arith.extui %eq3A_296 : vector<64x18432xi1> to vector<64x18432xi32>
    %convert_element_type3A_298 = arith.sitofp %convert_element_type3A_297 : vector<64x18432xi32> to vector<64x18432xf32>
    %convert_element_type3A_299 = arith.truncf %convert_element_type3A_298 : vector<64x18432xf32> to vector<64x18432xbf16>
    %slice3A_300 = vector.extract_strided_slice %and3A_42 {offsets = [9, 0], sizes = [1, 18432], strides = [1, 1]} : vector<19x18432xi32> to vector<1x18432xi32>
    %eq3A_301 = vector.broadcast %slice3A_300 : vector<1x18432xi32> to vector<64x18432xi32>
    %eq3A_302 = arith.cmpi eq, %eq3A_301, %iota3A_44 : vector<64x18432xi32>
    %convert_element_type3A_303 = arith.extui %eq3A_302 : vector<64x18432xi1> to vector<64x18432xi32>
    %convert_element_type3A_304 = arith.sitofp %convert_element_type3A_303 : vector<64x18432xi32> to vector<64x18432xf32>
    %convert_element_type3A_305 = arith.truncf %convert_element_type3A_304 : vector<64x18432xf32> to vector<64x18432xbf16>
    %dot_general3A_306 = arith.constant dense<0.000000e+00> : vector<64x64xf32>
    %dot_general3A_307 = tpu.matmul %convert_element_type3A_299, %convert_element_type3A_305, %dot_general3A_306 {dimension_numbers = #tpu.dot_dimension_numbers<[1], [1], [0], [0], [0, 0, 1, 0], [], []>, transpose_lhs_hint = false} : vector<64x18432xbf16>, vector<64x18432xbf16>, vector<64x64xf32> -> vector<64x64xf32>
    %get3A_308 = arith.constant 0 : index
    %get3A_309 = arith.constant 9 : index
    %get3A_310 = arith.constant 0 : index
    %get3A_311 = arith.constant 0 : index
    %get3A_312 = vector.load %arg5[%get3A_308, %get3A_309, %get3A_310, %get3A_311] : memref<1x19x64x64xf32, #tpu.memory_space<vmem>>, vector<1x1x64x64xf32>
    %get3A_313 = vector.shape_cast %get3A_312 : vector<1x1x64x64xf32> to vector<64x64xf32>
    %add3A_314 = arith.addf %get3A_313, %dot_general3A_307 : vector<64x64xf32>
    %swap3A_315 = arith.constant 0 : index
    %swap3A_316 = arith.constant 9 : index
    %swap3A_317 = arith.constant 0 : index
    %swap3A_318 = arith.constant 0 : index
    %swap3A_319 = vector.load %arg5[%swap3A_315, %swap3A_316, %swap3A_317, %swap3A_318] : memref<1x19x64x64xf32, #tpu.memory_space<vmem>>, vector<1x1x64x64xf32>
    %swap3A_320 = vector.shape_cast %swap3A_319 : vector<1x1x64x64xf32> to vector<64x64xf32>
    %swap3A_321 = vector.shape_cast %add3A_314 : vector<64x64xf32> to vector<1x1x64x64xf32>
    tpu.vector_store %arg5[%swap3A_315, %swap3A_316, %swap3A_317, %swap3A_318], %swap3A_321 {strides = array<i32>} : memref<1x19x64x64xf32, #tpu.memory_space<vmem>>, vector<1x1x64x64xf32>,
    %slice3A_322 = vector.extract_strided_slice %select_n3A_40 {offsets = [10, 0], sizes = [1, 18432], strides = [1, 1]} : vector<19x18432xi32> to vector<1x18432xi32>
    %eq3A_323 = vector.broadcast %slice3A_322 : vector<1x18432xi32> to vector<64x18432xi32>
    %eq3A_324 = arith.cmpi eq, %eq3A_323, %iota3A_43 : vector<64x18432xi32>
    %convert_element_type3A_325 = arith.extui %eq3A_324 : vector<64x18432xi1> to vector<64x18432xi32>
    %convert_element_type3A_326 = arith.sitofp %convert_element_type3A_325 : vector<64x18432xi32> to vector<64x18432xf32>
    %convert_element_type3A_327 = arith.truncf %convert_element_type3A_326 : vector<64x18432xf32> to vector<64x18432xbf16>
    %slice3A_328 = vector.extract_strided_slice %and3A_42 {offsets = [10, 0], sizes = [1, 18432], strides = [1, 1]} : vector<19x18432xi32> to vector<1x18432xi32>
    %eq3A_329 = vector.broadcast %slice3A_328 : vector<1x18432xi32> to vector<64x18432xi32>
    %eq3A_330 = arith.cmpi eq, %eq3A_329, %iota3A_44 : vector<64x18432xi32>
    %convert_element_type3A_331 = arith.extui %eq3A_330 : vector<64x18432xi1> to vector<64x18432xi32>
    %convert_element_type3A_332 = arith.sitofp %convert_element_type3A_331 : vector<64x18432xi32> to vector<64x18432xf32>
    %convert_element_type3A_333 = arith.truncf %convert_element_type3A_332 : vector<64x18432xf32> to vector<64x18432xbf16>
    %dot_general3A_334 = arith.constant dense<0.000000e+00> : vector<64x64xf32>
    %dot_general3A_335 = tpu.matmul %convert_element_type3A_327, %convert_element_type3A_333, %dot_general3A_334 {dimension_numbers = #tpu.dot_dimension_numbers<[1], [1], [0], [0], [0, 0, 1, 0], [], []>, transpose_lhs_hint = false} : vector<64x18432xbf16>, vector<64x18432xbf16>, vector<64x64xf32> -> vector<64x64xf32>
    %get3A_336 = arith.constant 0 : index
    %get3A_337 = arith.constant 10 : index
    %get3A_338 = arith.constant 0 : index
    %get3A_339 = arith.constant 0 : index
    %get3A_340 = vector.load %arg5[%get3A_336, %get3A_337, %get3A_338, %get3A_339] : memref<1x19x64x64xf32, #tpu.memory_space<vmem>>, vector<1x1x64x64xf32>
    %get3A_341 = vector.shape_cast %get3A_340 : vector<1x1x64x64xf32> to vector<64x64xf32>
    %add3A_342 = arith.addf %get3A_341, %dot_general3A_335 : vector<64x64xf32>
    %swap3A_343 = arith.constant 0 : index
    %swap3A_344 = arith.constant 10 : index
    %swap3A_345 = arith.constant 0 : index
    %swap3A_346 = arith.constant 0 : index
    %swap3A_347 = vector.load %arg5[%swap3A_343, %swap3A_344, %swap3A_345, %swap3A_346] : memref<1x19x64x64xf32, #tpu.memory_space<vmem>>, vector<1x1x64x64xf32>
    %swap3A_348 = vector.shape_cast %swap3A_347 : vector<1x1x64x64xf32> to vector<64x64xf32>
    %swap3A_349 = vector.shape_cast %add3A_342 : vector<64x64xf32> to vector<1x1x64x64xf32>
    tpu.vector_store %arg5[%swap3A_343, %swap3A_344, %swap3A_345, %swap3A_346], %swap3A_349 {strides = array<i32>} : memref<1x19x64x64xf32, #tpu.memory_space<vmem>>, vector<1x1x64x64xf32>,
    %slice3A_350 = vector.extract_strided_slice %select_n3A_40 {offsets = [11, 0], sizes = [1, 18432], strides = [1, 1]} : vector<19x18432xi32> to vector<1x18432xi32>
    %eq3A_351 = vector.broadcast %slice3A_350 : vector<1x18432xi32> to vector<64x18432xi32>
    %eq3A_352 = arith.cmpi eq, %eq3A_351, %iota3A_43 : vector<64x18432xi32>
    %convert_element_type3A_353 = arith.extui %eq3A_352 : vector<64x18432xi1> to vector<64x18432xi32>
    %convert_element_type3A_354 = arith.sitofp %convert_element_type3A_353 : vector<64x18432xi32> to vector<64x18432xf32>
    %convert_element_type3A_355 = arith.truncf %convert_element_type3A_354 : vector<64x18432xf32> to vector<64x18432xbf16>
    %slice3A_356 = vector.extract_strided_slice %and3A_42 {offsets = [11, 0], sizes = [1, 18432], strides = [1, 1]} : vector<19x18432xi32> to vector<1x18432xi32>
    %eq3A_357 = vector.broadcast %slice3A_356 : vector<1x18432xi32> to vector<64x18432xi32>
    %eq3A_358 = arith.cmpi eq, %eq3A_357, %iota3A_44 : vector<64x18432xi32>
    %convert_element_type3A_359 = arith.extui %eq3A_358 : vector<64x18432xi1> to vector<64x18432xi32>
    %convert_element_type3A_360 = arith.sitofp %convert_element_type3A_359 : vector<64x18432xi32> to vector<64x18432xf32>
    %convert_element_type3A_361 = arith.truncf %convert_element_type3A_360 : vector<64x18432xf32> to vector<64x18432xbf16>
    %dot_general3A_362 = arith.constant dense<0.000000e+00> : vector<64x64xf32>
    %dot_general3A_363 = tpu.matmul %convert_element_type3A_355, %convert_element_type3A_361, %dot_general3A_362 {dimension_numbers = #tpu.dot_dimension_numbers<[1], [1], [0], [0], [0, 0, 1, 0], [], []>, transpose_lhs_hint = false} : vector<64x18432xbf16>, vector<64x18432xbf16>, vector<64x64xf32> -> vector<64x64xf32>
    %get3A_364 = arith.constant 0 : index
    %get3A_365 = arith.constant 11 : index
    %get3A_366 = arith.constant 0 : index
    %get3A_367 = arith.constant 0 : index
    %get3A_368 = vector.load %arg5[%get3A_364, %get3A_365, %get3A_366, %get3A_367] : memref<1x19x64x64xf32, #tpu.memory_space<vmem>>, vector<1x1x64x64xf32>
    %get3A_369 = vector.shape_cast %get3A_368 : vector<1x1x64x64xf32> to vector<64x64xf32>
    %add3A_370 = arith.addf %get3A_369, %dot_general3A_363 : vector<64x64xf32>
    %swap3A_371 = arith.constant 0 : index
    %swap3A_372 = arith.constant 11 : index
    %swap3A_373 = arith.constant 0 : index
    %swap3A_374 = arith.constant 0 : index
    %swap3A_375 = vector.load %arg5[%swap3A_371, %swap3A_372, %swap3A_373, %swap3A_374] : memref<1x19x64x64xf32, #tpu.memory_space<vmem>>, vector<1x1x64x64xf32>
    %swap3A_376 = vector.shape_cast %swap3A_375 : vector<1x1x64x64xf32> to vector<64x64xf32>
    %swap3A_377 = vector.shape_cast %add3A_370 : vector<64x64xf32> to vector<1x1x64x64xf32>
    tpu.vector_store %arg5[%swap3A_371, %swap3A_372, %swap3A_373, %swap3A_374], %swap3A_377 {strides = array<i32>} : memref<1x19x64x64xf32, #tpu.memory_space<vmem>>, vector<1x1x64x64xf32>,
    %slice3A_378 = vector.extract_strided_slice %select_n3A_40 {offsets = [12, 0], sizes = [1, 18432], strides = [1, 1]} : vector<19x18432xi32> to vector<1x18432xi32>
    %eq3A_379 = vector.broadcast %slice3A_378 : vector<1x18432xi32> to vector<64x18432xi32>
    %eq3A_380 = arith.cmpi eq, %eq3A_379, %iota3A_43 : vector<64x18432xi32>
    %convert_element_type3A_381 = arith.extui %eq3A_380 : vector<64x18432xi1> to vector<64x18432xi32>
    %convert_element_type3A_382 = arith.sitofp %convert_element_type3A_381 : vector<64x18432xi32> to vector<64x18432xf32>
    %convert_element_type3A_383 = arith.truncf %convert_element_type3A_382 : vector<64x18432xf32> to vector<64x18432xbf16>
    %slice3A_384 = vector.extract_strided_slice %and3A_42 {offsets = [12, 0], sizes = [1, 18432], strides = [1, 1]} : vector<19x18432xi32> to vector<1x18432xi32>
    %eq3A_385 = vector.broadcast %slice3A_384 : vector<1x18432xi32> to vector<64x18432xi32>
    %eq3A_386 = arith.cmpi eq, %eq3A_385, %iota3A_44 : vector<64x18432xi32>
    %convert_element_type3A_387 = arith.extui %eq3A_386 : vector<64x18432xi1> to vector<64x18432xi32>
    %convert_element_type3A_388 = arith.sitofp %convert_element_type3A_387 : vector<64x18432xi32> to vector<64x18432xf32>
    %convert_element_type3A_389 = arith.truncf %convert_element_type3A_388 : vector<64x18432xf32> to vector<64x18432xbf16>
    %dot_general3A_390 = arith.constant dense<0.000000e+00> : vector<64x64xf32>
    %dot_general3A_391 = tpu.matmul %convert_element_type3A_383, %convert_element_type3A_389, %dot_general3A_390 {dimension_numbers = #tpu.dot_dimension_numbers<[1], [1], [0], [0], [0, 0, 1, 0], [], []>, transpose_lhs_hint = false} : vector<64x18432xbf16>, vector<64x18432xbf16>, vector<64x64xf32> -> vector<64x64xf32>
    %get3A_392 = arith.constant 0 : index
    %get3A_393 = arith.constant 12 : index
    %get3A_394 = arith.constant 0 : index
    %get3A_395 = arith.constant 0 : index
    %get3A_396 = vector.load %arg5[%get3A_392, %get3A_393, %get3A_394, %get3A_395] : memref<1x19x64x64xf32, #tpu.memory_space<vmem>>, vector<1x1x64x64xf32>
    %get3A_397 = vector.shape_cast %get3A_396 : vector<1x1x64x64xf32> to vector<64x64xf32>
    %add3A_398 = arith.addf %get3A_397, %dot_general3A_391 : vector<64x64xf32>
    %swap3A_399 = arith.constant 0 : index
    %swap3A_400 = arith.constant 12 : index
    %swap3A_401 = arith.constant 0 : index
    %swap3A_402 = arith.constant 0 : index
    %swap3A_403 = vector.load %arg5[%swap3A_399, %swap3A_400, %swap3A_401, %swap3A_402] : memref<1x19x64x64xf32, #tpu.memory_space<vmem>>, vector<1x1x64x64xf32>
    %swap3A_404 = vector.shape_cast %swap3A_403 : vector<1x1x64x64xf32> to vector<64x64xf32>
    %swap3A_405 = vector.shape_cast %add3A_398 : vector<64x64xf32> to vector<1x1x64x64xf32>
    tpu.vector_store %arg5[%swap3A_399, %swap3A_400, %swap3A_401, %swap3A_402], %swap3A_405 {strides = array<i32>} : memref<1x19x64x64xf32, #tpu.memory_space<vmem>>, vector<1x1x64x64xf32>,
    %slice3A_406 = vector.extract_strided_slice %select_n3A_40 {offsets = [13, 0], sizes = [1, 18432], strides = [1, 1]} : vector<19x18432xi32> to vector<1x18432xi32>
    %eq3A_407 = vector.broadcast %slice3A_406 : vector<1x18432xi32> to vector<64x18432xi32>
    %eq3A_408 = arith.cmpi eq, %eq3A_407, %iota3A_43 : vector<64x18432xi32>
    %convert_element_type3A_409 = arith.extui %eq3A_408 : vector<64x18432xi1> to vector<64x18432xi32>
    %convert_element_type3A_410 = arith.sitofp %convert_element_type3A_409 : vector<64x18432xi32> to vector<64x18432xf32>
    %convert_element_type3A_411 = arith.truncf %convert_element_type3A_410 : vector<64x18432xf32> to vector<64x18432xbf16>
    %slice3A_412 = vector.extract_strided_slice %and3A_42 {offsets = [13, 0], sizes = [1, 18432], strides = [1, 1]} : vector<19x18432xi32> to vector<1x18432xi32>
    %eq3A_413 = vector.broadcast %slice3A_412 : vector<1x18432xi32> to vector<64x18432xi32>
    %eq3A_414 = arith.cmpi eq, %eq3A_413, %iota3A_44 : vector<64x18432xi32>
    %convert_element_type3A_415 = arith.extui %eq3A_414 : vector<64x18432xi1> to vector<64x18432xi32>
    %convert_element_type3A_416 = arith.sitofp %convert_element_type3A_415 : vector<64x18432xi32> to vector<64x18432xf32>
    %convert_element_type3A_417 = arith.truncf %convert_element_type3A_416 : vector<64x18432xf32> to vector<64x18432xbf16>
    %dot_general3A_418 = arith.constant dense<0.000000e+00> : vector<64x64xf32>
    %dot_general3A_419 = tpu.matmul %convert_element_type3A_411, %convert_element_type3A_417, %dot_general3A_418 {dimension_numbers = #tpu.dot_dimension_numbers<[1], [1], [0], [0], [0, 0, 1, 0], [], []>, transpose_lhs_hint = false} : vector<64x18432xbf16>, vector<64x18432xbf16>, vector<64x64xf32> -> vector<64x64xf32>
    %get3A_420 = arith.constant 0 : index
    %get3A_421 = arith.constant 13 : index
    %get3A_422 = arith.constant 0 : index
    %get3A_423 = arith.constant 0 : index
    %get3A_424 = vector.load %arg5[%get3A_420, %get3A_421, %get3A_422, %get3A_423] : memref<1x19x64x64xf32, #tpu.memory_space<vmem>>, vector<1x1x64x64xf32>
    %get3A_425 = vector.shape_cast %get3A_424 : vector<1x1x64x64xf32> to vector<64x64xf32>
    %add3A_426 = arith.addf %get3A_425, %dot_general3A_419 : vector<64x64xf32>
    %swap3A_427 = arith.constant 0 : index
    %swap3A_428 = arith.constant 13 : index
    %swap3A_429 = arith.constant 0 : index
    %swap3A_430 = arith.constant 0 : index
    %swap3A_431 = vector.load %arg5[%swap3A_427, %swap3A_428, %swap3A_429, %swap3A_430] : memref<1x19x64x64xf32, #tpu.memory_space<vmem>>, vector<1x1x64x64xf32>
    %swap3A_432 = vector.shape_cast %swap3A_431 : vector<1x1x64x64xf32> to vector<64x64xf32>
    %swap3A_433 = vector.shape_cast %add3A_426 : vector<64x64xf32> to vector<1x1x64x64xf32>
    tpu.vector_store %arg5[%swap3A_427, %swap3A_428, %swap3A_429, %swap3A_430], %swap3A_433 {strides = array<i32>} : memref<1x19x64x64xf32, #tpu.memory_space<vmem>>, vector<1x1x64x64xf32>,
    %slice3A_434 = vector.extract_strided_slice %select_n3A_40 {offsets = [14, 0], sizes = [1, 18432], strides = [1, 1]} : vector<19x18432xi32> to vector<1x18432xi32>
    %eq3A_435 = vector.broadcast %slice3A_434 : vector<1x18432xi32> to vector<64x18432xi32>
    %eq3A_436 = arith.cmpi eq, %eq3A_435, %iota3A_43 : vector<64x18432xi32>
    %convert_element_type3A_437 = arith.extui %eq3A_436 : vector<64x18432xi1> to vector<64x18432xi32>
    %convert_element_type3A_438 = arith.sitofp %convert_element_type3A_437 : vector<64x18432xi32> to vector<64x18432xf32>
    %convert_element_type3A_439 = arith.truncf %convert_element_type3A_438 : vector<64x18432xf32> to vector<64x18432xbf16>
    %slice3A_440 = vector.extract_strided_slice %and3A_42 {offsets = [14, 0], sizes = [1, 18432], strides = [1, 1]} : vector<19x18432xi32> to vector<1x18432xi32>
    %eq3A_441 = vector.broadcast %slice3A_440 : vector<1x18432xi32> to vector<64x18432xi32>
    %eq3A_442 = arith.cmpi eq, %eq3A_441, %iota3A_44 : vector<64x18432xi32>
    %convert_element_type3A_443 = arith.extui %eq3A_442 : vector<64x18432xi1> to vector<64x18432xi32>
    %convert_element_type3A_444 = arith.sitofp %convert_element_type3A_443 : vector<64x18432xi32> to vector<64x18432xf32>
    %convert_element_type3A_445 = arith.truncf %convert_element_type3A_444 : vector<64x18432xf32> to vector<64x18432xbf16>
    %dot_general3A_446 = arith.constant dense<0.000000e+00> : vector<64x64xf32>
    %dot_general3A_447 = tpu.matmul %convert_element_type3A_439, %convert_element_type3A_445, %dot_general3A_446 {dimension_numbers = #tpu.dot_dimension_numbers<[1], [1], [0], [0], [0, 0, 1, 0], [], []>, transpose_lhs_hint = false} : vector<64x18432xbf16>, vector<64x18432xbf16>, vector<64x64xf32> -> vector<64x64xf32>
    %get3A_448 = arith.constant 0 : index
    %get3A_449 = arith.constant 14 : index
    %get3A_450 = arith.constant 0 : index
    %get3A_451 = arith.constant 0 : index
    %get3A_452 = vector.load %arg5[%get3A_448, %get3A_449, %get3A_450, %get3A_451] : memref<1x19x64x64xf32, #tpu.memory_space<vmem>>, vector<1x1x64x64xf32>
    %get3A_453 = vector.shape_cast %get3A_452 : vector<1x1x64x64xf32> to vector<64x64xf32>
    %add3A_454 = arith.addf %get3A_453, %dot_general3A_447 : vector<64x64xf32>
    %swap3A_455 = arith.constant 0 : index
    %swap3A_456 = arith.constant 14 : index
    %swap3A_457 = arith.constant 0 : index
    %swap3A_458 = arith.constant 0 : index
    %swap3A_459 = vector.load %arg5[%swap3A_455, %swap3A_456, %swap3A_457, %swap3A_458] : memref<1x19x64x64xf32, #tpu.memory_space<vmem>>, vector<1x1x64x64xf32>
    %swap3A_460 = vector.shape_cast %swap3A_459 : vector<1x1x64x64xf32> to vector<64x64xf32>
    %swap3A_461 = vector.shape_cast %add3A_454 : vector<64x64xf32> to vector<1x1x64x64xf32>
    tpu.vector_store %arg5[%swap3A_455, %swap3A_456, %swap3A_457, %swap3A_458], %swap3A_461 {strides = array<i32>} : memref<1x19x64x64xf32, #tpu.memory_space<vmem>>, vector<1x1x64x64xf32>,
    %slice3A_462 = vector.extract_strided_slice %select_n3A_40 {offsets = [15, 0], sizes = [1, 18432], strides = [1, 1]} : vector<19x18432xi32> to vector<1x18432xi32>
    %eq3A_463 = vector.broadcast %slice3A_462 : vector<1x18432xi32> to vector<64x18432xi32>
    %eq3A_464 = arith.cmpi eq, %eq3A_463, %iota3A_43 : vector<64x18432xi32>
    %convert_element_type3A_465 = arith.extui %eq3A_464 : vector<64x18432xi1> to vector<64x18432xi32>
    %convert_element_type3A_466 = arith.sitofp %convert_element_type3A_465 : vector<64x18432xi32> to vector<64x18432xf32>
    %convert_element_type3A_467 = arith.truncf %convert_element_type3A_466 : vector<64x18432xf32> to vector<64x18432xbf16>
    %slice3A_468 = vector.extract_strided_slice %and3A_42 {offsets = [15, 0], sizes = [1, 18432], strides = [1, 1]} : vector<19x18432xi32> to vector<1x18432xi32>
    %eq3A_469 = vector.broadcast %slice3A_468 : vector<1x18432xi32> to vector<64x18432xi32>
    %eq3A_470 = arith.cmpi eq, %eq3A_469, %iota3A_44 : vector<64x18432xi32>
    %convert_element_type3A_471 = arith.extui %eq3A_470 : vector<64x18432xi1> to vector<64x18432xi32>
    %convert_element_type3A_472 = arith.sitofp %convert_element_type3A_471 : vector<64x18432xi32> to vector<64x18432xf32>
    %convert_element_type3A_473 = arith.truncf %convert_element_type3A_472 : vector<64x18432xf32> to vector<64x18432xbf16>
    %dot_general3A_474 = arith.constant dense<0.000000e+00> : vector<64x64xf32>
    %dot_general3A_475 = tpu.matmul %convert_element_type3A_467, %convert_element_type3A_473, %dot_general3A_474 {dimension_numbers = #tpu.dot_dimension_numbers<[1], [1], [0], [0], [0, 0, 1, 0], [], []>, transpose_lhs_hint = false} : vector<64x18432xbf16>, vector<64x18432xbf16>, vector<64x64xf32> -> vector<64x64xf32>
    %get3A_476 = arith.constant 0 : index
    %get3A_477 = arith.constant 15 : index
    %get3A_478 = arith.constant 0 : index
    %get3A_479 = arith.constant 0 : index
    %get3A_480 = vector.load %arg5[%get3A_476, %get3A_477, %get3A_478, %get3A_479] : memref<1x19x64x64xf32, #tpu.memory_space<vmem>>, vector<1x1x64x64xf32>
    %get3A_481 = vector.shape_cast %get3A_480 : vector<1x1x64x64xf32> to vector<64x64xf32>
    %add3A_482 = arith.addf %get3A_481, %dot_general3A_475 : vector<64x64xf32>
    %swap3A_483 = arith.constant 0 : index
    %swap3A_484 = arith.constant 15 : index
    %swap3A_485 = arith.constant 0 : index
    %swap3A_486 = arith.constant 0 : index
    %swap3A_487 = vector.load %arg5[%swap3A_483, %swap3A_484, %swap3A_485, %swap3A_486] : memref<1x19x64x64xf32, #tpu.memory_space<vmem>>, vector<1x1x64x64xf32>
    %swap3A_488 = vector.shape_cast %swap3A_487 : vector<1x1x64x64xf32> to vector<64x64xf32>
    %swap3A_489 = vector.shape_cast %add3A_482 : vector<64x64xf32> to vector<1x1x64x64xf32>
    tpu.vector_store %arg5[%swap3A_483, %swap3A_484, %swap3A_485, %swap3A_486], %swap3A_489 {strides = array<i32>} : memref<1x19x64x64xf32, #tpu.memory_space<vmem>>, vector<1x1x64x64xf32>,
    %slice3A_490 = vector.extract_strided_slice %select_n3A_40 {offsets = [16, 0], sizes = [1, 18432], strides = [1, 1]} : vector<19x18432xi32> to vector<1x18432xi32>
    %eq3A_491 = vector.broadcast %slice3A_490 : vector<1x18432xi32> to vector<64x18432xi32>
    %eq3A_492 = arith.cmpi eq, %eq3A_491, %iota3A_43 : vector<64x18432xi32>
    %convert_element_type3A_493 = arith.extui %eq3A_492 : vector<64x18432xi1> to vector<64x18432xi32>
    %convert_element_type3A_494 = arith.sitofp %convert_element_type3A_493 : vector<64x18432xi32> to vector<64x18432xf32>
    %convert_element_type3A_495 = arith.truncf %convert_element_type3A_494 : vector<64x18432xf32> to vector<64x18432xbf16>
    %slice3A_496 = vector.extract_strided_slice %and3A_42 {offsets = [16, 0], sizes = [1, 18432], strides = [1, 1]} : vector<19x18432xi32> to vector<1x18432xi32>
    %eq3A_497 = vector.broadcast %slice3A_496 : vector<1x18432xi32> to vector<64x18432xi32>
    %eq3A_498 = arith.cmpi eq, %eq3A_497, %iota3A_44 : vector<64x18432xi32>
    %convert_element_type3A_499 = arith.extui %eq3A_498 : vector<64x18432xi1> to vector<64x18432xi32>
    %convert_element_type3A_500 = arith.sitofp %convert_element_type3A_499 : vector<64x18432xi32> to vector<64x18432xf32>
    %convert_element_type3A_501 = arith.truncf %convert_element_type3A_500 : vector<64x18432xf32> to vector<64x18432xbf16>
    %dot_general3A_502 = arith.constant dense<0.000000e+00> : vector<64x64xf32>
    %dot_general3A_503 = tpu.matmul %convert_element_type3A_495, %convert_element_type3A_501, %dot_general3A_502 {dimension_numbers = #tpu.dot_dimension_numbers<[1], [1], [0], [0], [0, 0, 1, 0], [], []>, transpose_lhs_hint = false} : vector<64x18432xbf16>, vector<64x18432xbf16>, vector<64x64xf32> -> vector<64x64xf32>
    %get3A_504 = arith.constant 0 : index
    %get3A_505 = arith.constant 16 : index
    %get3A_506 = arith.constant 0 : index
    %get3A_507 = arith.constant 0 : index
    %get3A_508 = vector.load %arg5[%get3A_504, %get3A_505, %get3A_506, %get3A_507] : memref<1x19x64x64xf32, #tpu.memory_space<vmem>>, vector<1x1x64x64xf32>
    %get3A_509 = vector.shape_cast %get3A_508 : vector<1x1x64x64xf32> to vector<64x64xf32>
    %add3A_510 = arith.addf %get3A_509, %dot_general3A_503 : vector<64x64xf32>
    %swap3A_511 = arith.constant 0 : index
    %swap3A_512 = arith.constant 16 : index
    %swap3A_513 = arith.constant 0 : index
    %swap3A_514 = arith.constant 0 : index
    %swap3A_515 = vector.load %arg5[%swap3A_511, %swap3A_512, %swap3A_513, %swap3A_514] : memref<1x19x64x64xf32, #tpu.memory_space<vmem>>, vector<1x1x64x64xf32>
    %swap3A_516 = vector.shape_cast %swap3A_515 : vector<1x1x64x64xf32> to vector<64x64xf32>
    %swap3A_517 = vector.shape_cast %add3A_510 : vector<64x64xf32> to vector<1x1x64x64xf32>
    tpu.vector_store %arg5[%swap3A_511, %swap3A_512, %swap3A_513, %swap3A_514], %swap3A_517 {strides = array<i32>} : memref<1x19x64x64xf32, #tpu.memory_space<vmem>>, vector<1x1x64x64xf32>,
    %slice3A_518 = vector.extract_strided_slice %select_n3A_40 {offsets = [17, 0], sizes = [1, 18432], strides = [1, 1]} : vector<19x18432xi32> to vector<1x18432xi32>
    %eq3A_519 = vector.broadcast %slice3A_518 : vector<1x18432xi32> to vector<64x18432xi32>
    %eq3A_520 = arith.cmpi eq, %eq3A_519, %iota3A_43 : vector<64x18432xi32>
    %convert_element_type3A_521 = arith.extui %eq3A_520 : vector<64x18432xi1> to vector<64x18432xi32>
    %convert_element_type3A_522 = arith.sitofp %convert_element_type3A_521 : vector<64x18432xi32> to vector<64x18432xf32>
    %convert_element_type3A_523 = arith.truncf %convert_element_type3A_522 : vector<64x18432xf32> to vector<64x18432xbf16>
    %slice3A_524 = vector.extract_strided_slice %and3A_42 {offsets = [17, 0], sizes = [1, 18432], strides = [1, 1]} : vector<19x18432xi32> to vector<1x18432xi32>
    %eq3A_525 = vector.broadcast %slice3A_524 : vector<1x18432xi32> to vector<64x18432xi32>
    %eq3A_526 = arith.cmpi eq, %eq3A_525, %iota3A_44 : vector<64x18432xi32>
    %convert_element_type3A_527 = arith.extui %eq3A_526 : vector<64x18432xi1> to vector<64x18432xi32>
    %convert_element_type3A_528 = arith.sitofp %convert_element_type3A_527 : vector<64x18432xi32> to vector<64x18432xf32>
    %convert_element_type3A_529 = arith.truncf %convert_element_type3A_528 : vector<64x18432xf32> to vector<64x18432xbf16>
    %dot_general3A_530 = arith.constant dense<0.000000e+00> : vector<64x64xf32>
    %dot_general3A_531 = tpu.matmul %convert_element_type3A_523, %convert_element_type3A_529, %dot_general3A_530 {dimension_numbers = #tpu.dot_dimension_numbers<[1], [1], [0], [0], [0, 0, 1, 0], [], []>, transpose_lhs_hint = false} : vector<64x18432xbf16>, vector<64x18432xbf16>, vector<64x64xf32> -> vector<64x64xf32>
    %get3A_532 = arith.constant 0 : index
    %get3A_533 = arith.constant 17 : index
    %get3A_534 = arith.constant 0 : index
    %get3A_535 = arith.constant 0 : index
    %get3A_536 = vector.load %arg5[%get3A_532, %get3A_533, %get3A_534, %get3A_535] : memref<1x19x64x64xf32, #tpu.memory_space<vmem>>, vector<1x1x64x64xf32>
    %get3A_537 = vector.shape_cast %get3A_536 : vector<1x1x64x64xf32> to vector<64x64xf32>
    %add3A_538 = arith.addf %get3A_537, %dot_general3A_531 : vector<64x64xf32>
    %swap3A_539 = arith.constant 0 : index
    %swap3A_540 = arith.constant 17 : index
    %swap3A_541 = arith.constant 0 : index
    %swap3A_542 = arith.constant 0 : index
    %swap3A_543 = vector.load %arg5[%swap3A_539, %swap3A_540, %swap3A_541, %swap3A_542] : memref<1x19x64x64xf32, #tpu.memory_space<vmem>>, vector<1x1x64x64xf32>
    %swap3A_544 = vector.shape_cast %swap3A_543 : vector<1x1x64x64xf32> to vector<64x64xf32>
    %swap3A_545 = vector.shape_cast %add3A_538 : vector<64x64xf32> to vector<1x1x64x64xf32>
    tpu.vector_store %arg5[%swap3A_539, %swap3A_540, %swap3A_541, %swap3A_542], %swap3A_545 {strides = array<i32>} : memref<1x19x64x64xf32, #tpu.memory_space<vmem>>, vector<1x1x64x64xf32>,
    %slice3A_546 = vector.extract_strided_slice %select_n3A_40 {offsets = [18, 0], sizes = [1, 18432], strides = [1, 1]} : vector<19x18432xi32> to vector<1x18432xi32>
    %eq3A_547 = vector.broadcast %slice3A_546 : vector<1x18432xi32> to vector<64x18432xi32>
    %eq3A_548 = arith.cmpi eq, %eq3A_547, %iota3A_43 : vector<64x18432xi32>
    %convert_element_type3A_549 = arith.extui %eq3A_548 : vector<64x18432xi1> to vector<64x18432xi32>
    %convert_element_type3A_550 = arith.sitofp %convert_element_type3A_549 : vector<64x18432xi32> to vector<64x18432xf32>
    %convert_element_type3A_551 = arith.truncf %convert_element_type3A_550 : vector<64x18432xf32> to vector<64x18432xbf16>
    %slice3A_552 = vector.extract_strided_slice %and3A_42 {offsets = [18, 0], sizes = [1, 18432], strides = [1, 1]} : vector<19x18432xi32> to vector<1x18432xi32>
    %eq3A_553 = vector.broadcast %slice3A_552 : vector<1x18432xi32> to vector<64x18432xi32>
    %eq3A_554 = arith.cmpi eq, %eq3A_553, %iota3A_44 : vector<64x18432xi32>
    %convert_element_type3A_555 = arith.extui %eq3A_554 : vector<64x18432xi1> to vector<64x18432xi32>
    %convert_element_type3A_556 = arith.sitofp %convert_element_type3A_555 : vector<64x18432xi32> to vector<64x18432xf32>
    %convert_element_type3A_557 = arith.truncf %convert_element_type3A_556 : vector<64x18432xf32> to vector<64x18432xbf16>
    %dot_general3A_558 = arith.constant dense<0.000000e+00> : vector<64x64xf32>
    %dot_general3A_559 = tpu.matmul %convert_element_type3A_551, %convert_element_type3A_557, %dot_general3A_558 {dimension_numbers = #tpu.dot_dimension_numbers<[1], [1], [0], [0], [0, 0, 1, 0], [], []>, transpose_lhs_hint = false} : vector<64x18432xbf16>, vector<64x18432xbf16>, vector<64x64xf32> -> vector<64x64xf32>
    %get3A_560 = arith.constant 0 : index
    %get3A_561 = arith.constant 18 : index
    %get3A_562 = arith.constant 0 : index
    %get3A_563 = arith.constant 0 : index
    %get3A_564 = vector.load %arg5[%get3A_560, %get3A_561, %get3A_562, %get3A_563] : memref<1x19x64x64xf32, #tpu.memory_space<vmem>>, vector<1x1x64x64xf32>
    %get3A_565 = vector.shape_cast %get3A_564 : vector<1x1x64x64xf32> to vector<64x64xf32>
    %add3A_566 = arith.addf %get3A_565, %dot_general3A_559 : vector<64x64xf32>
    %swap3A_567 = arith.constant 0 : index
    %swap3A_568 = arith.constant 18 : index
    %swap3A_569 = arith.constant 0 : index
    %swap3A_570 = arith.constant 0 : index
    %swap3A_571 = vector.load %arg5[%swap3A_567, %swap3A_568, %swap3A_569, %swap3A_570] : memref<1x19x64x64xf32, #tpu.memory_space<vmem>>, vector<1x1x64x64xf32>
    %swap3A_572 = vector.shape_cast %swap3A_571 : vector<1x1x64x64xf32> to vector<64x64xf32>
    %swap3A_573 = vector.shape_cast %add3A_566 : vector<64x64xf32> to vector<1x1x64x64xf32>
    tpu.vector_store %arg5[%swap3A_567, %swap3A_568, %swap3A_569, %swap3A_570], %swap3A_573 {strides = array<i32>} : memref<1x19x64x64xf32, #tpu.memory_space<vmem>>, vector<1x1x64x64xf32>,
    return
  }
  func.func @transform_0(%arg0: i32, %arg1: i32) -> (i32, i32) {
    %c0_i32 = arith.constant 0 : i32
    %c0_i32_0 = arith.constant 0 : i32
    %c0_i32_1 = arith.constant 0 : i32
    return %c0_i32, %c0_i32_0 : i32, i32
  }
  func.func @transform_1(%arg0: i32, %arg1: i32) -> (i32, i32, i32) {
    %add3A = arith.constant 5 : i32
    %add3A_0 = arith.addi %arg1, %add3A : i32
    %c0_i32 = arith.constant 0 : i32
    %c0_i32_1 = arith.constant 0 : i32
    return %arg0, %c0_i32, %add3A_0 : i32, i32, i32
  }
  func.func @transform_2(%arg0: i32, %arg1: i32) -> (i32, i32, i32) {
    %add3A = arith.constant 5 : i32
    %add3A_0 = arith.addi %arg1, %add3A : i32
    %c0_i32 = arith.constant 0 : i32
    %c0_i32_1 = arith.constant 0 : i32
    return %arg0, %c0_i32, %add3A_0 : i32, i32, i32
  }
  func.func @transform_3(%arg0: i32, %arg1: i32) -> (i32, i32, i32, i32) {
    %c0_i32 = arith.constant 0 : i32
    %c0_i32_0 = arith.constant 0 : i32
    %c0_i32_1 = arith.constant 0 : i32
    %c0_i32_2 = arith.constant 0 : i32
    return %arg0, %c0_i32, %c0_i32_0, %c0_i32_1 : i32, i32, i32, i32
  }
}

module attributes {stable_mosaic.version = 14 : i64} {
  func.func @_reduce_kernel(%arg0: memref<1x1xf32, #tpu.memory_space<smem>>, %arg1: memref<2x19x2x32x64xf32, #tpu.memory_space<vmem>>, %arg2: memref<2x19x2x32x64xf32, #tpu.memory_space<vmem>>, %arg3: memref<1x1xf32, #tpu.memory_space<vmem>>) attributes {dimension_semantics = [], scalar_prefetch = 0 : i64, scratch_operands = 0 : i64, tpu.core_type = #tpu.core_type<tc>} {
    %iota3A = tpu.iota {dimensions = array<i32: 0>} : vector<64x64xi32>
    %iota3A_0 = tpu.iota {dimensions = array<i32: 1>} : vector<64x64xi32>
    %le3A = arith.cmpi sle, %iota3A, %iota3A_0 : vector<64x64xi32>
    %convert_element_type3A = arith.extui %le3A : vector<64x64xi1> to vector<64x64xi32>
    %convert_element_type3A_1 = arith.sitofp %convert_element_type3A : vector<64x64xi32> to vector<64x64xf32>
    %broadcast_in_dim3A = arith.constant 1.000000e+00 : f32
    %broadcast_in_dim3A_2 = vector.broadcast %broadcast_in_dim3A : f32 to vector<64x64xf32>
    %iota3A_3 = tpu.iota {dimensions = array<i32: 0>} : vector<32x32xi32>
    %iota3A_4 = tpu.iota {dimensions = array<i32: 1>} : vector<32x32xi32>
    %lt3A = arith.cmpi slt, %iota3A_4, %iota3A_3 : vector<32x32xi32>
    %convert_element_type3A_5 = arith.extui %lt3A : vector<32x32xi1> to vector<32x32xi32>
    %convert_element_type3A_6 = arith.sitofp %convert_element_type3A_5 : vector<32x32xi32> to vector<32x32xf32>
    %iota3A_7 = tpu.iota {dimensions = array<i32: 0>} : vector<32x64xi32>
    %mul3A = arith.constant 64 : i32
    %mul3A_8 = vector.broadcast %mul3A : i32 to vector<32x64xi32>
    %mul3A_9 = arith.muli %iota3A_7, %mul3A_8 : vector<32x64xi32>
    %iota3A_10 = tpu.iota {dimensions = array<i32: 1>} : vector<32x64xi32>
    %add3A = arith.addi %mul3A_9, %iota3A_10 : vector<32x64xi32>
    %convert_element_type3A_11 = arith.sitofp %add3A : vector<32x64xi32> to vector<32x64xf32>
    %add3A_12 = arith.constant 5.000000e-01 : f32
    %add3A_13 = vector.broadcast %add3A_12 : f32 to vector<32x64xf32>
    %add3A_14 = arith.addf %convert_element_type3A_11, %add3A_13 : vector<32x64xf32>
    %div3A = arith.constant 2.048000e+03 : f32
    %div3A_15 = vector.broadcast %div3A : f32 to vector<32x64xf32>
    %div3A_16 = arith.divf %add3A_14, %div3A_15 : vector<32x64xf32>
    %sub3A = arith.constant 1.000000e+00 : f32
    %sub3A_17 = vector.broadcast %sub3A : f32 to vector<32x64xf32>
    %sub3A_18 = arith.subf %sub3A_17, %div3A_16 : vector<32x64xf32>
    %get3A = arith.constant 0 : index
    %get3A_19 = arith.constant 0 : index
    %get3A_20 = memref.load %arg0[%get3A, %get3A_19] : memref<1x1xf32, #tpu.memory_space<smem>>
    %div3A_21 = vector.broadcast %get3A_20 : f32 to vector<32x64xf32>
    %div3A_22 = arith.divf %sub3A_18, %div3A_21 : vector<32x64xf32>
    %get3A_23 = arith.constant 0 : index
    %get3A_24 = arith.constant 0 : index
    %get3A_25 = arith.constant 0 : index
    %get3A_26 = arith.constant 0 : index
    %get3A_27 = arith.constant 0 : index
    %get3A_28 = vector.load %arg1[%get3A_23, %get3A_24, %get3A_25, %get3A_26, %get3A_27] : memref<2x19x2x32x64xf32, #tpu.memory_space<vmem>>, vector<1x1x2x32x64xf32>
    %get3A_29 = vector.shape_cast %get3A_28 : vector<1x1x2x32x64xf32> to vector<2x32x64xf32>
    %get3A_30 = arith.constant 1 : index
    %get3A_31 = arith.constant 0 : index
    %get3A_32 = arith.constant 0 : index
    %get3A_33 = arith.constant 0 : index
    %get3A_34 = arith.constant 0 : index
    %get3A_35 = vector.load %arg1[%get3A_30, %get3A_31, %get3A_32, %get3A_33, %get3A_34] : memref<2x19x2x32x64xf32, #tpu.memory_space<vmem>>, vector<1x1x2x32x64xf32>
    %get3A_36 = vector.shape_cast %get3A_35 : vector<1x1x2x32x64xf32> to vector<2x32x64xf32>
    %add3A_37 = arith.addf %get3A_29, %get3A_36 : vector<2x32x64xf32>
    %get3A_38 = arith.constant 0 : index
    %get3A_39 = arith.constant 0 : index
    %get3A_40 = arith.constant 0 : index
    %get3A_41 = arith.constant 0 : index
    %get3A_42 = arith.constant 0 : index
    %get3A_43 = vector.load %arg2[%get3A_38, %get3A_39, %get3A_40, %get3A_41, %get3A_42] : memref<2x19x2x32x64xf32, #tpu.memory_space<vmem>>, vector<1x1x2x32x64xf32>
    %get3A_44 = vector.shape_cast %get3A_43 : vector<1x1x2x32x64xf32> to vector<2x32x64xf32>
    %add3A_45 = arith.addf %add3A_37, %get3A_44 : vector<2x32x64xf32>
    %get3A_46 = arith.constant 1 : index
    %get3A_47 = arith.constant 0 : index
    %get3A_48 = arith.constant 0 : index
    %get3A_49 = arith.constant 0 : index
    %get3A_50 = arith.constant 0 : index
    %get3A_51 = vector.load %arg2[%get3A_46, %get3A_47, %get3A_48, %get3A_49, %get3A_50] : memref<2x19x2x32x64xf32, #tpu.memory_space<vmem>>, vector<1x1x2x32x64xf32>
    %get3A_52 = vector.shape_cast %get3A_51 : vector<1x1x2x32x64xf32> to vector<2x32x64xf32>
    %add3A_53 = arith.addf %add3A_45, %get3A_52 : vector<2x32x64xf32>
    %slice3A = vector.extract_strided_slice %add3A_53 {offsets = [1, 0, 0], sizes = [1, 32, 64], strides = [1, 1, 1]} : vector<2x32x64xf32> to vector<1x32x64xf32>
    %squeeze3A = vector.shape_cast %slice3A : vector<1x32x64xf32> to vector<32x64xf32>
    %slice3A_54 = vector.extract_strided_slice %add3A_53 {offsets = [0, 0, 0], sizes = [1, 32, 64], strides = [1, 1, 1]} : vector<2x32x64xf32> to vector<1x32x64xf32>
    %squeeze3A_55 = vector.shape_cast %slice3A_54 : vector<1x32x64xf32> to vector<32x64xf32>
    %add3A_56 = arith.addf %squeeze3A_55, %squeeze3A : vector<32x64xf32>
    %dot_general3A = arith.constant dense<0.000000e+00> : vector<32x64xf32>
    %dot_general3A_57 = tpu.matmul %add3A_56, %convert_element_type3A_1, %dot_general3A {dimension_numbers = #tpu.dot_dimension_numbers<[1], [0], [0], [1], [0, 0, 1, 1], [], []>, transpose_lhs_hint = false} : vector<32x64xf32>, vector<64x64xf32>, vector<32x64xf32> -> vector<32x64xf32>
    %dot_general3A_58 = arith.constant dense<0.000000e+00> : vector<32x64xf32>
    %dot_general3A_59 = tpu.matmul %add3A_56, %broadcast_in_dim3A_2, %dot_general3A_58 {dimension_numbers = #tpu.dot_dimension_numbers<[1], [0], [0], [1], [0, 0, 1, 1], [], []>, transpose_lhs_hint = false} : vector<32x64xf32>, vector<64x64xf32>, vector<32x64xf32> -> vector<32x64xf32>
    %dot_general3A_60 = arith.constant dense<0.000000e+00> : vector<32x64xf32>
    %dot_general3A_61 = tpu.matmul %convert_element_type3A_6, %dot_general3A_59, %dot_general3A_60 {dimension_numbers = #tpu.dot_dimension_numbers<[1], [0], [0], [1], [0, 0, 1, 1], [], []>, transpose_lhs_hint = false} : vector<32x32xf32>, vector<32x64xf32>, vector<32x64xf32> -> vector<32x64xf32>
    %add3A_62 = arith.addf %dot_general3A_57, %dot_general3A_61 : vector<32x64xf32>
    %dot_general3A_63 = arith.constant dense<0.000000e+00> : vector<32x64xf32>
    %dot_general3A_64 = tpu.matmul %squeeze3A, %convert_element_type3A_1, %dot_general3A_63 {dimension_numbers = #tpu.dot_dimension_numbers<[1], [0], [0], [1], [0, 0, 1, 1], [], []>, transpose_lhs_hint = false} : vector<32x64xf32>, vector<64x64xf32>, vector<32x64xf32> -> vector<32x64xf32>
    %dot_general3A_65 = arith.constant dense<0.000000e+00> : vector<32x64xf32>
    %dot_general3A_66 = tpu.matmul %squeeze3A, %broadcast_in_dim3A_2, %dot_general3A_65 {dimension_numbers = #tpu.dot_dimension_numbers<[1], [0], [0], [1], [0, 0, 1, 1], [], []>, transpose_lhs_hint = false} : vector<32x64xf32>, vector<64x64xf32>, vector<32x64xf32> -> vector<32x64xf32>
    %dot_general3A_67 = arith.constant dense<0.000000e+00> : vector<32x64xf32>
    %dot_general3A_68 = tpu.matmul %convert_element_type3A_6, %dot_general3A_66, %dot_general3A_67 {dimension_numbers = #tpu.dot_dimension_numbers<[1], [0], [0], [1], [0, 0, 1, 1], [], []>, transpose_lhs_hint = false} : vector<32x32xf32>, vector<32x64xf32>, vector<32x64xf32> -> vector<32x64xf32>
    %add3A_69 = arith.addf %dot_general3A_64, %dot_general3A_68 : vector<32x64xf32>
    %reduce_sum3A = vector.shape_cast %squeeze3A : vector<32x64xf32> to vector<1x32x64xf32>
    %reduce_sum3A_70 = arith.constant dense<0.000000e+00> : vector<1xf32>
    %reduce_sum3A_71 = vector.multi_reduction <add>, %reduce_sum3A, %reduce_sum3A_70 [1, 2] : vector<1x32x64xf32> to vector<1xf32>
    %reduce_sum3A_72 = vector.shape_cast %reduce_sum3A_71 : vector<1xf32> to vector<1x1x1xf32>
    %reduce_sum3A_73 = vector.extract %reduce_sum3A_72[0, 0, 0] : f32 from vector<1x1x1xf32>
    %add3A_74 = vector.broadcast %reduce_sum3A_73 : f32 to vector<32x64xf32>
    %add3A_75 = arith.addf %add3A_74, %add3A_62 : vector<32x64xf32>
    %sub3A_76 = arith.subf %add3A_75, %add3A_69 : vector<32x64xf32>
    %max3A = arith.constant 1.000000e+00 : f32
    %max3A_77 = vector.broadcast %max3A : f32 to vector<32x64xf32>
    %max3A_78 = arith.maximumf %sub3A_76, %max3A_77 : vector<32x64xf32>
    %gt3A = arith.constant 5.000000e-01 : f32
    %gt3A_79 = vector.broadcast %gt3A : f32 to vector<32x64xf32>
    %gt3A_80 = arith.cmpf ogt, %add3A_62, %gt3A_79 : vector<32x64xf32>
    %sub3A_81 = vector.broadcast %reduce_sum3A_73 : f32 to vector<32x64xf32>
    %sub3A_82 = arith.subf %sub3A_81, %add3A_69 : vector<32x64xf32>
    %div3A_83 = arith.divf %sub3A_82, %max3A_78 : vector<32x64xf32>
    %sub3A_84 = arith.constant 1.000000e+00 : f32
    %sub3A_85 = vector.broadcast %sub3A_84 : f32 to vector<32x64xf32>
    %sub3A_86 = arith.subf %sub3A_85, %div3A_83 : vector<32x64xf32>
    %jit3A = arith.constant 0.000000e+00 : f32
    %broadcast_in_dim3A_87 = vector.broadcast %jit3A : f32 to vector<32x64xf32>
    %select_n3A = arith.select %gt3A_80, %sub3A_86, %broadcast_in_dim3A_87 : vector<32x64xi1>, vector<32x64xf32>
    %sub3A_88 = arith.subf %add3A_62, %add3A_56 : vector<32x64xf32>
    %sub3A_89 = arith.subf %add3A_69, %squeeze3A : vector<32x64xf32>
    %add3A_90 = vector.broadcast %reduce_sum3A_73 : f32 to vector<32x64xf32>
    %add3A_91 = arith.addf %add3A_90, %sub3A_88 : vector<32x64xf32>
    %sub3A_92 = arith.subf %add3A_91, %sub3A_89 : vector<32x64xf32>
    %max3A_93 = arith.constant 1.000000e+00 : f32
    %max3A_94 = vector.broadcast %max3A_93 : f32 to vector<32x64xf32>
    %max3A_95 = arith.maximumf %sub3A_92, %max3A_94 : vector<32x64xf32>
    %gt3A_96 = arith.constant 5.000000e-01 : f32
    %gt3A_97 = vector.broadcast %gt3A_96 : f32 to vector<32x64xf32>
    %gt3A_98 = arith.cmpf ogt, %sub3A_88, %gt3A_97 : vector<32x64xf32>
    %sub3A_99 = vector.broadcast %reduce_sum3A_73 : f32 to vector<32x64xf32>
    %sub3A_100 = arith.subf %sub3A_99, %sub3A_89 : vector<32x64xf32>
    %div3A_101 = arith.divf %sub3A_100, %max3A_95 : vector<32x64xf32>
    %sub3A_102 = arith.constant 1.000000e+00 : f32
    %sub3A_103 = vector.broadcast %sub3A_102 : f32 to vector<32x64xf32>
    %sub3A_104 = arith.subf %sub3A_103, %div3A_101 : vector<32x64xf32>
    %jit3A_105 = arith.constant 0.000000e+00 : f32
    %broadcast_in_dim3A_106 = vector.broadcast %jit3A_105 : f32 to vector<32x64xf32>
    %select_n3A_107 = arith.select %gt3A_98, %sub3A_104, %broadcast_in_dim3A_106 : vector<32x64xi1>, vector<32x64xf32>
    %sub3A_108 = arith.subf %select_n3A, %select_n3A_107 : vector<32x64xf32>
    %mul3A_109 = arith.mulf %div3A_22, %sub3A_108 : vector<32x64xf32>
    %reduce_sum3A_110 = vector.shape_cast %mul3A_109 : vector<32x64xf32> to vector<1x32x64xf32>
    %reduce_sum3A_111 = arith.constant dense<0.000000e+00> : vector<1xf32>
    %reduce_sum3A_112 = vector.multi_reduction <add>, %reduce_sum3A_110, %reduce_sum3A_111 [1, 2] : vector<1x32x64xf32> to vector<1xf32>
    %reduce_sum3A_113 = vector.shape_cast %reduce_sum3A_112 : vector<1xf32> to vector<1x1x1xf32>
    %reduce_sum3A_114 = vector.extract %reduce_sum3A_113[0, 0, 0] : f32 from vector<1x1x1xf32>
    %add3A_115 = arith.constant 0.000000e+00 : f32
    %add3A_116 = arith.addf %add3A_115, %reduce_sum3A_114 : f32
    %get3A_117 = arith.constant 0 : index
    %get3A_118 = arith.constant 1 : index
    %get3A_119 = arith.constant 0 : index
    %get3A_120 = arith.constant 0 : index
    %get3A_121 = arith.constant 0 : index
    %get3A_122 = vector.load %arg1[%get3A_117, %get3A_118, %get3A_119, %get3A_120, %get3A_121] : memref<2x19x2x32x64xf32, #tpu.memory_space<vmem>>, vector<1x1x2x32x64xf32>
    %get3A_123 = vector.shape_cast %get3A_122 : vector<1x1x2x32x64xf32> to vector<2x32x64xf32>
    %get3A_124 = arith.constant 1 : index
    %get3A_125 = arith.constant 1 : index
    %get3A_126 = arith.constant 0 : index
    %get3A_127 = arith.constant 0 : index
    %get3A_128 = arith.constant 0 : index
    %get3A_129 = vector.load %arg1[%get3A_124, %get3A_125, %get3A_126, %get3A_127, %get3A_128] : memref<2x19x2x32x64xf32, #tpu.memory_space<vmem>>, vector<1x1x2x32x64xf32>
    %get3A_130 = vector.shape_cast %get3A_129 : vector<1x1x2x32x64xf32> to vector<2x32x64xf32>
    %add3A_131 = arith.addf %get3A_123, %get3A_130 : vector<2x32x64xf32>
    %get3A_132 = arith.constant 0 : index
    %get3A_133 = arith.constant 1 : index
    %get3A_134 = arith.constant 0 : index
    %get3A_135 = arith.constant 0 : index
    %get3A_136 = arith.constant 0 : index
    %get3A_137 = vector.load %arg2[%get3A_132, %get3A_133, %get3A_134, %get3A_135, %get3A_136] : memref<2x19x2x32x64xf32, #tpu.memory_space<vmem>>, vector<1x1x2x32x64xf32>
    %get3A_138 = vector.shape_cast %get3A_137 : vector<1x1x2x32x64xf32> to vector<2x32x64xf32>
    %add3A_139 = arith.addf %add3A_131, %get3A_138 : vector<2x32x64xf32>
    %get3A_140 = arith.constant 1 : index
    %get3A_141 = arith.constant 1 : index
    %get3A_142 = arith.constant 0 : index
    %get3A_143 = arith.constant 0 : index
    %get3A_144 = arith.constant 0 : index
    %get3A_145 = vector.load %arg2[%get3A_140, %get3A_141, %get3A_142, %get3A_143, %get3A_144] : memref<2x19x2x32x64xf32, #tpu.memory_space<vmem>>, vector<1x1x2x32x64xf32>
    %get3A_146 = vector.shape_cast %get3A_145 : vector<1x1x2x32x64xf32> to vector<2x32x64xf32>
    %add3A_147 = arith.addf %add3A_139, %get3A_146 : vector<2x32x64xf32>
    %slice3A_148 = vector.extract_strided_slice %add3A_147 {offsets = [1, 0, 0], sizes = [1, 32, 64], strides = [1, 1, 1]} : vector<2x32x64xf32> to vector<1x32x64xf32>
    %squeeze3A_149 = vector.shape_cast %slice3A_148 : vector<1x32x64xf32> to vector<32x64xf32>
    %slice3A_150 = vector.extract_strided_slice %add3A_147 {offsets = [0, 0, 0], sizes = [1, 32, 64], strides = [1, 1, 1]} : vector<2x32x64xf32> to vector<1x32x64xf32>
    %squeeze3A_151 = vector.shape_cast %slice3A_150 : vector<1x32x64xf32> to vector<32x64xf32>
    %add3A_152 = arith.addf %squeeze3A_151, %squeeze3A_149 : vector<32x64xf32>
    %dot_general3A_153 = arith.constant dense<0.000000e+00> : vector<32x64xf32>
    %dot_general3A_154 = tpu.matmul %add3A_152, %convert_element_type3A_1, %dot_general3A_153 {dimension_numbers = #tpu.dot_dimension_numbers<[1], [0], [0], [1], [0, 0, 1, 1], [], []>, transpose_lhs_hint = false} : vector<32x64xf32>, vector<64x64xf32>, vector<32x64xf32> -> vector<32x64xf32>
    %dot_general3A_155 = arith.constant dense<0.000000e+00> : vector<32x64xf32>
    %dot_general3A_156 = tpu.matmul %add3A_152, %broadcast_in_dim3A_2, %dot_general3A_155 {dimension_numbers = #tpu.dot_dimension_numbers<[1], [0], [0], [1], [0, 0, 1, 1], [], []>, transpose_lhs_hint = false} : vector<32x64xf32>, vector<64x64xf32>, vector<32x64xf32> -> vector<32x64xf32>
    %dot_general3A_157 = arith.constant dense<0.000000e+00> : vector<32x64xf32>
    %dot_general3A_158 = tpu.matmul %convert_element_type3A_6, %dot_general3A_156, %dot_general3A_157 {dimension_numbers = #tpu.dot_dimension_numbers<[1], [0], [0], [1], [0, 0, 1, 1], [], []>, transpose_lhs_hint = false} : vector<32x32xf32>, vector<32x64xf32>, vector<32x64xf32> -> vector<32x64xf32>
    %add3A_159 = arith.addf %dot_general3A_154, %dot_general3A_158 : vector<32x64xf32>
    %dot_general3A_160 = arith.constant dense<0.000000e+00> : vector<32x64xf32>
    %dot_general3A_161 = tpu.matmul %squeeze3A_149, %convert_element_type3A_1, %dot_general3A_160 {dimension_numbers = #tpu.dot_dimension_numbers<[1], [0], [0], [1], [0, 0, 1, 1], [], []>, transpose_lhs_hint = false} : vector<32x64xf32>, vector<64x64xf32>, vector<32x64xf32> -> vector<32x64xf32>
    %dot_general3A_162 = arith.constant dense<0.000000e+00> : vector<32x64xf32>
    %dot_general3A_163 = tpu.matmul %squeeze3A_149, %broadcast_in_dim3A_2, %dot_general3A_162 {dimension_numbers = #tpu.dot_dimension_numbers<[1], [0], [0], [1], [0, 0, 1, 1], [], []>, transpose_lhs_hint = false} : vector<32x64xf32>, vector<64x64xf32>, vector<32x64xf32> -> vector<32x64xf32>
    %dot_general3A_164 = arith.constant dense<0.000000e+00> : vector<32x64xf32>
    %dot_general3A_165 = tpu.matmul %convert_element_type3A_6, %dot_general3A_163, %dot_general3A_164 {dimension_numbers = #tpu.dot_dimension_numbers<[1], [0], [0], [1], [0, 0, 1, 1], [], []>, transpose_lhs_hint = false} : vector<32x32xf32>, vector<32x64xf32>, vector<32x64xf32> -> vector<32x64xf32>
    %add3A_166 = arith.addf %dot_general3A_161, %dot_general3A_165 : vector<32x64xf32>
    %reduce_sum3A_167 = vector.shape_cast %squeeze3A_149 : vector<32x64xf32> to vector<1x32x64xf32>
    %reduce_sum3A_168 = arith.constant dense<0.000000e+00> : vector<1xf32>
    %reduce_sum3A_169 = vector.multi_reduction <add>, %reduce_sum3A_167, %reduce_sum3A_168 [1, 2] : vector<1x32x64xf32> to vector<1xf32>
    %reduce_sum3A_170 = vector.shape_cast %reduce_sum3A_169 : vector<1xf32> to vector<1x1x1xf32>
    %reduce_sum3A_171 = vector.extract %reduce_sum3A_170[0, 0, 0] : f32 from vector<1x1x1xf32>
    %add3A_172 = vector.broadcast %reduce_sum3A_171 : f32 to vector<32x64xf32>
    %add3A_173 = arith.addf %add3A_172, %add3A_159 : vector<32x64xf32>
    %sub3A_174 = arith.subf %add3A_173, %add3A_166 : vector<32x64xf32>
    %max3A_175 = arith.constant 1.000000e+00 : f32
    %max3A_176 = vector.broadcast %max3A_175 : f32 to vector<32x64xf32>
    %max3A_177 = arith.maximumf %sub3A_174, %max3A_176 : vector<32x64xf32>
    %gt3A_178 = arith.constant 5.000000e-01 : f32
    %gt3A_179 = vector.broadcast %gt3A_178 : f32 to vector<32x64xf32>
    %gt3A_180 = arith.cmpf ogt, %add3A_159, %gt3A_179 : vector<32x64xf32>
    %sub3A_181 = vector.broadcast %reduce_sum3A_171 : f32 to vector<32x64xf32>
    %sub3A_182 = arith.subf %sub3A_181, %add3A_166 : vector<32x64xf32>
    %div3A_183 = arith.divf %sub3A_182, %max3A_177 : vector<32x64xf32>
    %sub3A_184 = arith.constant 1.000000e+00 : f32
    %sub3A_185 = vector.broadcast %sub3A_184 : f32 to vector<32x64xf32>
    %sub3A_186 = arith.subf %sub3A_185, %div3A_183 : vector<32x64xf32>
    %jit3A_187 = arith.constant 0.000000e+00 : f32
    %broadcast_in_dim3A_188 = vector.broadcast %jit3A_187 : f32 to vector<32x64xf32>
    %select_n3A_189 = arith.select %gt3A_180, %sub3A_186, %broadcast_in_dim3A_188 : vector<32x64xi1>, vector<32x64xf32>
    %sub3A_190 = arith.subf %add3A_159, %add3A_152 : vector<32x64xf32>
    %sub3A_191 = arith.subf %add3A_166, %squeeze3A_149 : vector<32x64xf32>
    %add3A_192 = vector.broadcast %reduce_sum3A_171 : f32 to vector<32x64xf32>
    %add3A_193 = arith.addf %add3A_192, %sub3A_190 : vector<32x64xf32>
    %sub3A_194 = arith.subf %add3A_193, %sub3A_191 : vector<32x64xf32>
    %max3A_195 = arith.constant 1.000000e+00 : f32
    %max3A_196 = vector.broadcast %max3A_195 : f32 to vector<32x64xf32>
    %max3A_197 = arith.maximumf %sub3A_194, %max3A_196 : vector<32x64xf32>
    %gt3A_198 = arith.constant 5.000000e-01 : f32
    %gt3A_199 = vector.broadcast %gt3A_198 : f32 to vector<32x64xf32>
    %gt3A_200 = arith.cmpf ogt, %sub3A_190, %gt3A_199 : vector<32x64xf32>
    %sub3A_201 = vector.broadcast %reduce_sum3A_171 : f32 to vector<32x64xf32>
    %sub3A_202 = arith.subf %sub3A_201, %sub3A_191 : vector<32x64xf32>
    %div3A_203 = arith.divf %sub3A_202, %max3A_197 : vector<32x64xf32>
    %sub3A_204 = arith.constant 1.000000e+00 : f32
    %sub3A_205 = vector.broadcast %sub3A_204 : f32 to vector<32x64xf32>
    %sub3A_206 = arith.subf %sub3A_205, %div3A_203 : vector<32x64xf32>
    %jit3A_207 = arith.constant 0.000000e+00 : f32
    %broadcast_in_dim3A_208 = vector.broadcast %jit3A_207 : f32 to vector<32x64xf32>
    %select_n3A_209 = arith.select %gt3A_200, %sub3A_206, %broadcast_in_dim3A_208 : vector<32x64xi1>, vector<32x64xf32>
    %sub3A_210 = arith.subf %select_n3A_189, %select_n3A_209 : vector<32x64xf32>
    %mul3A_211 = arith.mulf %div3A_22, %sub3A_210 : vector<32x64xf32>
    %reduce_sum3A_212 = vector.shape_cast %mul3A_211 : vector<32x64xf32> to vector<1x32x64xf32>
    %reduce_sum3A_213 = arith.constant dense<0.000000e+00> : vector<1xf32>
    %reduce_sum3A_214 = vector.multi_reduction <add>, %reduce_sum3A_212, %reduce_sum3A_213 [1, 2] : vector<1x32x64xf32> to vector<1xf32>
    %reduce_sum3A_215 = vector.shape_cast %reduce_sum3A_214 : vector<1xf32> to vector<1x1x1xf32>
    %reduce_sum3A_216 = vector.extract %reduce_sum3A_215[0, 0, 0] : f32 from vector<1x1x1xf32>
    %add3A_217 = arith.addf %add3A_116, %reduce_sum3A_216 : f32
    %get3A_218 = arith.constant 0 : index
    %get3A_219 = arith.constant 2 : index
    %get3A_220 = arith.constant 0 : index
    %get3A_221 = arith.constant 0 : index
    %get3A_222 = arith.constant 0 : index
    %get3A_223 = vector.load %arg1[%get3A_218, %get3A_219, %get3A_220, %get3A_221, %get3A_222] : memref<2x19x2x32x64xf32, #tpu.memory_space<vmem>>, vector<1x1x2x32x64xf32>
    %get3A_224 = vector.shape_cast %get3A_223 : vector<1x1x2x32x64xf32> to vector<2x32x64xf32>
    %get3A_225 = arith.constant 1 : index
    %get3A_226 = arith.constant 2 : index
    %get3A_227 = arith.constant 0 : index
    %get3A_228 = arith.constant 0 : index
    %get3A_229 = arith.constant 0 : index
    %get3A_230 = vector.load %arg1[%get3A_225, %get3A_226, %get3A_227, %get3A_228, %get3A_229] : memref<2x19x2x32x64xf32, #tpu.memory_space<vmem>>, vector<1x1x2x32x64xf32>
    %get3A_231 = vector.shape_cast %get3A_230 : vector<1x1x2x32x64xf32> to vector<2x32x64xf32>
    %add3A_232 = arith.addf %get3A_224, %get3A_231 : vector<2x32x64xf32>
    %get3A_233 = arith.constant 0 : index
    %get3A_234 = arith.constant 2 : index
    %get3A_235 = arith.constant 0 : index
    %get3A_236 = arith.constant 0 : index
    %get3A_237 = arith.constant 0 : index
    %get3A_238 = vector.load %arg2[%get3A_233, %get3A_234, %get3A_235, %get3A_236, %get3A_237] : memref<2x19x2x32x64xf32, #tpu.memory_space<vmem>>, vector<1x1x2x32x64xf32>
    %get3A_239 = vector.shape_cast %get3A_238 : vector<1x1x2x32x64xf32> to vector<2x32x64xf32>
    %add3A_240 = arith.addf %add3A_232, %get3A_239 : vector<2x32x64xf32>
    %get3A_241 = arith.constant 1 : index
    %get3A_242 = arith.constant 2 : index
    %get3A_243 = arith.constant 0 : index
    %get3A_244 = arith.constant 0 : index
    %get3A_245 = arith.constant 0 : index
    %get3A_246 = vector.load %arg2[%get3A_241, %get3A_242, %get3A_243, %get3A_244, %get3A_245] : memref<2x19x2x32x64xf32, #tpu.memory_space<vmem>>, vector<1x1x2x32x64xf32>
    %get3A_247 = vector.shape_cast %get3A_246 : vector<1x1x2x32x64xf32> to vector<2x32x64xf32>
    %add3A_248 = arith.addf %add3A_240, %get3A_247 : vector<2x32x64xf32>
    %slice3A_249 = vector.extract_strided_slice %add3A_248 {offsets = [1, 0, 0], sizes = [1, 32, 64], strides = [1, 1, 1]} : vector<2x32x64xf32> to vector<1x32x64xf32>
    %squeeze3A_250 = vector.shape_cast %slice3A_249 : vector<1x32x64xf32> to vector<32x64xf32>
    %slice3A_251 = vector.extract_strided_slice %add3A_248 {offsets = [0, 0, 0], sizes = [1, 32, 64], strides = [1, 1, 1]} : vector<2x32x64xf32> to vector<1x32x64xf32>
    %squeeze3A_252 = vector.shape_cast %slice3A_251 : vector<1x32x64xf32> to vector<32x64xf32>
    %add3A_253 = arith.addf %squeeze3A_252, %squeeze3A_250 : vector<32x64xf32>
    %dot_general3A_254 = arith.constant dense<0.000000e+00> : vector<32x64xf32>
    %dot_general3A_255 = tpu.matmul %add3A_253, %convert_element_type3A_1, %dot_general3A_254 {dimension_numbers = #tpu.dot_dimension_numbers<[1], [0], [0], [1], [0, 0, 1, 1], [], []>, transpose_lhs_hint = false} : vector<32x64xf32>, vector<64x64xf32>, vector<32x64xf32> -> vector<32x64xf32>
    %dot_general3A_256 = arith.constant dense<0.000000e+00> : vector<32x64xf32>
    %dot_general3A_257 = tpu.matmul %add3A_253, %broadcast_in_dim3A_2, %dot_general3A_256 {dimension_numbers = #tpu.dot_dimension_numbers<[1], [0], [0], [1], [0, 0, 1, 1], [], []>, transpose_lhs_hint = false} : vector<32x64xf32>, vector<64x64xf32>, vector<32x64xf32> -> vector<32x64xf32>
    %dot_general3A_258 = arith.constant dense<0.000000e+00> : vector<32x64xf32>
    %dot_general3A_259 = tpu.matmul %convert_element_type3A_6, %dot_general3A_257, %dot_general3A_258 {dimension_numbers = #tpu.dot_dimension_numbers<[1], [0], [0], [1], [0, 0, 1, 1], [], []>, transpose_lhs_hint = false} : vector<32x32xf32>, vector<32x64xf32>, vector<32x64xf32> -> vector<32x64xf32>
    %add3A_260 = arith.addf %dot_general3A_255, %dot_general3A_259 : vector<32x64xf32>
    %dot_general3A_261 = arith.constant dense<0.000000e+00> : vector<32x64xf32>
    %dot_general3A_262 = tpu.matmul %squeeze3A_250, %convert_element_type3A_1, %dot_general3A_261 {dimension_numbers = #tpu.dot_dimension_numbers<[1], [0], [0], [1], [0, 0, 1, 1], [], []>, transpose_lhs_hint = false} : vector<32x64xf32>, vector<64x64xf32>, vector<32x64xf32> -> vector<32x64xf32>
    %dot_general3A_263 = arith.constant dense<0.000000e+00> : vector<32x64xf32>
    %dot_general3A_264 = tpu.matmul %squeeze3A_250, %broadcast_in_dim3A_2, %dot_general3A_263 {dimension_numbers = #tpu.dot_dimension_numbers<[1], [0], [0], [1], [0, 0, 1, 1], [], []>, transpose_lhs_hint = false} : vector<32x64xf32>, vector<64x64xf32>, vector<32x64xf32> -> vector<32x64xf32>
    %dot_general3A_265 = arith.constant dense<0.000000e+00> : vector<32x64xf32>
    %dot_general3A_266 = tpu.matmul %convert_element_type3A_6, %dot_general3A_264, %dot_general3A_265 {dimension_numbers = #tpu.dot_dimension_numbers<[1], [0], [0], [1], [0, 0, 1, 1], [], []>, transpose_lhs_hint = false} : vector<32x32xf32>, vector<32x64xf32>, vector<32x64xf32> -> vector<32x64xf32>
    %add3A_267 = arith.addf %dot_general3A_262, %dot_general3A_266 : vector<32x64xf32>
    %reduce_sum3A_268 = vector.shape_cast %squeeze3A_250 : vector<32x64xf32> to vector<1x32x64xf32>
    %reduce_sum3A_269 = arith.constant dense<0.000000e+00> : vector<1xf32>
    %reduce_sum3A_270 = vector.multi_reduction <add>, %reduce_sum3A_268, %reduce_sum3A_269 [1, 2] : vector<1x32x64xf32> to vector<1xf32>
    %reduce_sum3A_271 = vector.shape_cast %reduce_sum3A_270 : vector<1xf32> to vector<1x1x1xf32>
    %reduce_sum3A_272 = vector.extract %reduce_sum3A_271[0, 0, 0] : f32 from vector<1x1x1xf32>
    %add3A_273 = vector.broadcast %reduce_sum3A_272 : f32 to vector<32x64xf32>
    %add3A_274 = arith.addf %add3A_273, %add3A_260 : vector<32x64xf32>
    %sub3A_275 = arith.subf %add3A_274, %add3A_267 : vector<32x64xf32>
    %max3A_276 = arith.constant 1.000000e+00 : f32
    %max3A_277 = vector.broadcast %max3A_276 : f32 to vector<32x64xf32>
    %max3A_278 = arith.maximumf %sub3A_275, %max3A_277 : vector<32x64xf32>
    %gt3A_279 = arith.constant 5.000000e-01 : f32
    %gt3A_280 = vector.broadcast %gt3A_279 : f32 to vector<32x64xf32>
    %gt3A_281 = arith.cmpf ogt, %add3A_260, %gt3A_280 : vector<32x64xf32>
    %sub3A_282 = vector.broadcast %reduce_sum3A_272 : f32 to vector<32x64xf32>
    %sub3A_283 = arith.subf %sub3A_282, %add3A_267 : vector<32x64xf32>
    %div3A_284 = arith.divf %sub3A_283, %max3A_278 : vector<32x64xf32>
    %sub3A_285 = arith.constant 1.000000e+00 : f32
    %sub3A_286 = vector.broadcast %sub3A_285 : f32 to vector<32x64xf32>
    %sub3A_287 = arith.subf %sub3A_286, %div3A_284 : vector<32x64xf32>
    %jit3A_288 = arith.constant 0.000000e+00 : f32
    %broadcast_in_dim3A_289 = vector.broadcast %jit3A_288 : f32 to vector<32x64xf32>
    %select_n3A_290 = arith.select %gt3A_281, %sub3A_287, %broadcast_in_dim3A_289 : vector<32x64xi1>, vector<32x64xf32>
    %sub3A_291 = arith.subf %add3A_260, %add3A_253 : vector<32x64xf32>
    %sub3A_292 = arith.subf %add3A_267, %squeeze3A_250 : vector<32x64xf32>
    %add3A_293 = vector.broadcast %reduce_sum3A_272 : f32 to vector<32x64xf32>
    %add3A_294 = arith.addf %add3A_293, %sub3A_291 : vector<32x64xf32>
    %sub3A_295 = arith.subf %add3A_294, %sub3A_292 : vector<32x64xf32>
    %max3A_296 = arith.constant 1.000000e+00 : f32
    %max3A_297 = vector.broadcast %max3A_296 : f32 to vector<32x64xf32>
    %max3A_298 = arith.maximumf %sub3A_295, %max3A_297 : vector<32x64xf32>
    %gt3A_299 = arith.constant 5.000000e-01 : f32
    %gt3A_300 = vector.broadcast %gt3A_299 : f32 to vector<32x64xf32>
    %gt3A_301 = arith.cmpf ogt, %sub3A_291, %gt3A_300 : vector<32x64xf32>
    %sub3A_302 = vector.broadcast %reduce_sum3A_272 : f32 to vector<32x64xf32>
    %sub3A_303 = arith.subf %sub3A_302, %sub3A_292 : vector<32x64xf32>
    %div3A_304 = arith.divf %sub3A_303, %max3A_298 : vector<32x64xf32>
    %sub3A_305 = arith.constant 1.000000e+00 : f32
    %sub3A_306 = vector.broadcast %sub3A_305 : f32 to vector<32x64xf32>
    %sub3A_307 = arith.subf %sub3A_306, %div3A_304 : vector<32x64xf32>
    %jit3A_308 = arith.constant 0.000000e+00 : f32
    %broadcast_in_dim3A_309 = vector.broadcast %jit3A_308 : f32 to vector<32x64xf32>
    %select_n3A_310 = arith.select %gt3A_301, %sub3A_307, %broadcast_in_dim3A_309 : vector<32x64xi1>, vector<32x64xf32>
    %sub3A_311 = arith.subf %select_n3A_290, %select_n3A_310 : vector<32x64xf32>
    %mul3A_312 = arith.mulf %div3A_22, %sub3A_311 : vector<32x64xf32>
    %reduce_sum3A_313 = vector.shape_cast %mul3A_312 : vector<32x64xf32> to vector<1x32x64xf32>
    %reduce_sum3A_314 = arith.constant dense<0.000000e+00> : vector<1xf32>
    %reduce_sum3A_315 = vector.multi_reduction <add>, %reduce_sum3A_313, %reduce_sum3A_314 [1, 2] : vector<1x32x64xf32> to vector<1xf32>
    %reduce_sum3A_316 = vector.shape_cast %reduce_sum3A_315 : vector<1xf32> to vector<1x1x1xf32>
    %reduce_sum3A_317 = vector.extract %reduce_sum3A_316[0, 0, 0] : f32 from vector<1x1x1xf32>
    %add3A_318 = arith.addf %add3A_217, %reduce_sum3A_317 : f32
    %get3A_319 = arith.constant 0 : index
    %get3A_320 = arith.constant 3 : index
    %get3A_321 = arith.constant 0 : index
    %get3A_322 = arith.constant 0 : index
    %get3A_323 = arith.constant 0 : index
    %get3A_324 = vector.load %arg1[%get3A_319, %get3A_320, %get3A_321, %get3A_322, %get3A_323] : memref<2x19x2x32x64xf32, #tpu.memory_space<vmem>>, vector<1x1x2x32x64xf32>
    %get3A_325 = vector.shape_cast %get3A_324 : vector<1x1x2x32x64xf32> to vector<2x32x64xf32>
    %get3A_326 = arith.constant 1 : index
    %get3A_327 = arith.constant 3 : index
    %get3A_328 = arith.constant 0 : index
    %get3A_329 = arith.constant 0 : index
    %get3A_330 = arith.constant 0 : index
    %get3A_331 = vector.load %arg1[%get3A_326, %get3A_327, %get3A_328, %get3A_329, %get3A_330] : memref<2x19x2x32x64xf32, #tpu.memory_space<vmem>>, vector<1x1x2x32x64xf32>
    %get3A_332 = vector.shape_cast %get3A_331 : vector<1x1x2x32x64xf32> to vector<2x32x64xf32>
    %add3A_333 = arith.addf %get3A_325, %get3A_332 : vector<2x32x64xf32>
    %get3A_334 = arith.constant 0 : index
    %get3A_335 = arith.constant 3 : index
    %get3A_336 = arith.constant 0 : index
    %get3A_337 = arith.constant 0 : index
    %get3A_338 = arith.constant 0 : index
    %get3A_339 = vector.load %arg2[%get3A_334, %get3A_335, %get3A_336, %get3A_337, %get3A_338] : memref<2x19x2x32x64xf32, #tpu.memory_space<vmem>>, vector<1x1x2x32x64xf32>
    %get3A_340 = vector.shape_cast %get3A_339 : vector<1x1x2x32x64xf32> to vector<2x32x64xf32>
    %add3A_341 = arith.addf %add3A_333, %get3A_340 : vector<2x32x64xf32>
    %get3A_342 = arith.constant 1 : index
    %get3A_343 = arith.constant 3 : index
    %get3A_344 = arith.constant 0 : index
    %get3A_345 = arith.constant 0 : index
    %get3A_346 = arith.constant 0 : index
    %get3A_347 = vector.load %arg2[%get3A_342, %get3A_343, %get3A_344, %get3A_345, %get3A_346] : memref<2x19x2x32x64xf32, #tpu.memory_space<vmem>>, vector<1x1x2x32x64xf32>
    %get3A_348 = vector.shape_cast %get3A_347 : vector<1x1x2x32x64xf32> to vector<2x32x64xf32>
    %add3A_349 = arith.addf %add3A_341, %get3A_348 : vector<2x32x64xf32>
    %slice3A_350 = vector.extract_strided_slice %add3A_349 {offsets = [1, 0, 0], sizes = [1, 32, 64], strides = [1, 1, 1]} : vector<2x32x64xf32> to vector<1x32x64xf32>
    %squeeze3A_351 = vector.shape_cast %slice3A_350 : vector<1x32x64xf32> to vector<32x64xf32>
    %slice3A_352 = vector.extract_strided_slice %add3A_349 {offsets = [0, 0, 0], sizes = [1, 32, 64], strides = [1, 1, 1]} : vector<2x32x64xf32> to vector<1x32x64xf32>
    %squeeze3A_353 = vector.shape_cast %slice3A_352 : vector<1x32x64xf32> to vector<32x64xf32>
    %add3A_354 = arith.addf %squeeze3A_353, %squeeze3A_351 : vector<32x64xf32>
    %dot_general3A_355 = arith.constant dense<0.000000e+00> : vector<32x64xf32>
    %dot_general3A_356 = tpu.matmul %add3A_354, %convert_element_type3A_1, %dot_general3A_355 {dimension_numbers = #tpu.dot_dimension_numbers<[1], [0], [0], [1], [0, 0, 1, 1], [], []>, transpose_lhs_hint = false} : vector<32x64xf32>, vector<64x64xf32>, vector<32x64xf32> -> vector<32x64xf32>
    %dot_general3A_357 = arith.constant dense<0.000000e+00> : vector<32x64xf32>
    %dot_general3A_358 = tpu.matmul %add3A_354, %broadcast_in_dim3A_2, %dot_general3A_357 {dimension_numbers = #tpu.dot_dimension_numbers<[1], [0], [0], [1], [0, 0, 1, 1], [], []>, transpose_lhs_hint = false} : vector<32x64xf32>, vector<64x64xf32>, vector<32x64xf32> -> vector<32x64xf32>
    %dot_general3A_359 = arith.constant dense<0.000000e+00> : vector<32x64xf32>
    %dot_general3A_360 = tpu.matmul %convert_element_type3A_6, %dot_general3A_358, %dot_general3A_359 {dimension_numbers = #tpu.dot_dimension_numbers<[1], [0], [0], [1], [0, 0, 1, 1], [], []>, transpose_lhs_hint = false} : vector<32x32xf32>, vector<32x64xf32>, vector<32x64xf32> -> vector<32x64xf32>
    %add3A_361 = arith.addf %dot_general3A_356, %dot_general3A_360 : vector<32x64xf32>
    %dot_general3A_362 = arith.constant dense<0.000000e+00> : vector<32x64xf32>
    %dot_general3A_363 = tpu.matmul %squeeze3A_351, %convert_element_type3A_1, %dot_general3A_362 {dimension_numbers = #tpu.dot_dimension_numbers<[1], [0], [0], [1], [0, 0, 1, 1], [], []>, transpose_lhs_hint = false} : vector<32x64xf32>, vector<64x64xf32>, vector<32x64xf32> -> vector<32x64xf32>
    %dot_general3A_364 = arith.constant dense<0.000000e+00> : vector<32x64xf32>
    %dot_general3A_365 = tpu.matmul %squeeze3A_351, %broadcast_in_dim3A_2, %dot_general3A_364 {dimension_numbers = #tpu.dot_dimension_numbers<[1], [0], [0], [1], [0, 0, 1, 1], [], []>, transpose_lhs_hint = false} : vector<32x64xf32>, vector<64x64xf32>, vector<32x64xf32> -> vector<32x64xf32>
    %dot_general3A_366 = arith.constant dense<0.000000e+00> : vector<32x64xf32>
    %dot_general3A_367 = tpu.matmul %convert_element_type3A_6, %dot_general3A_365, %dot_general3A_366 {dimension_numbers = #tpu.dot_dimension_numbers<[1], [0], [0], [1], [0, 0, 1, 1], [], []>, transpose_lhs_hint = false} : vector<32x32xf32>, vector<32x64xf32>, vector<32x64xf32> -> vector<32x64xf32>
    %add3A_368 = arith.addf %dot_general3A_363, %dot_general3A_367 : vector<32x64xf32>
    %reduce_sum3A_369 = vector.shape_cast %squeeze3A_351 : vector<32x64xf32> to vector<1x32x64xf32>
    %reduce_sum3A_370 = arith.constant dense<0.000000e+00> : vector<1xf32>
    %reduce_sum3A_371 = vector.multi_reduction <add>, %reduce_sum3A_369, %reduce_sum3A_370 [1, 2] : vector<1x32x64xf32> to vector<1xf32>
    %reduce_sum3A_372 = vector.shape_cast %reduce_sum3A_371 : vector<1xf32> to vector<1x1x1xf32>
    %reduce_sum3A_373 = vector.extract %reduce_sum3A_372[0, 0, 0] : f32 from vector<1x1x1xf32>
    %add3A_374 = vector.broadcast %reduce_sum3A_373 : f32 to vector<32x64xf32>
    %add3A_375 = arith.addf %add3A_374, %add3A_361 : vector<32x64xf32>
    %sub3A_376 = arith.subf %add3A_375, %add3A_368 : vector<32x64xf32>
    %max3A_377 = arith.constant 1.000000e+00 : f32
    %max3A_378 = vector.broadcast %max3A_377 : f32 to vector<32x64xf32>
    %max3A_379 = arith.maximumf %sub3A_376, %max3A_378 : vector<32x64xf32>
    %gt3A_380 = arith.constant 5.000000e-01 : f32
    %gt3A_381 = vector.broadcast %gt3A_380 : f32 to vector<32x64xf32>
    %gt3A_382 = arith.cmpf ogt, %add3A_361, %gt3A_381 : vector<32x64xf32>
    %sub3A_383 = vector.broadcast %reduce_sum3A_373 : f32 to vector<32x64xf32>
    %sub3A_384 = arith.subf %sub3A_383, %add3A_368 : vector<32x64xf32>
    %div3A_385 = arith.divf %sub3A_384, %max3A_379 : vector<32x64xf32>
    %sub3A_386 = arith.constant 1.000000e+00 : f32
    %sub3A_387 = vector.broadcast %sub3A_386 : f32 to vector<32x64xf32>
    %sub3A_388 = arith.subf %sub3A_387, %div3A_385 : vector<32x64xf32>
    %jit3A_389 = arith.constant 0.000000e+00 : f32
    %broadcast_in_dim3A_390 = vector.broadcast %jit3A_389 : f32 to vector<32x64xf32>
    %select_n3A_391 = arith.select %gt3A_382, %sub3A_388, %broadcast_in_dim3A_390 : vector<32x64xi1>, vector<32x64xf32>
    %sub3A_392 = arith.subf %add3A_361, %add3A_354 : vector<32x64xf32>
    %sub3A_393 = arith.subf %add3A_368, %squeeze3A_351 : vector<32x64xf32>
    %add3A_394 = vector.broadcast %reduce_sum3A_373 : f32 to vector<32x64xf32>
    %add3A_395 = arith.addf %add3A_394, %sub3A_392 : vector<32x64xf32>
    %sub3A_396 = arith.subf %add3A_395, %sub3A_393 : vector<32x64xf32>
    %max3A_397 = arith.constant 1.000000e+00 : f32
    %max3A_398 = vector.broadcast %max3A_397 : f32 to vector<32x64xf32>
    %max3A_399 = arith.maximumf %sub3A_396, %max3A_398 : vector<32x64xf32>
    %gt3A_400 = arith.constant 5.000000e-01 : f32
    %gt3A_401 = vector.broadcast %gt3A_400 : f32 to vector<32x64xf32>
    %gt3A_402 = arith.cmpf ogt, %sub3A_392, %gt3A_401 : vector<32x64xf32>
    %sub3A_403 = vector.broadcast %reduce_sum3A_373 : f32 to vector<32x64xf32>
    %sub3A_404 = arith.subf %sub3A_403, %sub3A_393 : vector<32x64xf32>
    %div3A_405 = arith.divf %sub3A_404, %max3A_399 : vector<32x64xf32>
    %sub3A_406 = arith.constant 1.000000e+00 : f32
    %sub3A_407 = vector.broadcast %sub3A_406 : f32 to vector<32x64xf32>
    %sub3A_408 = arith.subf %sub3A_407, %div3A_405 : vector<32x64xf32>
    %jit3A_409 = arith.constant 0.000000e+00 : f32
    %broadcast_in_dim3A_410 = vector.broadcast %jit3A_409 : f32 to vector<32x64xf32>
    %select_n3A_411 = arith.select %gt3A_402, %sub3A_408, %broadcast_in_dim3A_410 : vector<32x64xi1>, vector<32x64xf32>
    %sub3A_412 = arith.subf %select_n3A_391, %select_n3A_411 : vector<32x64xf32>
    %mul3A_413 = arith.mulf %div3A_22, %sub3A_412 : vector<32x64xf32>
    %reduce_sum3A_414 = vector.shape_cast %mul3A_413 : vector<32x64xf32> to vector<1x32x64xf32>
    %reduce_sum3A_415 = arith.constant dense<0.000000e+00> : vector<1xf32>
    %reduce_sum3A_416 = vector.multi_reduction <add>, %reduce_sum3A_414, %reduce_sum3A_415 [1, 2] : vector<1x32x64xf32> to vector<1xf32>
    %reduce_sum3A_417 = vector.shape_cast %reduce_sum3A_416 : vector<1xf32> to vector<1x1x1xf32>
    %reduce_sum3A_418 = vector.extract %reduce_sum3A_417[0, 0, 0] : f32 from vector<1x1x1xf32>
    %add3A_419 = arith.addf %add3A_318, %reduce_sum3A_418 : f32
    %get3A_420 = arith.constant 0 : index
    %get3A_421 = arith.constant 4 : index
    %get3A_422 = arith.constant 0 : index
    %get3A_423 = arith.constant 0 : index
    %get3A_424 = arith.constant 0 : index
    %get3A_425 = vector.load %arg1[%get3A_420, %get3A_421, %get3A_422, %get3A_423, %get3A_424] : memref<2x19x2x32x64xf32, #tpu.memory_space<vmem>>, vector<1x1x2x32x64xf32>
    %get3A_426 = vector.shape_cast %get3A_425 : vector<1x1x2x32x64xf32> to vector<2x32x64xf32>
    %get3A_427 = arith.constant 1 : index
    %get3A_428 = arith.constant 4 : index
    %get3A_429 = arith.constant 0 : index
    %get3A_430 = arith.constant 0 : index
    %get3A_431 = arith.constant 0 : index
    %get3A_432 = vector.load %arg1[%get3A_427, %get3A_428, %get3A_429, %get3A_430, %get3A_431] : memref<2x19x2x32x64xf32, #tpu.memory_space<vmem>>, vector<1x1x2x32x64xf32>
    %get3A_433 = vector.shape_cast %get3A_432 : vector<1x1x2x32x64xf32> to vector<2x32x64xf32>
    %add3A_434 = arith.addf %get3A_426, %get3A_433 : vector<2x32x64xf32>
    %get3A_435 = arith.constant 0 : index
    %get3A_436 = arith.constant 4 : index
    %get3A_437 = arith.constant 0 : index
    %get3A_438 = arith.constant 0 : index
    %get3A_439 = arith.constant 0 : index
    %get3A_440 = vector.load %arg2[%get3A_435, %get3A_436, %get3A_437, %get3A_438, %get3A_439] : memref<2x19x2x32x64xf32, #tpu.memory_space<vmem>>, vector<1x1x2x32x64xf32>
    %get3A_441 = vector.shape_cast %get3A_440 : vector<1x1x2x32x64xf32> to vector<2x32x64xf32>
    %add3A_442 = arith.addf %add3A_434, %get3A_441 : vector<2x32x64xf32>
    %get3A_443 = arith.constant 1 : index
    %get3A_444 = arith.constant 4 : index
    %get3A_445 = arith.constant 0 : index
    %get3A_446 = arith.constant 0 : index
    %get3A_447 = arith.constant 0 : index
    %get3A_448 = vector.load %arg2[%get3A_443, %get3A_444, %get3A_445, %get3A_446, %get3A_447] : memref<2x19x2x32x64xf32, #tpu.memory_space<vmem>>, vector<1x1x2x32x64xf32>
    %get3A_449 = vector.shape_cast %get3A_448 : vector<1x1x2x32x64xf32> to vector<2x32x64xf32>
    %add3A_450 = arith.addf %add3A_442, %get3A_449 : vector<2x32x64xf32>
    %slice3A_451 = vector.extract_strided_slice %add3A_450 {offsets = [1, 0, 0], sizes = [1, 32, 64], strides = [1, 1, 1]} : vector<2x32x64xf32> to vector<1x32x64xf32>
    %squeeze3A_452 = vector.shape_cast %slice3A_451 : vector<1x32x64xf32> to vector<32x64xf32>
    %slice3A_453 = vector.extract_strided_slice %add3A_450 {offsets = [0, 0, 0], sizes = [1, 32, 64], strides = [1, 1, 1]} : vector<2x32x64xf32> to vector<1x32x64xf32>
    %squeeze3A_454 = vector.shape_cast %slice3A_453 : vector<1x32x64xf32> to vector<32x64xf32>
    %add3A_455 = arith.addf %squeeze3A_454, %squeeze3A_452 : vector<32x64xf32>
    %dot_general3A_456 = arith.constant dense<0.000000e+00> : vector<32x64xf32>
    %dot_general3A_457 = tpu.matmul %add3A_455, %convert_element_type3A_1, %dot_general3A_456 {dimension_numbers = #tpu.dot_dimension_numbers<[1], [0], [0], [1], [0, 0, 1, 1], [], []>, transpose_lhs_hint = false} : vector<32x64xf32>, vector<64x64xf32>, vector<32x64xf32> -> vector<32x64xf32>
    %dot_general3A_458 = arith.constant dense<0.000000e+00> : vector<32x64xf32>
    %dot_general3A_459 = tpu.matmul %add3A_455, %broadcast_in_dim3A_2, %dot_general3A_458 {dimension_numbers = #tpu.dot_dimension_numbers<[1], [0], [0], [1], [0, 0, 1, 1], [], []>, transpose_lhs_hint = false} : vector<32x64xf32>, vector<64x64xf32>, vector<32x64xf32> -> vector<32x64xf32>
    %dot_general3A_460 = arith.constant dense<0.000000e+00> : vector<32x64xf32>
    %dot_general3A_461 = tpu.matmul %convert_element_type3A_6, %dot_general3A_459, %dot_general3A_460 {dimension_numbers = #tpu.dot_dimension_numbers<[1], [0], [0], [1], [0, 0, 1, 1], [], []>, transpose_lhs_hint = false} : vector<32x32xf32>, vector<32x64xf32>, vector<32x64xf32> -> vector<32x64xf32>
    %add3A_462 = arith.addf %dot_general3A_457, %dot_general3A_461 : vector<32x64xf32>
    %dot_general3A_463 = arith.constant dense<0.000000e+00> : vector<32x64xf32>
    %dot_general3A_464 = tpu.matmul %squeeze3A_452, %convert_element_type3A_1, %dot_general3A_463 {dimension_numbers = #tpu.dot_dimension_numbers<[1], [0], [0], [1], [0, 0, 1, 1], [], []>, transpose_lhs_hint = false} : vector<32x64xf32>, vector<64x64xf32>, vector<32x64xf32> -> vector<32x64xf32>
    %dot_general3A_465 = arith.constant dense<0.000000e+00> : vector<32x64xf32>
    %dot_general3A_466 = tpu.matmul %squeeze3A_452, %broadcast_in_dim3A_2, %dot_general3A_465 {dimension_numbers = #tpu.dot_dimension_numbers<[1], [0], [0], [1], [0, 0, 1, 1], [], []>, transpose_lhs_hint = false} : vector<32x64xf32>, vector<64x64xf32>, vector<32x64xf32> -> vector<32x64xf32>
    %dot_general3A_467 = arith.constant dense<0.000000e+00> : vector<32x64xf32>
    %dot_general3A_468 = tpu.matmul %convert_element_type3A_6, %dot_general3A_466, %dot_general3A_467 {dimension_numbers = #tpu.dot_dimension_numbers<[1], [0], [0], [1], [0, 0, 1, 1], [], []>, transpose_lhs_hint = false} : vector<32x32xf32>, vector<32x64xf32>, vector<32x64xf32> -> vector<32x64xf32>
    %add3A_469 = arith.addf %dot_general3A_464, %dot_general3A_468 : vector<32x64xf32>
    %reduce_sum3A_470 = vector.shape_cast %squeeze3A_452 : vector<32x64xf32> to vector<1x32x64xf32>
    %reduce_sum3A_471 = arith.constant dense<0.000000e+00> : vector<1xf32>
    %reduce_sum3A_472 = vector.multi_reduction <add>, %reduce_sum3A_470, %reduce_sum3A_471 [1, 2] : vector<1x32x64xf32> to vector<1xf32>
    %reduce_sum3A_473 = vector.shape_cast %reduce_sum3A_472 : vector<1xf32> to vector<1x1x1xf32>
    %reduce_sum3A_474 = vector.extract %reduce_sum3A_473[0, 0, 0] : f32 from vector<1x1x1xf32>
    %add3A_475 = vector.broadcast %reduce_sum3A_474 : f32 to vector<32x64xf32>
    %add3A_476 = arith.addf %add3A_475, %add3A_462 : vector<32x64xf32>
    %sub3A_477 = arith.subf %add3A_476, %add3A_469 : vector<32x64xf32>
    %max3A_478 = arith.constant 1.000000e+00 : f32
    %max3A_479 = vector.broadcast %max3A_478 : f32 to vector<32x64xf32>
    %max3A_480 = arith.maximumf %sub3A_477, %max3A_479 : vector<32x64xf32>
    %gt3A_481 = arith.constant 5.000000e-01 : f32
    %gt3A_482 = vector.broadcast %gt3A_481 : f32 to vector<32x64xf32>
    %gt3A_483 = arith.cmpf ogt, %add3A_462, %gt3A_482 : vector<32x64xf32>
    %sub3A_484 = vector.broadcast %reduce_sum3A_474 : f32 to vector<32x64xf32>
    %sub3A_485 = arith.subf %sub3A_484, %add3A_469 : vector<32x64xf32>
    %div3A_486 = arith.divf %sub3A_485, %max3A_480 : vector<32x64xf32>
    %sub3A_487 = arith.constant 1.000000e+00 : f32
    %sub3A_488 = vector.broadcast %sub3A_487 : f32 to vector<32x64xf32>
    %sub3A_489 = arith.subf %sub3A_488, %div3A_486 : vector<32x64xf32>
    %jit3A_490 = arith.constant 0.000000e+00 : f32
    %broadcast_in_dim3A_491 = vector.broadcast %jit3A_490 : f32 to vector<32x64xf32>
    %select_n3A_492 = arith.select %gt3A_483, %sub3A_489, %broadcast_in_dim3A_491 : vector<32x64xi1>, vector<32x64xf32>
    %sub3A_493 = arith.subf %add3A_462, %add3A_455 : vector<32x64xf32>
    %sub3A_494 = arith.subf %add3A_469, %squeeze3A_452 : vector<32x64xf32>
    %add3A_495 = vector.broadcast %reduce_sum3A_474 : f32 to vector<32x64xf32>
    %add3A_496 = arith.addf %add3A_495, %sub3A_493 : vector<32x64xf32>
    %sub3A_497 = arith.subf %add3A_496, %sub3A_494 : vector<32x64xf32>
    %max3A_498 = arith.constant 1.000000e+00 : f32
    %max3A_499 = vector.broadcast %max3A_498 : f32 to vector<32x64xf32>
    %max3A_500 = arith.maximumf %sub3A_497, %max3A_499 : vector<32x64xf32>
    %gt3A_501 = arith.constant 5.000000e-01 : f32
    %gt3A_502 = vector.broadcast %gt3A_501 : f32 to vector<32x64xf32>
    %gt3A_503 = arith.cmpf ogt, %sub3A_493, %gt3A_502 : vector<32x64xf32>
    %sub3A_504 = vector.broadcast %reduce_sum3A_474 : f32 to vector<32x64xf32>
    %sub3A_505 = arith.subf %sub3A_504, %sub3A_494 : vector<32x64xf32>
    %div3A_506 = arith.divf %sub3A_505, %max3A_500 : vector<32x64xf32>
    %sub3A_507 = arith.constant 1.000000e+00 : f32
    %sub3A_508 = vector.broadcast %sub3A_507 : f32 to vector<32x64xf32>
    %sub3A_509 = arith.subf %sub3A_508, %div3A_506 : vector<32x64xf32>
    %jit3A_510 = arith.constant 0.000000e+00 : f32
    %broadcast_in_dim3A_511 = vector.broadcast %jit3A_510 : f32 to vector<32x64xf32>
    %select_n3A_512 = arith.select %gt3A_503, %sub3A_509, %broadcast_in_dim3A_511 : vector<32x64xi1>, vector<32x64xf32>
    %sub3A_513 = arith.subf %select_n3A_492, %select_n3A_512 : vector<32x64xf32>
    %mul3A_514 = arith.mulf %div3A_22, %sub3A_513 : vector<32x64xf32>
    %reduce_sum3A_515 = vector.shape_cast %mul3A_514 : vector<32x64xf32> to vector<1x32x64xf32>
    %reduce_sum3A_516 = arith.constant dense<0.000000e+00> : vector<1xf32>
    %reduce_sum3A_517 = vector.multi_reduction <add>, %reduce_sum3A_515, %reduce_sum3A_516 [1, 2] : vector<1x32x64xf32> to vector<1xf32>
    %reduce_sum3A_518 = vector.shape_cast %reduce_sum3A_517 : vector<1xf32> to vector<1x1x1xf32>
    %reduce_sum3A_519 = vector.extract %reduce_sum3A_518[0, 0, 0] : f32 from vector<1x1x1xf32>
    %add3A_520 = arith.addf %add3A_419, %reduce_sum3A_519 : f32
    %get3A_521 = arith.constant 0 : index
    %get3A_522 = arith.constant 5 : index
    %get3A_523 = arith.constant 0 : index
    %get3A_524 = arith.constant 0 : index
    %get3A_525 = arith.constant 0 : index
    %get3A_526 = vector.load %arg1[%get3A_521, %get3A_522, %get3A_523, %get3A_524, %get3A_525] : memref<2x19x2x32x64xf32, #tpu.memory_space<vmem>>, vector<1x1x2x32x64xf32>
    %get3A_527 = vector.shape_cast %get3A_526 : vector<1x1x2x32x64xf32> to vector<2x32x64xf32>
    %get3A_528 = arith.constant 1 : index
    %get3A_529 = arith.constant 5 : index
    %get3A_530 = arith.constant 0 : index
    %get3A_531 = arith.constant 0 : index
    %get3A_532 = arith.constant 0 : index
    %get3A_533 = vector.load %arg1[%get3A_528, %get3A_529, %get3A_530, %get3A_531, %get3A_532] : memref<2x19x2x32x64xf32, #tpu.memory_space<vmem>>, vector<1x1x2x32x64xf32>
    %get3A_534 = vector.shape_cast %get3A_533 : vector<1x1x2x32x64xf32> to vector<2x32x64xf32>
    %add3A_535 = arith.addf %get3A_527, %get3A_534 : vector<2x32x64xf32>
    %get3A_536 = arith.constant 0 : index
    %get3A_537 = arith.constant 5 : index
    %get3A_538 = arith.constant 0 : index
    %get3A_539 = arith.constant 0 : index
    %get3A_540 = arith.constant 0 : index
    %get3A_541 = vector.load %arg2[%get3A_536, %get3A_537, %get3A_538, %get3A_539, %get3A_540] : memref<2x19x2x32x64xf32, #tpu.memory_space<vmem>>, vector<1x1x2x32x64xf32>
    %get3A_542 = vector.shape_cast %get3A_541 : vector<1x1x2x32x64xf32> to vector<2x32x64xf32>
    %add3A_543 = arith.addf %add3A_535, %get3A_542 : vector<2x32x64xf32>
    %get3A_544 = arith.constant 1 : index
    %get3A_545 = arith.constant 5 : index
    %get3A_546 = arith.constant 0 : index
    %get3A_547 = arith.constant 0 : index
    %get3A_548 = arith.constant 0 : index
    %get3A_549 = vector.load %arg2[%get3A_544, %get3A_545, %get3A_546, %get3A_547, %get3A_548] : memref<2x19x2x32x64xf32, #tpu.memory_space<vmem>>, vector<1x1x2x32x64xf32>
    %get3A_550 = vector.shape_cast %get3A_549 : vector<1x1x2x32x64xf32> to vector<2x32x64xf32>
    %add3A_551 = arith.addf %add3A_543, %get3A_550 : vector<2x32x64xf32>
    %slice3A_552 = vector.extract_strided_slice %add3A_551 {offsets = [1, 0, 0], sizes = [1, 32, 64], strides = [1, 1, 1]} : vector<2x32x64xf32> to vector<1x32x64xf32>
    %squeeze3A_553 = vector.shape_cast %slice3A_552 : vector<1x32x64xf32> to vector<32x64xf32>
    %slice3A_554 = vector.extract_strided_slice %add3A_551 {offsets = [0, 0, 0], sizes = [1, 32, 64], strides = [1, 1, 1]} : vector<2x32x64xf32> to vector<1x32x64xf32>
    %squeeze3A_555 = vector.shape_cast %slice3A_554 : vector<1x32x64xf32> to vector<32x64xf32>
    %add3A_556 = arith.addf %squeeze3A_555, %squeeze3A_553 : vector<32x64xf32>
    %dot_general3A_557 = arith.constant dense<0.000000e+00> : vector<32x64xf32>
    %dot_general3A_558 = tpu.matmul %add3A_556, %convert_element_type3A_1, %dot_general3A_557 {dimension_numbers = #tpu.dot_dimension_numbers<[1], [0], [0], [1], [0, 0, 1, 1], [], []>, transpose_lhs_hint = false} : vector<32x64xf32>, vector<64x64xf32>, vector<32x64xf32> -> vector<32x64xf32>
    %dot_general3A_559 = arith.constant dense<0.000000e+00> : vector<32x64xf32>
    %dot_general3A_560 = tpu.matmul %add3A_556, %broadcast_in_dim3A_2, %dot_general3A_559 {dimension_numbers = #tpu.dot_dimension_numbers<[1], [0], [0], [1], [0, 0, 1, 1], [], []>, transpose_lhs_hint = false} : vector<32x64xf32>, vector<64x64xf32>, vector<32x64xf32> -> vector<32x64xf32>
    %dot_general3A_561 = arith.constant dense<0.000000e+00> : vector<32x64xf32>
    %dot_general3A_562 = tpu.matmul %convert_element_type3A_6, %dot_general3A_560, %dot_general3A_561 {dimension_numbers = #tpu.dot_dimension_numbers<[1], [0], [0], [1], [0, 0, 1, 1], [], []>, transpose_lhs_hint = false} : vector<32x32xf32>, vector<32x64xf32>, vector<32x64xf32> -> vector<32x64xf32>
    %add3A_563 = arith.addf %dot_general3A_558, %dot_general3A_562 : vector<32x64xf32>
    %dot_general3A_564 = arith.constant dense<0.000000e+00> : vector<32x64xf32>
    %dot_general3A_565 = tpu.matmul %squeeze3A_553, %convert_element_type3A_1, %dot_general3A_564 {dimension_numbers = #tpu.dot_dimension_numbers<[1], [0], [0], [1], [0, 0, 1, 1], [], []>, transpose_lhs_hint = false} : vector<32x64xf32>, vector<64x64xf32>, vector<32x64xf32> -> vector<32x64xf32>
    %dot_general3A_566 = arith.constant dense<0.000000e+00> : vector<32x64xf32>
    %dot_general3A_567 = tpu.matmul %squeeze3A_553, %broadcast_in_dim3A_2, %dot_general3A_566 {dimension_numbers = #tpu.dot_dimension_numbers<[1], [0], [0], [1], [0, 0, 1, 1], [], []>, transpose_lhs_hint = false} : vector<32x64xf32>, vector<64x64xf32>, vector<32x64xf32> -> vector<32x64xf32>
    %dot_general3A_568 = arith.constant dense<0.000000e+00> : vector<32x64xf32>
    %dot_general3A_569 = tpu.matmul %convert_element_type3A_6, %dot_general3A_567, %dot_general3A_568 {dimension_numbers = #tpu.dot_dimension_numbers<[1], [0], [0], [1], [0, 0, 1, 1], [], []>, transpose_lhs_hint = false} : vector<32x32xf32>, vector<32x64xf32>, vector<32x64xf32> -> vector<32x64xf32>
    %add3A_570 = arith.addf %dot_general3A_565, %dot_general3A_569 : vector<32x64xf32>
    %reduce_sum3A_571 = vector.shape_cast %squeeze3A_553 : vector<32x64xf32> to vector<1x32x64xf32>
    %reduce_sum3A_572 = arith.constant dense<0.000000e+00> : vector<1xf32>
    %reduce_sum3A_573 = vector.multi_reduction <add>, %reduce_sum3A_571, %reduce_sum3A_572 [1, 2] : vector<1x32x64xf32> to vector<1xf32>
    %reduce_sum3A_574 = vector.shape_cast %reduce_sum3A_573 : vector<1xf32> to vector<1x1x1xf32>
    %reduce_sum3A_575 = vector.extract %reduce_sum3A_574[0, 0, 0] : f32 from vector<1x1x1xf32>
    %add3A_576 = vector.broadcast %reduce_sum3A_575 : f32 to vector<32x64xf32>
    %add3A_577 = arith.addf %add3A_576, %add3A_563 : vector<32x64xf32>
    %sub3A_578 = arith.subf %add3A_577, %add3A_570 : vector<32x64xf32>
    %max3A_579 = arith.constant 1.000000e+00 : f32
    %max3A_580 = vector.broadcast %max3A_579 : f32 to vector<32x64xf32>
    %max3A_581 = arith.maximumf %sub3A_578, %max3A_580 : vector<32x64xf32>
    %gt3A_582 = arith.constant 5.000000e-01 : f32
    %gt3A_583 = vector.broadcast %gt3A_582 : f32 to vector<32x64xf32>
    %gt3A_584 = arith.cmpf ogt, %add3A_563, %gt3A_583 : vector<32x64xf32>
    %sub3A_585 = vector.broadcast %reduce_sum3A_575 : f32 to vector<32x64xf32>
    %sub3A_586 = arith.subf %sub3A_585, %add3A_570 : vector<32x64xf32>
    %div3A_587 = arith.divf %sub3A_586, %max3A_581 : vector<32x64xf32>
    %sub3A_588 = arith.constant 1.000000e+00 : f32
    %sub3A_589 = vector.broadcast %sub3A_588 : f32 to vector<32x64xf32>
    %sub3A_590 = arith.subf %sub3A_589, %div3A_587 : vector<32x64xf32>
    %jit3A_591 = arith.constant 0.000000e+00 : f32
    %broadcast_in_dim3A_592 = vector.broadcast %jit3A_591 : f32 to vector<32x64xf32>
    %select_n3A_593 = arith.select %gt3A_584, %sub3A_590, %broadcast_in_dim3A_592 : vector<32x64xi1>, vector<32x64xf32>
    %sub3A_594 = arith.subf %add3A_563, %add3A_556 : vector<32x64xf32>
    %sub3A_595 = arith.subf %add3A_570, %squeeze3A_553 : vector<32x64xf32>
    %add3A_596 = vector.broadcast %reduce_sum3A_575 : f32 to vector<32x64xf32>
    %add3A_597 = arith.addf %add3A_596, %sub3A_594 : vector<32x64xf32>
    %sub3A_598 = arith.subf %add3A_597, %sub3A_595 : vector<32x64xf32>
    %max3A_599 = arith.constant 1.000000e+00 : f32
    %max3A_600 = vector.broadcast %max3A_599 : f32 to vector<32x64xf32>
    %max3A_601 = arith.maximumf %sub3A_598, %max3A_600 : vector<32x64xf32>
    %gt3A_602 = arith.constant 5.000000e-01 : f32
    %gt3A_603 = vector.broadcast %gt3A_602 : f32 to vector<32x64xf32>
    %gt3A_604 = arith.cmpf ogt, %sub3A_594, %gt3A_603 : vector<32x64xf32>
    %sub3A_605 = vector.broadcast %reduce_sum3A_575 : f32 to vector<32x64xf32>
    %sub3A_606 = arith.subf %sub3A_605, %sub3A_595 : vector<32x64xf32>
    %div3A_607 = arith.divf %sub3A_606, %max3A_601 : vector<32x64xf32>
    %sub3A_608 = arith.constant 1.000000e+00 : f32
    %sub3A_609 = vector.broadcast %sub3A_608 : f32 to vector<32x64xf32>
    %sub3A_610 = arith.subf %sub3A_609, %div3A_607 : vector<32x64xf32>
    %jit3A_611 = arith.constant 0.000000e+00 : f32
    %broadcast_in_dim3A_612 = vector.broadcast %jit3A_611 : f32 to vector<32x64xf32>
    %select_n3A_613 = arith.select %gt3A_604, %sub3A_610, %broadcast_in_dim3A_612 : vector<32x64xi1>, vector<32x64xf32>
    %sub3A_614 = arith.subf %select_n3A_593, %select_n3A_613 : vector<32x64xf32>
    %mul3A_615 = arith.mulf %div3A_22, %sub3A_614 : vector<32x64xf32>
    %reduce_sum3A_616 = vector.shape_cast %mul3A_615 : vector<32x64xf32> to vector<1x32x64xf32>
    %reduce_sum3A_617 = arith.constant dense<0.000000e+00> : vector<1xf32>
    %reduce_sum3A_618 = vector.multi_reduction <add>, %reduce_sum3A_616, %reduce_sum3A_617 [1, 2] : vector<1x32x64xf32> to vector<1xf32>
    %reduce_sum3A_619 = vector.shape_cast %reduce_sum3A_618 : vector<1xf32> to vector<1x1x1xf32>
    %reduce_sum3A_620 = vector.extract %reduce_sum3A_619[0, 0, 0] : f32 from vector<1x1x1xf32>
    %add3A_621 = arith.addf %add3A_520, %reduce_sum3A_620 : f32
    %get3A_622 = arith.constant 0 : index
    %get3A_623 = arith.constant 6 : index
    %get3A_624 = arith.constant 0 : index
    %get3A_625 = arith.constant 0 : index
    %get3A_626 = arith.constant 0 : index
    %get3A_627 = vector.load %arg1[%get3A_622, %get3A_623, %get3A_624, %get3A_625, %get3A_626] : memref<2x19x2x32x64xf32, #tpu.memory_space<vmem>>, vector<1x1x2x32x64xf32>
    %get3A_628 = vector.shape_cast %get3A_627 : vector<1x1x2x32x64xf32> to vector<2x32x64xf32>
    %get3A_629 = arith.constant 1 : index
    %get3A_630 = arith.constant 6 : index
    %get3A_631 = arith.constant 0 : index
    %get3A_632 = arith.constant 0 : index
    %get3A_633 = arith.constant 0 : index
    %get3A_634 = vector.load %arg1[%get3A_629, %get3A_630, %get3A_631, %get3A_632, %get3A_633] : memref<2x19x2x32x64xf32, #tpu.memory_space<vmem>>, vector<1x1x2x32x64xf32>
    %get3A_635 = vector.shape_cast %get3A_634 : vector<1x1x2x32x64xf32> to vector<2x32x64xf32>
    %add3A_636 = arith.addf %get3A_628, %get3A_635 : vector<2x32x64xf32>
    %get3A_637 = arith.constant 0 : index
    %get3A_638 = arith.constant 6 : index
    %get3A_639 = arith.constant 0 : index
    %get3A_640 = arith.constant 0 : index
    %get3A_641 = arith.constant 0 : index
    %get3A_642 = vector.load %arg2[%get3A_637, %get3A_638, %get3A_639, %get3A_640, %get3A_641] : memref<2x19x2x32x64xf32, #tpu.memory_space<vmem>>, vector<1x1x2x32x64xf32>
    %get3A_643 = vector.shape_cast %get3A_642 : vector<1x1x2x32x64xf32> to vector<2x32x64xf32>
    %add3A_644 = arith.addf %add3A_636, %get3A_643 : vector<2x32x64xf32>
    %get3A_645 = arith.constant 1 : index
    %get3A_646 = arith.constant 6 : index
    %get3A_647 = arith.constant 0 : index
    %get3A_648 = arith.constant 0 : index
    %get3A_649 = arith.constant 0 : index
    %get3A_650 = vector.load %arg2[%get3A_645, %get3A_646, %get3A_647, %get3A_648, %get3A_649] : memref<2x19x2x32x64xf32, #tpu.memory_space<vmem>>, vector<1x1x2x32x64xf32>
    %get3A_651 = vector.shape_cast %get3A_650 : vector<1x1x2x32x64xf32> to vector<2x32x64xf32>
    %add3A_652 = arith.addf %add3A_644, %get3A_651 : vector<2x32x64xf32>
    %slice3A_653 = vector.extract_strided_slice %add3A_652 {offsets = [1, 0, 0], sizes = [1, 32, 64], strides = [1, 1, 1]} : vector<2x32x64xf32> to vector<1x32x64xf32>
    %squeeze3A_654 = vector.shape_cast %slice3A_653 : vector<1x32x64xf32> to vector<32x64xf32>
    %slice3A_655 = vector.extract_strided_slice %add3A_652 {offsets = [0, 0, 0], sizes = [1, 32, 64], strides = [1, 1, 1]} : vector<2x32x64xf32> to vector<1x32x64xf32>
    %squeeze3A_656 = vector.shape_cast %slice3A_655 : vector<1x32x64xf32> to vector<32x64xf32>
    %add3A_657 = arith.addf %squeeze3A_656, %squeeze3A_654 : vector<32x64xf32>
    %dot_general3A_658 = arith.constant dense<0.000000e+00> : vector<32x64xf32>
    %dot_general3A_659 = tpu.matmul %add3A_657, %convert_element_type3A_1, %dot_general3A_658 {dimension_numbers = #tpu.dot_dimension_numbers<[1], [0], [0], [1], [0, 0, 1, 1], [], []>, transpose_lhs_hint = false} : vector<32x64xf32>, vector<64x64xf32>, vector<32x64xf32> -> vector<32x64xf32>
    %dot_general3A_660 = arith.constant dense<0.000000e+00> : vector<32x64xf32>
    %dot_general3A_661 = tpu.matmul %add3A_657, %broadcast_in_dim3A_2, %dot_general3A_660 {dimension_numbers = #tpu.dot_dimension_numbers<[1], [0], [0], [1], [0, 0, 1, 1], [], []>, transpose_lhs_hint = false} : vector<32x64xf32>, vector<64x64xf32>, vector<32x64xf32> -> vector<32x64xf32>
    %dot_general3A_662 = arith.constant dense<0.000000e+00> : vector<32x64xf32>
    %dot_general3A_663 = tpu.matmul %convert_element_type3A_6, %dot_general3A_661, %dot_general3A_662 {dimension_numbers = #tpu.dot_dimension_numbers<[1], [0], [0], [1], [0, 0, 1, 1], [], []>, transpose_lhs_hint = false} : vector<32x32xf32>, vector<32x64xf32>, vector<32x64xf32> -> vector<32x64xf32>
    %add3A_664 = arith.addf %dot_general3A_659, %dot_general3A_663 : vector<32x64xf32>
    %dot_general3A_665 = arith.constant dense<0.000000e+00> : vector<32x64xf32>
    %dot_general3A_666 = tpu.matmul %squeeze3A_654, %convert_element_type3A_1, %dot_general3A_665 {dimension_numbers = #tpu.dot_dimension_numbers<[1], [0], [0], [1], [0, 0, 1, 1], [], []>, transpose_lhs_hint = false} : vector<32x64xf32>, vector<64x64xf32>, vector<32x64xf32> -> vector<32x64xf32>
    %dot_general3A_667 = arith.constant dense<0.000000e+00> : vector<32x64xf32>
    %dot_general3A_668 = tpu.matmul %squeeze3A_654, %broadcast_in_dim3A_2, %dot_general3A_667 {dimension_numbers = #tpu.dot_dimension_numbers<[1], [0], [0], [1], [0, 0, 1, 1], [], []>, transpose_lhs_hint = false} : vector<32x64xf32>, vector<64x64xf32>, vector<32x64xf32> -> vector<32x64xf32>
    %dot_general3A_669 = arith.constant dense<0.000000e+00> : vector<32x64xf32>
    %dot_general3A_670 = tpu.matmul %convert_element_type3A_6, %dot_general3A_668, %dot_general3A_669 {dimension_numbers = #tpu.dot_dimension_numbers<[1], [0], [0], [1], [0, 0, 1, 1], [], []>, transpose_lhs_hint = false} : vector<32x32xf32>, vector<32x64xf32>, vector<32x64xf32> -> vector<32x64xf32>
    %add3A_671 = arith.addf %dot_general3A_666, %dot_general3A_670 : vector<32x64xf32>
    %reduce_sum3A_672 = vector.shape_cast %squeeze3A_654 : vector<32x64xf32> to vector<1x32x64xf32>
    %reduce_sum3A_673 = arith.constant dense<0.000000e+00> : vector<1xf32>
    %reduce_sum3A_674 = vector.multi_reduction <add>, %reduce_sum3A_672, %reduce_sum3A_673 [1, 2] : vector<1x32x64xf32> to vector<1xf32>
    %reduce_sum3A_675 = vector.shape_cast %reduce_sum3A_674 : vector<1xf32> to vector<1x1x1xf32>
    %reduce_sum3A_676 = vector.extract %reduce_sum3A_675[0, 0, 0] : f32 from vector<1x1x1xf32>
    %add3A_677 = vector.broadcast %reduce_sum3A_676 : f32 to vector<32x64xf32>
    %add3A_678 = arith.addf %add3A_677, %add3A_664 : vector<32x64xf32>
    %sub3A_679 = arith.subf %add3A_678, %add3A_671 : vector<32x64xf32>
    %max3A_680 = arith.constant 1.000000e+00 : f32
    %max3A_681 = vector.broadcast %max3A_680 : f32 to vector<32x64xf32>
    %max3A_682 = arith.maximumf %sub3A_679, %max3A_681 : vector<32x64xf32>
    %gt3A_683 = arith.constant 5.000000e-01 : f32
    %gt3A_684 = vector.broadcast %gt3A_683 : f32 to vector<32x64xf32>
    %gt3A_685 = arith.cmpf ogt, %add3A_664, %gt3A_684 : vector<32x64xf32>
    %sub3A_686 = vector.broadcast %reduce_sum3A_676 : f32 to vector<32x64xf32>
    %sub3A_687 = arith.subf %sub3A_686, %add3A_671 : vector<32x64xf32>
    %div3A_688 = arith.divf %sub3A_687, %max3A_682 : vector<32x64xf32>
    %sub3A_689 = arith.constant 1.000000e+00 : f32
    %sub3A_690 = vector.broadcast %sub3A_689 : f32 to vector<32x64xf32>
    %sub3A_691 = arith.subf %sub3A_690, %div3A_688 : vector<32x64xf32>
    %jit3A_692 = arith.constant 0.000000e+00 : f32
    %broadcast_in_dim3A_693 = vector.broadcast %jit3A_692 : f32 to vector<32x64xf32>
    %select_n3A_694 = arith.select %gt3A_685, %sub3A_691, %broadcast_in_dim3A_693 : vector<32x64xi1>, vector<32x64xf32>
    %sub3A_695 = arith.subf %add3A_664, %add3A_657 : vector<32x64xf32>
    %sub3A_696 = arith.subf %add3A_671, %squeeze3A_654 : vector<32x64xf32>
    %add3A_697 = vector.broadcast %reduce_sum3A_676 : f32 to vector<32x64xf32>
    %add3A_698 = arith.addf %add3A_697, %sub3A_695 : vector<32x64xf32>
    %sub3A_699 = arith.subf %add3A_698, %sub3A_696 : vector<32x64xf32>
    %max3A_700 = arith.constant 1.000000e+00 : f32
    %max3A_701 = vector.broadcast %max3A_700 : f32 to vector<32x64xf32>
    %max3A_702 = arith.maximumf %sub3A_699, %max3A_701 : vector<32x64xf32>
    %gt3A_703 = arith.constant 5.000000e-01 : f32
    %gt3A_704 = vector.broadcast %gt3A_703 : f32 to vector<32x64xf32>
    %gt3A_705 = arith.cmpf ogt, %sub3A_695, %gt3A_704 : vector<32x64xf32>
    %sub3A_706 = vector.broadcast %reduce_sum3A_676 : f32 to vector<32x64xf32>
    %sub3A_707 = arith.subf %sub3A_706, %sub3A_696 : vector<32x64xf32>
    %div3A_708 = arith.divf %sub3A_707, %max3A_702 : vector<32x64xf32>
    %sub3A_709 = arith.constant 1.000000e+00 : f32
    %sub3A_710 = vector.broadcast %sub3A_709 : f32 to vector<32x64xf32>
    %sub3A_711 = arith.subf %sub3A_710, %div3A_708 : vector<32x64xf32>
    %jit3A_712 = arith.constant 0.000000e+00 : f32
    %broadcast_in_dim3A_713 = vector.broadcast %jit3A_712 : f32 to vector<32x64xf32>
    %select_n3A_714 = arith.select %gt3A_705, %sub3A_711, %broadcast_in_dim3A_713 : vector<32x64xi1>, vector<32x64xf32>
    %sub3A_715 = arith.subf %select_n3A_694, %select_n3A_714 : vector<32x64xf32>
    %mul3A_716 = arith.mulf %div3A_22, %sub3A_715 : vector<32x64xf32>
    %reduce_sum3A_717 = vector.shape_cast %mul3A_716 : vector<32x64xf32> to vector<1x32x64xf32>
    %reduce_sum3A_718 = arith.constant dense<0.000000e+00> : vector<1xf32>
    %reduce_sum3A_719 = vector.multi_reduction <add>, %reduce_sum3A_717, %reduce_sum3A_718 [1, 2] : vector<1x32x64xf32> to vector<1xf32>
    %reduce_sum3A_720 = vector.shape_cast %reduce_sum3A_719 : vector<1xf32> to vector<1x1x1xf32>
    %reduce_sum3A_721 = vector.extract %reduce_sum3A_720[0, 0, 0] : f32 from vector<1x1x1xf32>
    %add3A_722 = arith.addf %add3A_621, %reduce_sum3A_721 : f32
    %get3A_723 = arith.constant 0 : index
    %get3A_724 = arith.constant 7 : index
    %get3A_725 = arith.constant 0 : index
    %get3A_726 = arith.constant 0 : index
    %get3A_727 = arith.constant 0 : index
    %get3A_728 = vector.load %arg1[%get3A_723, %get3A_724, %get3A_725, %get3A_726, %get3A_727] : memref<2x19x2x32x64xf32, #tpu.memory_space<vmem>>, vector<1x1x2x32x64xf32>
    %get3A_729 = vector.shape_cast %get3A_728 : vector<1x1x2x32x64xf32> to vector<2x32x64xf32>
    %get3A_730 = arith.constant 1 : index
    %get3A_731 = arith.constant 7 : index
    %get3A_732 = arith.constant 0 : index
    %get3A_733 = arith.constant 0 : index
    %get3A_734 = arith.constant 0 : index
    %get3A_735 = vector.load %arg1[%get3A_730, %get3A_731, %get3A_732, %get3A_733, %get3A_734] : memref<2x19x2x32x64xf32, #tpu.memory_space<vmem>>, vector<1x1x2x32x64xf32>
    %get3A_736 = vector.shape_cast %get3A_735 : vector<1x1x2x32x64xf32> to vector<2x32x64xf32>
    %add3A_737 = arith.addf %get3A_729, %get3A_736 : vector<2x32x64xf32>
    %get3A_738 = arith.constant 0 : index
    %get3A_739 = arith.constant 7 : index
    %get3A_740 = arith.constant 0 : index
    %get3A_741 = arith.constant 0 : index
    %get3A_742 = arith.constant 0 : index
    %get3A_743 = vector.load %arg2[%get3A_738, %get3A_739, %get3A_740, %get3A_741, %get3A_742] : memref<2x19x2x32x64xf32, #tpu.memory_space<vmem>>, vector<1x1x2x32x64xf32>
    %get3A_744 = vector.shape_cast %get3A_743 : vector<1x1x2x32x64xf32> to vector<2x32x64xf32>
    %add3A_745 = arith.addf %add3A_737, %get3A_744 : vector<2x32x64xf32>
    %get3A_746 = arith.constant 1 : index
    %get3A_747 = arith.constant 7 : index
    %get3A_748 = arith.constant 0 : index
    %get3A_749 = arith.constant 0 : index
    %get3A_750 = arith.constant 0 : index
    %get3A_751 = vector.load %arg2[%get3A_746, %get3A_747, %get3A_748, %get3A_749, %get3A_750] : memref<2x19x2x32x64xf32, #tpu.memory_space<vmem>>, vector<1x1x2x32x64xf32>
    %get3A_752 = vector.shape_cast %get3A_751 : vector<1x1x2x32x64xf32> to vector<2x32x64xf32>
    %add3A_753 = arith.addf %add3A_745, %get3A_752 : vector<2x32x64xf32>
    %slice3A_754 = vector.extract_strided_slice %add3A_753 {offsets = [1, 0, 0], sizes = [1, 32, 64], strides = [1, 1, 1]} : vector<2x32x64xf32> to vector<1x32x64xf32>
    %squeeze3A_755 = vector.shape_cast %slice3A_754 : vector<1x32x64xf32> to vector<32x64xf32>
    %slice3A_756 = vector.extract_strided_slice %add3A_753 {offsets = [0, 0, 0], sizes = [1, 32, 64], strides = [1, 1, 1]} : vector<2x32x64xf32> to vector<1x32x64xf32>
    %squeeze3A_757 = vector.shape_cast %slice3A_756 : vector<1x32x64xf32> to vector<32x64xf32>
    %add3A_758 = arith.addf %squeeze3A_757, %squeeze3A_755 : vector<32x64xf32>
    %dot_general3A_759 = arith.constant dense<0.000000e+00> : vector<32x64xf32>
    %dot_general3A_760 = tpu.matmul %add3A_758, %convert_element_type3A_1, %dot_general3A_759 {dimension_numbers = #tpu.dot_dimension_numbers<[1], [0], [0], [1], [0, 0, 1, 1], [], []>, transpose_lhs_hint = false} : vector<32x64xf32>, vector<64x64xf32>, vector<32x64xf32> -> vector<32x64xf32>
    %dot_general3A_761 = arith.constant dense<0.000000e+00> : vector<32x64xf32>
    %dot_general3A_762 = tpu.matmul %add3A_758, %broadcast_in_dim3A_2, %dot_general3A_761 {dimension_numbers = #tpu.dot_dimension_numbers<[1], [0], [0], [1], [0, 0, 1, 1], [], []>, transpose_lhs_hint = false} : vector<32x64xf32>, vector<64x64xf32>, vector<32x64xf32> -> vector<32x64xf32>
    %dot_general3A_763 = arith.constant dense<0.000000e+00> : vector<32x64xf32>
    %dot_general3A_764 = tpu.matmul %convert_element_type3A_6, %dot_general3A_762, %dot_general3A_763 {dimension_numbers = #tpu.dot_dimension_numbers<[1], [0], [0], [1], [0, 0, 1, 1], [], []>, transpose_lhs_hint = false} : vector<32x32xf32>, vector<32x64xf32>, vector<32x64xf32> -> vector<32x64xf32>
    %add3A_765 = arith.addf %dot_general3A_760, %dot_general3A_764 : vector<32x64xf32>
    %dot_general3A_766 = arith.constant dense<0.000000e+00> : vector<32x64xf32>
    %dot_general3A_767 = tpu.matmul %squeeze3A_755, %convert_element_type3A_1, %dot_general3A_766 {dimension_numbers = #tpu.dot_dimension_numbers<[1], [0], [0], [1], [0, 0, 1, 1], [], []>, transpose_lhs_hint = false} : vector<32x64xf32>, vector<64x64xf32>, vector<32x64xf32> -> vector<32x64xf32>
    %dot_general3A_768 = arith.constant dense<0.000000e+00> : vector<32x64xf32>
    %dot_general3A_769 = tpu.matmul %squeeze3A_755, %broadcast_in_dim3A_2, %dot_general3A_768 {dimension_numbers = #tpu.dot_dimension_numbers<[1], [0], [0], [1], [0, 0, 1, 1], [], []>, transpose_lhs_hint = false} : vector<32x64xf32>, vector<64x64xf32>, vector<32x64xf32> -> vector<32x64xf32>
    %dot_general3A_770 = arith.constant dense<0.000000e+00> : vector<32x64xf32>
    %dot_general3A_771 = tpu.matmul %convert_element_type3A_6, %dot_general3A_769, %dot_general3A_770 {dimension_numbers = #tpu.dot_dimension_numbers<[1], [0], [0], [1], [0, 0, 1, 1], [], []>, transpose_lhs_hint = false} : vector<32x32xf32>, vector<32x64xf32>, vector<32x64xf32> -> vector<32x64xf32>
    %add3A_772 = arith.addf %dot_general3A_767, %dot_general3A_771 : vector<32x64xf32>
    %reduce_sum3A_773 = vector.shape_cast %squeeze3A_755 : vector<32x64xf32> to vector<1x32x64xf32>
    %reduce_sum3A_774 = arith.constant dense<0.000000e+00> : vector<1xf32>
    %reduce_sum3A_775 = vector.multi_reduction <add>, %reduce_sum3A_773, %reduce_sum3A_774 [1, 2] : vector<1x32x64xf32> to vector<1xf32>
    %reduce_sum3A_776 = vector.shape_cast %reduce_sum3A_775 : vector<1xf32> to vector<1x1x1xf32>
    %reduce_sum3A_777 = vector.extract %reduce_sum3A_776[0, 0, 0] : f32 from vector<1x1x1xf32>
    %add3A_778 = vector.broadcast %reduce_sum3A_777 : f32 to vector<32x64xf32>
    %add3A_779 = arith.addf %add3A_778, %add3A_765 : vector<32x64xf32>
    %sub3A_780 = arith.subf %add3A_779, %add3A_772 : vector<32x64xf32>
    %max3A_781 = arith.constant 1.000000e+00 : f32
    %max3A_782 = vector.broadcast %max3A_781 : f32 to vector<32x64xf32>
    %max3A_783 = arith.maximumf %sub3A_780, %max3A_782 : vector<32x64xf32>
    %gt3A_784 = arith.constant 5.000000e-01 : f32
    %gt3A_785 = vector.broadcast %gt3A_784 : f32 to vector<32x64xf32>
    %gt3A_786 = arith.cmpf ogt, %add3A_765, %gt3A_785 : vector<32x64xf32>
    %sub3A_787 = vector.broadcast %reduce_sum3A_777 : f32 to vector<32x64xf32>
    %sub3A_788 = arith.subf %sub3A_787, %add3A_772 : vector<32x64xf32>
    %div3A_789 = arith.divf %sub3A_788, %max3A_783 : vector<32x64xf32>
    %sub3A_790 = arith.constant 1.000000e+00 : f32
    %sub3A_791 = vector.broadcast %sub3A_790 : f32 to vector<32x64xf32>
    %sub3A_792 = arith.subf %sub3A_791, %div3A_789 : vector<32x64xf32>
    %jit3A_793 = arith.constant 0.000000e+00 : f32
    %broadcast_in_dim3A_794 = vector.broadcast %jit3A_793 : f32 to vector<32x64xf32>
    %select_n3A_795 = arith.select %gt3A_786, %sub3A_792, %broadcast_in_dim3A_794 : vector<32x64xi1>, vector<32x64xf32>
    %sub3A_796 = arith.subf %add3A_765, %add3A_758 : vector<32x64xf32>
    %sub3A_797 = arith.subf %add3A_772, %squeeze3A_755 : vector<32x64xf32>
    %add3A_798 = vector.broadcast %reduce_sum3A_777 : f32 to vector<32x64xf32>
    %add3A_799 = arith.addf %add3A_798, %sub3A_796 : vector<32x64xf32>
    %sub3A_800 = arith.subf %add3A_799, %sub3A_797 : vector<32x64xf32>
    %max3A_801 = arith.constant 1.000000e+00 : f32
    %max3A_802 = vector.broadcast %max3A_801 : f32 to vector<32x64xf32>
    %max3A_803 = arith.maximumf %sub3A_800, %max3A_802 : vector<32x64xf32>
    %gt3A_804 = arith.constant 5.000000e-01 : f32
    %gt3A_805 = vector.broadcast %gt3A_804 : f32 to vector<32x64xf32>
    %gt3A_806 = arith.cmpf ogt, %sub3A_796, %gt3A_805 : vector<32x64xf32>
    %sub3A_807 = vector.broadcast %reduce_sum3A_777 : f32 to vector<32x64xf32>
    %sub3A_808 = arith.subf %sub3A_807, %sub3A_797 : vector<32x64xf32>
    %div3A_809 = arith.divf %sub3A_808, %max3A_803 : vector<32x64xf32>
    %sub3A_810 = arith.constant 1.000000e+00 : f32
    %sub3A_811 = vector.broadcast %sub3A_810 : f32 to vector<32x64xf32>
    %sub3A_812 = arith.subf %sub3A_811, %div3A_809 : vector<32x64xf32>
    %jit3A_813 = arith.constant 0.000000e+00 : f32
    %broadcast_in_dim3A_814 = vector.broadcast %jit3A_813 : f32 to vector<32x64xf32>
    %select_n3A_815 = arith.select %gt3A_806, %sub3A_812, %broadcast_in_dim3A_814 : vector<32x64xi1>, vector<32x64xf32>
    %sub3A_816 = arith.subf %select_n3A_795, %select_n3A_815 : vector<32x64xf32>
    %mul3A_817 = arith.mulf %div3A_22, %sub3A_816 : vector<32x64xf32>
    %reduce_sum3A_818 = vector.shape_cast %mul3A_817 : vector<32x64xf32> to vector<1x32x64xf32>
    %reduce_sum3A_819 = arith.constant dense<0.000000e+00> : vector<1xf32>
    %reduce_sum3A_820 = vector.multi_reduction <add>, %reduce_sum3A_818, %reduce_sum3A_819 [1, 2] : vector<1x32x64xf32> to vector<1xf32>
    %reduce_sum3A_821 = vector.shape_cast %reduce_sum3A_820 : vector<1xf32> to vector<1x1x1xf32>
    %reduce_sum3A_822 = vector.extract %reduce_sum3A_821[0, 0, 0] : f32 from vector<1x1x1xf32>
    %add3A_823 = arith.addf %add3A_722, %reduce_sum3A_822 : f32
    %get3A_824 = arith.constant 0 : index
    %get3A_825 = arith.constant 8 : index
    %get3A_826 = arith.constant 0 : index
    %get3A_827 = arith.constant 0 : index
    %get3A_828 = arith.constant 0 : index
    %get3A_829 = vector.load %arg1[%get3A_824, %get3A_825, %get3A_826, %get3A_827, %get3A_828] : memref<2x19x2x32x64xf32, #tpu.memory_space<vmem>>, vector<1x1x2x32x64xf32>
    %get3A_830 = vector.shape_cast %get3A_829 : vector<1x1x2x32x64xf32> to vector<2x32x64xf32>
    %get3A_831 = arith.constant 1 : index
    %get3A_832 = arith.constant 8 : index
    %get3A_833 = arith.constant 0 : index
    %get3A_834 = arith.constant 0 : index
    %get3A_835 = arith.constant 0 : index
    %get3A_836 = vector.load %arg1[%get3A_831, %get3A_832, %get3A_833, %get3A_834, %get3A_835] : memref<2x19x2x32x64xf32, #tpu.memory_space<vmem>>, vector<1x1x2x32x64xf32>
    %get3A_837 = vector.shape_cast %get3A_836 : vector<1x1x2x32x64xf32> to vector<2x32x64xf32>
    %add3A_838 = arith.addf %get3A_830, %get3A_837 : vector<2x32x64xf32>
    %get3A_839 = arith.constant 0 : index
    %get3A_840 = arith.constant 8 : index
    %get3A_841 = arith.constant 0 : index
    %get3A_842 = arith.constant 0 : index
    %get3A_843 = arith.constant 0 : index
    %get3A_844 = vector.load %arg2[%get3A_839, %get3A_840, %get3A_841, %get3A_842, %get3A_843] : memref<2x19x2x32x64xf32, #tpu.memory_space<vmem>>, vector<1x1x2x32x64xf32>
    %get3A_845 = vector.shape_cast %get3A_844 : vector<1x1x2x32x64xf32> to vector<2x32x64xf32>
    %add3A_846 = arith.addf %add3A_838, %get3A_845 : vector<2x32x64xf32>
    %get3A_847 = arith.constant 1 : index
    %get3A_848 = arith.constant 8 : index
    %get3A_849 = arith.constant 0 : index
    %get3A_850 = arith.constant 0 : index
    %get3A_851 = arith.constant 0 : index
    %get3A_852 = vector.load %arg2[%get3A_847, %get3A_848, %get3A_849, %get3A_850, %get3A_851] : memref<2x19x2x32x64xf32, #tpu.memory_space<vmem>>, vector<1x1x2x32x64xf32>
    %get3A_853 = vector.shape_cast %get3A_852 : vector<1x1x2x32x64xf32> to vector<2x32x64xf32>
    %add3A_854 = arith.addf %add3A_846, %get3A_853 : vector<2x32x64xf32>
    %slice3A_855 = vector.extract_strided_slice %add3A_854 {offsets = [1, 0, 0], sizes = [1, 32, 64], strides = [1, 1, 1]} : vector<2x32x64xf32> to vector<1x32x64xf32>
    %squeeze3A_856 = vector.shape_cast %slice3A_855 : vector<1x32x64xf32> to vector<32x64xf32>
    %slice3A_857 = vector.extract_strided_slice %add3A_854 {offsets = [0, 0, 0], sizes = [1, 32, 64], strides = [1, 1, 1]} : vector<2x32x64xf32> to vector<1x32x64xf32>
    %squeeze3A_858 = vector.shape_cast %slice3A_857 : vector<1x32x64xf32> to vector<32x64xf32>
    %add3A_859 = arith.addf %squeeze3A_858, %squeeze3A_856 : vector<32x64xf32>
    %dot_general3A_860 = arith.constant dense<0.000000e+00> : vector<32x64xf32>
    %dot_general3A_861 = tpu.matmul %add3A_859, %convert_element_type3A_1, %dot_general3A_860 {dimension_numbers = #tpu.dot_dimension_numbers<[1], [0], [0], [1], [0, 0, 1, 1], [], []>, transpose_lhs_hint = false} : vector<32x64xf32>, vector<64x64xf32>, vector<32x64xf32> -> vector<32x64xf32>
    %dot_general3A_862 = arith.constant dense<0.000000e+00> : vector<32x64xf32>
    %dot_general3A_863 = tpu.matmul %add3A_859, %broadcast_in_dim3A_2, %dot_general3A_862 {dimension_numbers = #tpu.dot_dimension_numbers<[1], [0], [0], [1], [0, 0, 1, 1], [], []>, transpose_lhs_hint = false} : vector<32x64xf32>, vector<64x64xf32>, vector<32x64xf32> -> vector<32x64xf32>
    %dot_general3A_864 = arith.constant dense<0.000000e+00> : vector<32x64xf32>
    %dot_general3A_865 = tpu.matmul %convert_element_type3A_6, %dot_general3A_863, %dot_general3A_864 {dimension_numbers = #tpu.dot_dimension_numbers<[1], [0], [0], [1], [0, 0, 1, 1], [], []>, transpose_lhs_hint = false} : vector<32x32xf32>, vector<32x64xf32>, vector<32x64xf32> -> vector<32x64xf32>
    %add3A_866 = arith.addf %dot_general3A_861, %dot_general3A_865 : vector<32x64xf32>
    %dot_general3A_867 = arith.constant dense<0.000000e+00> : vector<32x64xf32>
    %dot_general3A_868 = tpu.matmul %squeeze3A_856, %convert_element_type3A_1, %dot_general3A_867 {dimension_numbers = #tpu.dot_dimension_numbers<[1], [0], [0], [1], [0, 0, 1, 1], [], []>, transpose_lhs_hint = false} : vector<32x64xf32>, vector<64x64xf32>, vector<32x64xf32> -> vector<32x64xf32>
    %dot_general3A_869 = arith.constant dense<0.000000e+00> : vector<32x64xf32>
    %dot_general3A_870 = tpu.matmul %squeeze3A_856, %broadcast_in_dim3A_2, %dot_general3A_869 {dimension_numbers = #tpu.dot_dimension_numbers<[1], [0], [0], [1], [0, 0, 1, 1], [], []>, transpose_lhs_hint = false} : vector<32x64xf32>, vector<64x64xf32>, vector<32x64xf32> -> vector<32x64xf32>
    %dot_general3A_871 = arith.constant dense<0.000000e+00> : vector<32x64xf32>
    %dot_general3A_872 = tpu.matmul %convert_element_type3A_6, %dot_general3A_870, %dot_general3A_871 {dimension_numbers = #tpu.dot_dimension_numbers<[1], [0], [0], [1], [0, 0, 1, 1], [], []>, transpose_lhs_hint = false} : vector<32x32xf32>, vector<32x64xf32>, vector<32x64xf32> -> vector<32x64xf32>
    %add3A_873 = arith.addf %dot_general3A_868, %dot_general3A_872 : vector<32x64xf32>
    %reduce_sum3A_874 = vector.shape_cast %squeeze3A_856 : vector<32x64xf32> to vector<1x32x64xf32>
    %reduce_sum3A_875 = arith.constant dense<0.000000e+00> : vector<1xf32>
    %reduce_sum3A_876 = vector.multi_reduction <add>, %reduce_sum3A_874, %reduce_sum3A_875 [1, 2] : vector<1x32x64xf32> to vector<1xf32>
    %reduce_sum3A_877 = vector.shape_cast %reduce_sum3A_876 : vector<1xf32> to vector<1x1x1xf32>
    %reduce_sum3A_878 = vector.extract %reduce_sum3A_877[0, 0, 0] : f32 from vector<1x1x1xf32>
    %add3A_879 = vector.broadcast %reduce_sum3A_878 : f32 to vector<32x64xf32>
    %add3A_880 = arith.addf %add3A_879, %add3A_866 : vector<32x64xf32>
    %sub3A_881 = arith.subf %add3A_880, %add3A_873 : vector<32x64xf32>
    %max3A_882 = arith.constant 1.000000e+00 : f32
    %max3A_883 = vector.broadcast %max3A_882 : f32 to vector<32x64xf32>
    %max3A_884 = arith.maximumf %sub3A_881, %max3A_883 : vector<32x64xf32>
    %gt3A_885 = arith.constant 5.000000e-01 : f32
    %gt3A_886 = vector.broadcast %gt3A_885 : f32 to vector<32x64xf32>
    %gt3A_887 = arith.cmpf ogt, %add3A_866, %gt3A_886 : vector<32x64xf32>
    %sub3A_888 = vector.broadcast %reduce_sum3A_878 : f32 to vector<32x64xf32>
    %sub3A_889 = arith.subf %sub3A_888, %add3A_873 : vector<32x64xf32>
    %div3A_890 = arith.divf %sub3A_889, %max3A_884 : vector<32x64xf32>
    %sub3A_891 = arith.constant 1.000000e+00 : f32
    %sub3A_892 = vector.broadcast %sub3A_891 : f32 to vector<32x64xf32>
    %sub3A_893 = arith.subf %sub3A_892, %div3A_890 : vector<32x64xf32>
    %jit3A_894 = arith.constant 0.000000e+00 : f32
    %broadcast_in_dim3A_895 = vector.broadcast %jit3A_894 : f32 to vector<32x64xf32>
    %select_n3A_896 = arith.select %gt3A_887, %sub3A_893, %broadcast_in_dim3A_895 : vector<32x64xi1>, vector<32x64xf32>
    %sub3A_897 = arith.subf %add3A_866, %add3A_859 : vector<32x64xf32>
    %sub3A_898 = arith.subf %add3A_873, %squeeze3A_856 : vector<32x64xf32>
    %add3A_899 = vector.broadcast %reduce_sum3A_878 : f32 to vector<32x64xf32>
    %add3A_900 = arith.addf %add3A_899, %sub3A_897 : vector<32x64xf32>
    %sub3A_901 = arith.subf %add3A_900, %sub3A_898 : vector<32x64xf32>
    %max3A_902 = arith.constant 1.000000e+00 : f32
    %max3A_903 = vector.broadcast %max3A_902 : f32 to vector<32x64xf32>
    %max3A_904 = arith.maximumf %sub3A_901, %max3A_903 : vector<32x64xf32>
    %gt3A_905 = arith.constant 5.000000e-01 : f32
    %gt3A_906 = vector.broadcast %gt3A_905 : f32 to vector<32x64xf32>
    %gt3A_907 = arith.cmpf ogt, %sub3A_897, %gt3A_906 : vector<32x64xf32>
    %sub3A_908 = vector.broadcast %reduce_sum3A_878 : f32 to vector<32x64xf32>
    %sub3A_909 = arith.subf %sub3A_908, %sub3A_898 : vector<32x64xf32>
    %div3A_910 = arith.divf %sub3A_909, %max3A_904 : vector<32x64xf32>
    %sub3A_911 = arith.constant 1.000000e+00 : f32
    %sub3A_912 = vector.broadcast %sub3A_911 : f32 to vector<32x64xf32>
    %sub3A_913 = arith.subf %sub3A_912, %div3A_910 : vector<32x64xf32>
    %jit3A_914 = arith.constant 0.000000e+00 : f32
    %broadcast_in_dim3A_915 = vector.broadcast %jit3A_914 : f32 to vector<32x64xf32>
    %select_n3A_916 = arith.select %gt3A_907, %sub3A_913, %broadcast_in_dim3A_915 : vector<32x64xi1>, vector<32x64xf32>
    %sub3A_917 = arith.subf %select_n3A_896, %select_n3A_916 : vector<32x64xf32>
    %mul3A_918 = arith.mulf %div3A_22, %sub3A_917 : vector<32x64xf32>
    %reduce_sum3A_919 = vector.shape_cast %mul3A_918 : vector<32x64xf32> to vector<1x32x64xf32>
    %reduce_sum3A_920 = arith.constant dense<0.000000e+00> : vector<1xf32>
    %reduce_sum3A_921 = vector.multi_reduction <add>, %reduce_sum3A_919, %reduce_sum3A_920 [1, 2] : vector<1x32x64xf32> to vector<1xf32>
    %reduce_sum3A_922 = vector.shape_cast %reduce_sum3A_921 : vector<1xf32> to vector<1x1x1xf32>
    %reduce_sum3A_923 = vector.extract %reduce_sum3A_922[0, 0, 0] : f32 from vector<1x1x1xf32>
    %add3A_924 = arith.addf %add3A_823, %reduce_sum3A_923 : f32
    %get3A_925 = arith.constant 0 : index
    %get3A_926 = arith.constant 9 : index
    %get3A_927 = arith.constant 0 : index
    %get3A_928 = arith.constant 0 : index
    %get3A_929 = arith.constant 0 : index
    %get3A_930 = vector.load %arg1[%get3A_925, %get3A_926, %get3A_927, %get3A_928, %get3A_929] : memref<2x19x2x32x64xf32, #tpu.memory_space<vmem>>, vector<1x1x2x32x64xf32>
    %get3A_931 = vector.shape_cast %get3A_930 : vector<1x1x2x32x64xf32> to vector<2x32x64xf32>
    %get3A_932 = arith.constant 1 : index
    %get3A_933 = arith.constant 9 : index
    %get3A_934 = arith.constant 0 : index
    %get3A_935 = arith.constant 0 : index
    %get3A_936 = arith.constant 0 : index
    %get3A_937 = vector.load %arg1[%get3A_932, %get3A_933, %get3A_934, %get3A_935, %get3A_936] : memref<2x19x2x32x64xf32, #tpu.memory_space<vmem>>, vector<1x1x2x32x64xf32>
    %get3A_938 = vector.shape_cast %get3A_937 : vector<1x1x2x32x64xf32> to vector<2x32x64xf32>
    %add3A_939 = arith.addf %get3A_931, %get3A_938 : vector<2x32x64xf32>
    %get3A_940 = arith.constant 0 : index
    %get3A_941 = arith.constant 9 : index
    %get3A_942 = arith.constant 0 : index
    %get3A_943 = arith.constant 0 : index
    %get3A_944 = arith.constant 0 : index
    %get3A_945 = vector.load %arg2[%get3A_940, %get3A_941, %get3A_942, %get3A_943, %get3A_944] : memref<2x19x2x32x64xf32, #tpu.memory_space<vmem>>, vector<1x1x2x32x64xf32>
    %get3A_946 = vector.shape_cast %get3A_945 : vector<1x1x2x32x64xf32> to vector<2x32x64xf32>
    %add3A_947 = arith.addf %add3A_939, %get3A_946 : vector<2x32x64xf32>
    %get3A_948 = arith.constant 1 : index
    %get3A_949 = arith.constant 9 : index
    %get3A_950 = arith.constant 0 : index
    %get3A_951 = arith.constant 0 : index
    %get3A_952 = arith.constant 0 : index
    %get3A_953 = vector.load %arg2[%get3A_948, %get3A_949, %get3A_950, %get3A_951, %get3A_952] : memref<2x19x2x32x64xf32, #tpu.memory_space<vmem>>, vector<1x1x2x32x64xf32>
    %get3A_954 = vector.shape_cast %get3A_953 : vector<1x1x2x32x64xf32> to vector<2x32x64xf32>
    %add3A_955 = arith.addf %add3A_947, %get3A_954 : vector<2x32x64xf32>
    %slice3A_956 = vector.extract_strided_slice %add3A_955 {offsets = [1, 0, 0], sizes = [1, 32, 64], strides = [1, 1, 1]} : vector<2x32x64xf32> to vector<1x32x64xf32>
    %squeeze3A_957 = vector.shape_cast %slice3A_956 : vector<1x32x64xf32> to vector<32x64xf32>
    %slice3A_958 = vector.extract_strided_slice %add3A_955 {offsets = [0, 0, 0], sizes = [1, 32, 64], strides = [1, 1, 1]} : vector<2x32x64xf32> to vector<1x32x64xf32>
    %squeeze3A_959 = vector.shape_cast %slice3A_958 : vector<1x32x64xf32> to vector<32x64xf32>
    %add3A_960 = arith.addf %squeeze3A_959, %squeeze3A_957 : vector<32x64xf32>
    %dot_general3A_961 = arith.constant dense<0.000000e+00> : vector<32x64xf32>
    %dot_general3A_962 = tpu.matmul %add3A_960, %convert_element_type3A_1, %dot_general3A_961 {dimension_numbers = #tpu.dot_dimension_numbers<[1], [0], [0], [1], [0, 0, 1, 1], [], []>, transpose_lhs_hint = false} : vector<32x64xf32>, vector<64x64xf32>, vector<32x64xf32> -> vector<32x64xf32>
    %dot_general3A_963 = arith.constant dense<0.000000e+00> : vector<32x64xf32>
    %dot_general3A_964 = tpu.matmul %add3A_960, %broadcast_in_dim3A_2, %dot_general3A_963 {dimension_numbers = #tpu.dot_dimension_numbers<[1], [0], [0], [1], [0, 0, 1, 1], [], []>, transpose_lhs_hint = false} : vector<32x64xf32>, vector<64x64xf32>, vector<32x64xf32> -> vector<32x64xf32>
    %dot_general3A_965 = arith.constant dense<0.000000e+00> : vector<32x64xf32>
    %dot_general3A_966 = tpu.matmul %convert_element_type3A_6, %dot_general3A_964, %dot_general3A_965 {dimension_numbers = #tpu.dot_dimension_numbers<[1], [0], [0], [1], [0, 0, 1, 1], [], []>, transpose_lhs_hint = false} : vector<32x32xf32>, vector<32x64xf32>, vector<32x64xf32> -> vector<32x64xf32>
    %add3A_967 = arith.addf %dot_general3A_962, %dot_general3A_966 : vector<32x64xf32>
    %dot_general3A_968 = arith.constant dense<0.000000e+00> : vector<32x64xf32>
    %dot_general3A_969 = tpu.matmul %squeeze3A_957, %convert_element_type3A_1, %dot_general3A_968 {dimension_numbers = #tpu.dot_dimension_numbers<[1], [0], [0], [1], [0, 0, 1, 1], [], []>, transpose_lhs_hint = false} : vector<32x64xf32>, vector<64x64xf32>, vector<32x64xf32> -> vector<32x64xf32>
    %dot_general3A_970 = arith.constant dense<0.000000e+00> : vector<32x64xf32>
    %dot_general3A_971 = tpu.matmul %squeeze3A_957, %broadcast_in_dim3A_2, %dot_general3A_970 {dimension_numbers = #tpu.dot_dimension_numbers<[1], [0], [0], [1], [0, 0, 1, 1], [], []>, transpose_lhs_hint = false} : vector<32x64xf32>, vector<64x64xf32>, vector<32x64xf32> -> vector<32x64xf32>
    %dot_general3A_972 = arith.constant dense<0.000000e+00> : vector<32x64xf32>
    %dot_general3A_973 = tpu.matmul %convert_element_type3A_6, %dot_general3A_971, %dot_general3A_972 {dimension_numbers = #tpu.dot_dimension_numbers<[1], [0], [0], [1], [0, 0, 1, 1], [], []>, transpose_lhs_hint = false} : vector<32x32xf32>, vector<32x64xf32>, vector<32x64xf32> -> vector<32x64xf32>
    %add3A_974 = arith.addf %dot_general3A_969, %dot_general3A_973 : vector<32x64xf32>
    %reduce_sum3A_975 = vector.shape_cast %squeeze3A_957 : vector<32x64xf32> to vector<1x32x64xf32>
    %reduce_sum3A_976 = arith.constant dense<0.000000e+00> : vector<1xf32>
    %reduce_sum3A_977 = vector.multi_reduction <add>, %reduce_sum3A_975, %reduce_sum3A_976 [1, 2] : vector<1x32x64xf32> to vector<1xf32>
    %reduce_sum3A_978 = vector.shape_cast %reduce_sum3A_977 : vector<1xf32> to vector<1x1x1xf32>
    %reduce_sum3A_979 = vector.extract %reduce_sum3A_978[0, 0, 0] : f32 from vector<1x1x1xf32>
    %add3A_980 = vector.broadcast %reduce_sum3A_979 : f32 to vector<32x64xf32>
    %add3A_981 = arith.addf %add3A_980, %add3A_967 : vector<32x64xf32>
    %sub3A_982 = arith.subf %add3A_981, %add3A_974 : vector<32x64xf32>
    %max3A_983 = arith.constant 1.000000e+00 : f32
    %max3A_984 = vector.broadcast %max3A_983 : f32 to vector<32x64xf32>
    %max3A_985 = arith.maximumf %sub3A_982, %max3A_984 : vector<32x64xf32>
    %gt3A_986 = arith.constant 5.000000e-01 : f32
    %gt3A_987 = vector.broadcast %gt3A_986 : f32 to vector<32x64xf32>
    %gt3A_988 = arith.cmpf ogt, %add3A_967, %gt3A_987 : vector<32x64xf32>
    %sub3A_989 = vector.broadcast %reduce_sum3A_979 : f32 to vector<32x64xf32>
    %sub3A_990 = arith.subf %sub3A_989, %add3A_974 : vector<32x64xf32>
    %div3A_991 = arith.divf %sub3A_990, %max3A_985 : vector<32x64xf32>
    %sub3A_992 = arith.constant 1.000000e+00 : f32
    %sub3A_993 = vector.broadcast %sub3A_992 : f32 to vector<32x64xf32>
    %sub3A_994 = arith.subf %sub3A_993, %div3A_991 : vector<32x64xf32>
    %jit3A_995 = arith.constant 0.000000e+00 : f32
    %broadcast_in_dim3A_996 = vector.broadcast %jit3A_995 : f32 to vector<32x64xf32>
    %select_n3A_997 = arith.select %gt3A_988, %sub3A_994, %broadcast_in_dim3A_996 : vector<32x64xi1>, vector<32x64xf32>
    %sub3A_998 = arith.subf %add3A_967, %add3A_960 : vector<32x64xf32>
    %sub3A_999 = arith.subf %add3A_974, %squeeze3A_957 : vector<32x64xf32>
    %add3A_1000 = vector.broadcast %reduce_sum3A_979 : f32 to vector<32x64xf32>
    %add3A_1001 = arith.addf %add3A_1000, %sub3A_998 : vector<32x64xf32>
    %sub3A_1002 = arith.subf %add3A_1001, %sub3A_999 : vector<32x64xf32>
    %max3A_1003 = arith.constant 1.000000e+00 : f32
    %max3A_1004 = vector.broadcast %max3A_1003 : f32 to vector<32x64xf32>
    %max3A_1005 = arith.maximumf %sub3A_1002, %max3A_1004 : vector<32x64xf32>
    %gt3A_1006 = arith.constant 5.000000e-01 : f32
    %gt3A_1007 = vector.broadcast %gt3A_1006 : f32 to vector<32x64xf32>
    %gt3A_1008 = arith.cmpf ogt, %sub3A_998, %gt3A_1007 : vector<32x64xf32>
    %sub3A_1009 = vector.broadcast %reduce_sum3A_979 : f32 to vector<32x64xf32>
    %sub3A_1010 = arith.subf %sub3A_1009, %sub3A_999 : vector<32x64xf32>
    %div3A_1011 = arith.divf %sub3A_1010, %max3A_1005 : vector<32x64xf32>
    %sub3A_1012 = arith.constant 1.000000e+00 : f32
    %sub3A_1013 = vector.broadcast %sub3A_1012 : f32 to vector<32x64xf32>
    %sub3A_1014 = arith.subf %sub3A_1013, %div3A_1011 : vector<32x64xf32>
    %jit3A_1015 = arith.constant 0.000000e+00 : f32
    %broadcast_in_dim3A_1016 = vector.broadcast %jit3A_1015 : f32 to vector<32x64xf32>
    %select_n3A_1017 = arith.select %gt3A_1008, %sub3A_1014, %broadcast_in_dim3A_1016 : vector<32x64xi1>, vector<32x64xf32>
    %sub3A_1018 = arith.subf %select_n3A_997, %select_n3A_1017 : vector<32x64xf32>
    %mul3A_1019 = arith.mulf %div3A_22, %sub3A_1018 : vector<32x64xf32>
    %reduce_sum3A_1020 = vector.shape_cast %mul3A_1019 : vector<32x64xf32> to vector<1x32x64xf32>
    %reduce_sum3A_1021 = arith.constant dense<0.000000e+00> : vector<1xf32>
    %reduce_sum3A_1022 = vector.multi_reduction <add>, %reduce_sum3A_1020, %reduce_sum3A_1021 [1, 2] : vector<1x32x64xf32> to vector<1xf32>
    %reduce_sum3A_1023 = vector.shape_cast %reduce_sum3A_1022 : vector<1xf32> to vector<1x1x1xf32>
    %reduce_sum3A_1024 = vector.extract %reduce_sum3A_1023[0, 0, 0] : f32 from vector<1x1x1xf32>
    %add3A_1025 = arith.addf %add3A_924, %reduce_sum3A_1024 : f32
    %get3A_1026 = arith.constant 0 : index
    %get3A_1027 = arith.constant 10 : index
    %get3A_1028 = arith.constant 0 : index
    %get3A_1029 = arith.constant 0 : index
    %get3A_1030 = arith.constant 0 : index
    %get3A_1031 = vector.load %arg1[%get3A_1026, %get3A_1027, %get3A_1028, %get3A_1029, %get3A_1030] : memref<2x19x2x32x64xf32, #tpu.memory_space<vmem>>, vector<1x1x2x32x64xf32>
    %get3A_1032 = vector.shape_cast %get3A_1031 : vector<1x1x2x32x64xf32> to vector<2x32x64xf32>
    %get3A_1033 = arith.constant 1 : index
    %get3A_1034 = arith.constant 10 : index
    %get3A_1035 = arith.constant 0 : index
    %get3A_1036 = arith.constant 0 : index
    %get3A_1037 = arith.constant 0 : index
    %get3A_1038 = vector.load %arg1[%get3A_1033, %get3A_1034, %get3A_1035, %get3A_1036, %get3A_1037] : memref<2x19x2x32x64xf32, #tpu.memory_space<vmem>>, vector<1x1x2x32x64xf32>
    %get3A_1039 = vector.shape_cast %get3A_1038 : vector<1x1x2x32x64xf32> to vector<2x32x64xf32>
    %add3A_1040 = arith.addf %get3A_1032, %get3A_1039 : vector<2x32x64xf32>
    %get3A_1041 = arith.constant 0 : index
    %get3A_1042 = arith.constant 10 : index
    %get3A_1043 = arith.constant 0 : index
    %get3A_1044 = arith.constant 0 : index
    %get3A_1045 = arith.constant 0 : index
    %get3A_1046 = vector.load %arg2[%get3A_1041, %get3A_1042, %get3A_1043, %get3A_1044, %get3A_1045] : memref<2x19x2x32x64xf32, #tpu.memory_space<vmem>>, vector<1x1x2x32x64xf32>
    %get3A_1047 = vector.shape_cast %get3A_1046 : vector<1x1x2x32x64xf32> to vector<2x32x64xf32>
    %add3A_1048 = arith.addf %add3A_1040, %get3A_1047 : vector<2x32x64xf32>
    %get3A_1049 = arith.constant 1 : index
    %get3A_1050 = arith.constant 10 : index
    %get3A_1051 = arith.constant 0 : index
    %get3A_1052 = arith.constant 0 : index
    %get3A_1053 = arith.constant 0 : index
    %get3A_1054 = vector.load %arg2[%get3A_1049, %get3A_1050, %get3A_1051, %get3A_1052, %get3A_1053] : memref<2x19x2x32x64xf32, #tpu.memory_space<vmem>>, vector<1x1x2x32x64xf32>
    %get3A_1055 = vector.shape_cast %get3A_1054 : vector<1x1x2x32x64xf32> to vector<2x32x64xf32>
    %add3A_1056 = arith.addf %add3A_1048, %get3A_1055 : vector<2x32x64xf32>
    %slice3A_1057 = vector.extract_strided_slice %add3A_1056 {offsets = [1, 0, 0], sizes = [1, 32, 64], strides = [1, 1, 1]} : vector<2x32x64xf32> to vector<1x32x64xf32>
    %squeeze3A_1058 = vector.shape_cast %slice3A_1057 : vector<1x32x64xf32> to vector<32x64xf32>
    %slice3A_1059 = vector.extract_strided_slice %add3A_1056 {offsets = [0, 0, 0], sizes = [1, 32, 64], strides = [1, 1, 1]} : vector<2x32x64xf32> to vector<1x32x64xf32>
    %squeeze3A_1060 = vector.shape_cast %slice3A_1059 : vector<1x32x64xf32> to vector<32x64xf32>
    %add3A_1061 = arith.addf %squeeze3A_1060, %squeeze3A_1058 : vector<32x64xf32>
    %dot_general3A_1062 = arith.constant dense<0.000000e+00> : vector<32x64xf32>
    %dot_general3A_1063 = tpu.matmul %add3A_1061, %convert_element_type3A_1, %dot_general3A_1062 {dimension_numbers = #tpu.dot_dimension_numbers<[1], [0], [0], [1], [0, 0, 1, 1], [], []>, transpose_lhs_hint = false} : vector<32x64xf32>, vector<64x64xf32>, vector<32x64xf32> -> vector<32x64xf32>
    %dot_general3A_1064 = arith.constant dense<0.000000e+00> : vector<32x64xf32>
    %dot_general3A_1065 = tpu.matmul %add3A_1061, %broadcast_in_dim3A_2, %dot_general3A_1064 {dimension_numbers = #tpu.dot_dimension_numbers<[1], [0], [0], [1], [0, 0, 1, 1], [], []>, transpose_lhs_hint = false} : vector<32x64xf32>, vector<64x64xf32>, vector<32x64xf32> -> vector<32x64xf32>
    %dot_general3A_1066 = arith.constant dense<0.000000e+00> : vector<32x64xf32>
    %dot_general3A_1067 = tpu.matmul %convert_element_type3A_6, %dot_general3A_1065, %dot_general3A_1066 {dimension_numbers = #tpu.dot_dimension_numbers<[1], [0], [0], [1], [0, 0, 1, 1], [], []>, transpose_lhs_hint = false} : vector<32x32xf32>, vector<32x64xf32>, vector<32x64xf32> -> vector<32x64xf32>
    %add3A_1068 = arith.addf %dot_general3A_1063, %dot_general3A_1067 : vector<32x64xf32>
    %dot_general3A_1069 = arith.constant dense<0.000000e+00> : vector<32x64xf32>
    %dot_general3A_1070 = tpu.matmul %squeeze3A_1058, %convert_element_type3A_1, %dot_general3A_1069 {dimension_numbers = #tpu.dot_dimension_numbers<[1], [0], [0], [1], [0, 0, 1, 1], [], []>, transpose_lhs_hint = false} : vector<32x64xf32>, vector<64x64xf32>, vector<32x64xf32> -> vector<32x64xf32>
    %dot_general3A_1071 = arith.constant dense<0.000000e+00> : vector<32x64xf32>
    %dot_general3A_1072 = tpu.matmul %squeeze3A_1058, %broadcast_in_dim3A_2, %dot_general3A_1071 {dimension_numbers = #tpu.dot_dimension_numbers<[1], [0], [0], [1], [0, 0, 1, 1], [], []>, transpose_lhs_hint = false} : vector<32x64xf32>, vector<64x64xf32>, vector<32x64xf32> -> vector<32x64xf32>
    %dot_general3A_1073 = arith.constant dense<0.000000e+00> : vector<32x64xf32>
    %dot_general3A_1074 = tpu.matmul %convert_element_type3A_6, %dot_general3A_1072, %dot_general3A_1073 {dimension_numbers = #tpu.dot_dimension_numbers<[1], [0], [0], [1], [0, 0, 1, 1], [], []>, transpose_lhs_hint = false} : vector<32x32xf32>, vector<32x64xf32>, vector<32x64xf32> -> vector<32x64xf32>
    %add3A_1075 = arith.addf %dot_general3A_1070, %dot_general3A_1074 : vector<32x64xf32>
    %reduce_sum3A_1076 = vector.shape_cast %squeeze3A_1058 : vector<32x64xf32> to vector<1x32x64xf32>
    %reduce_sum3A_1077 = arith.constant dense<0.000000e+00> : vector<1xf32>
    %reduce_sum3A_1078 = vector.multi_reduction <add>, %reduce_sum3A_1076, %reduce_sum3A_1077 [1, 2] : vector<1x32x64xf32> to vector<1xf32>
    %reduce_sum3A_1079 = vector.shape_cast %reduce_sum3A_1078 : vector<1xf32> to vector<1x1x1xf32>
    %reduce_sum3A_1080 = vector.extract %reduce_sum3A_1079[0, 0, 0] : f32 from vector<1x1x1xf32>
    %add3A_1081 = vector.broadcast %reduce_sum3A_1080 : f32 to vector<32x64xf32>
    %add3A_1082 = arith.addf %add3A_1081, %add3A_1068 : vector<32x64xf32>
    %sub3A_1083 = arith.subf %add3A_1082, %add3A_1075 : vector<32x64xf32>
    %max3A_1084 = arith.constant 1.000000e+00 : f32
    %max3A_1085 = vector.broadcast %max3A_1084 : f32 to vector<32x64xf32>
    %max3A_1086 = arith.maximumf %sub3A_1083, %max3A_1085 : vector<32x64xf32>
    %gt3A_1087 = arith.constant 5.000000e-01 : f32
    %gt3A_1088 = vector.broadcast %gt3A_1087 : f32 to vector<32x64xf32>
    %gt3A_1089 = arith.cmpf ogt, %add3A_1068, %gt3A_1088 : vector<32x64xf32>
    %sub3A_1090 = vector.broadcast %reduce_sum3A_1080 : f32 to vector<32x64xf32>
    %sub3A_1091 = arith.subf %sub3A_1090, %add3A_1075 : vector<32x64xf32>
    %div3A_1092 = arith.divf %sub3A_1091, %max3A_1086 : vector<32x64xf32>
    %sub3A_1093 = arith.constant 1.000000e+00 : f32
    %sub3A_1094 = vector.broadcast %sub3A_1093 : f32 to vector<32x64xf32>
    %sub3A_1095 = arith.subf %sub3A_1094, %div3A_1092 : vector<32x64xf32>
    %jit3A_1096 = arith.constant 0.000000e+00 : f32
    %broadcast_in_dim3A_1097 = vector.broadcast %jit3A_1096 : f32 to vector<32x64xf32>
    %select_n3A_1098 = arith.select %gt3A_1089, %sub3A_1095, %broadcast_in_dim3A_1097 : vector<32x64xi1>, vector<32x64xf32>
    %sub3A_1099 = arith.subf %add3A_1068, %add3A_1061 : vector<32x64xf32>
    %sub3A_1100 = arith.subf %add3A_1075, %squeeze3A_1058 : vector<32x64xf32>
    %add3A_1101 = vector.broadcast %reduce_sum3A_1080 : f32 to vector<32x64xf32>
    %add3A_1102 = arith.addf %add3A_1101, %sub3A_1099 : vector<32x64xf32>
    %sub3A_1103 = arith.subf %add3A_1102, %sub3A_1100 : vector<32x64xf32>
    %max3A_1104 = arith.constant 1.000000e+00 : f32
    %max3A_1105 = vector.broadcast %max3A_1104 : f32 to vector<32x64xf32>
    %max3A_1106 = arith.maximumf %sub3A_1103, %max3A_1105 : vector<32x64xf32>
    %gt3A_1107 = arith.constant 5.000000e-01 : f32
    %gt3A_1108 = vector.broadcast %gt3A_1107 : f32 to vector<32x64xf32>
    %gt3A_1109 = arith.cmpf ogt, %sub3A_1099, %gt3A_1108 : vector<32x64xf32>
    %sub3A_1110 = vector.broadcast %reduce_sum3A_1080 : f32 to vector<32x64xf32>
    %sub3A_1111 = arith.subf %sub3A_1110, %sub3A_1100 : vector<32x64xf32>
    %div3A_1112 = arith.divf %sub3A_1111, %max3A_1106 : vector<32x64xf32>
    %sub3A_1113 = arith.constant 1.000000e+00 : f32
    %sub3A_1114 = vector.broadcast %sub3A_1113 : f32 to vector<32x64xf32>
    %sub3A_1115 = arith.subf %sub3A_1114, %div3A_1112 : vector<32x64xf32>
    %jit3A_1116 = arith.constant 0.000000e+00 : f32
    %broadcast_in_dim3A_1117 = vector.broadcast %jit3A_1116 : f32 to vector<32x64xf32>
    %select_n3A_1118 = arith.select %gt3A_1109, %sub3A_1115, %broadcast_in_dim3A_1117 : vector<32x64xi1>, vector<32x64xf32>
    %sub3A_1119 = arith.subf %select_n3A_1098, %select_n3A_1118 : vector<32x64xf32>
    %mul3A_1120 = arith.mulf %div3A_22, %sub3A_1119 : vector<32x64xf32>
    %reduce_sum3A_1121 = vector.shape_cast %mul3A_1120 : vector<32x64xf32> to vector<1x32x64xf32>
    %reduce_sum3A_1122 = arith.constant dense<0.000000e+00> : vector<1xf32>
    %reduce_sum3A_1123 = vector.multi_reduction <add>, %reduce_sum3A_1121, %reduce_sum3A_1122 [1, 2] : vector<1x32x64xf32> to vector<1xf32>
    %reduce_sum3A_1124 = vector.shape_cast %reduce_sum3A_1123 : vector<1xf32> to vector<1x1x1xf32>
    %reduce_sum3A_1125 = vector.extract %reduce_sum3A_1124[0, 0, 0] : f32 from vector<1x1x1xf32>
    %add3A_1126 = arith.addf %add3A_1025, %reduce_sum3A_1125 : f32
    %get3A_1127 = arith.constant 0 : index
    %get3A_1128 = arith.constant 11 : index
    %get3A_1129 = arith.constant 0 : index
    %get3A_1130 = arith.constant 0 : index
    %get3A_1131 = arith.constant 0 : index
    %get3A_1132 = vector.load %arg1[%get3A_1127, %get3A_1128, %get3A_1129, %get3A_1130, %get3A_1131] : memref<2x19x2x32x64xf32, #tpu.memory_space<vmem>>, vector<1x1x2x32x64xf32>
    %get3A_1133 = vector.shape_cast %get3A_1132 : vector<1x1x2x32x64xf32> to vector<2x32x64xf32>
    %get3A_1134 = arith.constant 1 : index
    %get3A_1135 = arith.constant 11 : index
    %get3A_1136 = arith.constant 0 : index
    %get3A_1137 = arith.constant 0 : index
    %get3A_1138 = arith.constant 0 : index
    %get3A_1139 = vector.load %arg1[%get3A_1134, %get3A_1135, %get3A_1136, %get3A_1137, %get3A_1138] : memref<2x19x2x32x64xf32, #tpu.memory_space<vmem>>, vector<1x1x2x32x64xf32>
    %get3A_1140 = vector.shape_cast %get3A_1139 : vector<1x1x2x32x64xf32> to vector<2x32x64xf32>
    %add3A_1141 = arith.addf %get3A_1133, %get3A_1140 : vector<2x32x64xf32>
    %get3A_1142 = arith.constant 0 : index
    %get3A_1143 = arith.constant 11 : index
    %get3A_1144 = arith.constant 0 : index
    %get3A_1145 = arith.constant 0 : index
    %get3A_1146 = arith.constant 0 : index
    %get3A_1147 = vector.load %arg2[%get3A_1142, %get3A_1143, %get3A_1144, %get3A_1145, %get3A_1146] : memref<2x19x2x32x64xf32, #tpu.memory_space<vmem>>, vector<1x1x2x32x64xf32>
    %get3A_1148 = vector.shape_cast %get3A_1147 : vector<1x1x2x32x64xf32> to vector<2x32x64xf32>
    %add3A_1149 = arith.addf %add3A_1141, %get3A_1148 : vector<2x32x64xf32>
    %get3A_1150 = arith.constant 1 : index
    %get3A_1151 = arith.constant 11 : index
    %get3A_1152 = arith.constant 0 : index
    %get3A_1153 = arith.constant 0 : index
    %get3A_1154 = arith.constant 0 : index
    %get3A_1155 = vector.load %arg2[%get3A_1150, %get3A_1151, %get3A_1152, %get3A_1153, %get3A_1154] : memref<2x19x2x32x64xf32, #tpu.memory_space<vmem>>, vector<1x1x2x32x64xf32>
    %get3A_1156 = vector.shape_cast %get3A_1155 : vector<1x1x2x32x64xf32> to vector<2x32x64xf32>
    %add3A_1157 = arith.addf %add3A_1149, %get3A_1156 : vector<2x32x64xf32>
    %slice3A_1158 = vector.extract_strided_slice %add3A_1157 {offsets = [1, 0, 0], sizes = [1, 32, 64], strides = [1, 1, 1]} : vector<2x32x64xf32> to vector<1x32x64xf32>
    %squeeze3A_1159 = vector.shape_cast %slice3A_1158 : vector<1x32x64xf32> to vector<32x64xf32>
    %slice3A_1160 = vector.extract_strided_slice %add3A_1157 {offsets = [0, 0, 0], sizes = [1, 32, 64], strides = [1, 1, 1]} : vector<2x32x64xf32> to vector<1x32x64xf32>
    %squeeze3A_1161 = vector.shape_cast %slice3A_1160 : vector<1x32x64xf32> to vector<32x64xf32>
    %add3A_1162 = arith.addf %squeeze3A_1161, %squeeze3A_1159 : vector<32x64xf32>
    %dot_general3A_1163 = arith.constant dense<0.000000e+00> : vector<32x64xf32>
    %dot_general3A_1164 = tpu.matmul %add3A_1162, %convert_element_type3A_1, %dot_general3A_1163 {dimension_numbers = #tpu.dot_dimension_numbers<[1], [0], [0], [1], [0, 0, 1, 1], [], []>, transpose_lhs_hint = false} : vector<32x64xf32>, vector<64x64xf32>, vector<32x64xf32> -> vector<32x64xf32>
    %dot_general3A_1165 = arith.constant dense<0.000000e+00> : vector<32x64xf32>
    %dot_general3A_1166 = tpu.matmul %add3A_1162, %broadcast_in_dim3A_2, %dot_general3A_1165 {dimension_numbers = #tpu.dot_dimension_numbers<[1], [0], [0], [1], [0, 0, 1, 1], [], []>, transpose_lhs_hint = false} : vector<32x64xf32>, vector<64x64xf32>, vector<32x64xf32> -> vector<32x64xf32>
    %dot_general3A_1167 = arith.constant dense<0.000000e+00> : vector<32x64xf32>
    %dot_general3A_1168 = tpu.matmul %convert_element_type3A_6, %dot_general3A_1166, %dot_general3A_1167 {dimension_numbers = #tpu.dot_dimension_numbers<[1], [0], [0], [1], [0, 0, 1, 1], [], []>, transpose_lhs_hint = false} : vector<32x32xf32>, vector<32x64xf32>, vector<32x64xf32> -> vector<32x64xf32>
    %add3A_1169 = arith.addf %dot_general3A_1164, %dot_general3A_1168 : vector<32x64xf32>
    %dot_general3A_1170 = arith.constant dense<0.000000e+00> : vector<32x64xf32>
    %dot_general3A_1171 = tpu.matmul %squeeze3A_1159, %convert_element_type3A_1, %dot_general3A_1170 {dimension_numbers = #tpu.dot_dimension_numbers<[1], [0], [0], [1], [0, 0, 1, 1], [], []>, transpose_lhs_hint = false} : vector<32x64xf32>, vector<64x64xf32>, vector<32x64xf32> -> vector<32x64xf32>
    %dot_general3A_1172 = arith.constant dense<0.000000e+00> : vector<32x64xf32>
    %dot_general3A_1173 = tpu.matmul %squeeze3A_1159, %broadcast_in_dim3A_2, %dot_general3A_1172 {dimension_numbers = #tpu.dot_dimension_numbers<[1], [0], [0], [1], [0, 0, 1, 1], [], []>, transpose_lhs_hint = false} : vector<32x64xf32>, vector<64x64xf32>, vector<32x64xf32> -> vector<32x64xf32>
    %dot_general3A_1174 = arith.constant dense<0.000000e+00> : vector<32x64xf32>
    %dot_general3A_1175 = tpu.matmul %convert_element_type3A_6, %dot_general3A_1173, %dot_general3A_1174 {dimension_numbers = #tpu.dot_dimension_numbers<[1], [0], [0], [1], [0, 0, 1, 1], [], []>, transpose_lhs_hint = false} : vector<32x32xf32>, vector<32x64xf32>, vector<32x64xf32> -> vector<32x64xf32>
    %add3A_1176 = arith.addf %dot_general3A_1171, %dot_general3A_1175 : vector<32x64xf32>
    %reduce_sum3A_1177 = vector.shape_cast %squeeze3A_1159 : vector<32x64xf32> to vector<1x32x64xf32>
    %reduce_sum3A_1178 = arith.constant dense<0.000000e+00> : vector<1xf32>
    %reduce_sum3A_1179 = vector.multi_reduction <add>, %reduce_sum3A_1177, %reduce_sum3A_1178 [1, 2] : vector<1x32x64xf32> to vector<1xf32>
    %reduce_sum3A_1180 = vector.shape_cast %reduce_sum3A_1179 : vector<1xf32> to vector<1x1x1xf32>
    %reduce_sum3A_1181 = vector.extract %reduce_sum3A_1180[0, 0, 0] : f32 from vector<1x1x1xf32>
    %add3A_1182 = vector.broadcast %reduce_sum3A_1181 : f32 to vector<32x64xf32>
    %add3A_1183 = arith.addf %add3A_1182, %add3A_1169 : vector<32x64xf32>
    %sub3A_1184 = arith.subf %add3A_1183, %add3A_1176 : vector<32x64xf32>
    %max3A_1185 = arith.constant 1.000000e+00 : f32
    %max3A_1186 = vector.broadcast %max3A_1185 : f32 to vector<32x64xf32>
    %max3A_1187 = arith.maximumf %sub3A_1184, %max3A_1186 : vector<32x64xf32>
    %gt3A_1188 = arith.constant 5.000000e-01 : f32
    %gt3A_1189 = vector.broadcast %gt3A_1188 : f32 to vector<32x64xf32>
    %gt3A_1190 = arith.cmpf ogt, %add3A_1169, %gt3A_1189 : vector<32x64xf32>
    %sub3A_1191 = vector.broadcast %reduce_sum3A_1181 : f32 to vector<32x64xf32>
    %sub3A_1192 = arith.subf %sub3A_1191, %add3A_1176 : vector<32x64xf32>
    %div3A_1193 = arith.divf %sub3A_1192, %max3A_1187 : vector<32x64xf32>
    %sub3A_1194 = arith.constant 1.000000e+00 : f32
    %sub3A_1195 = vector.broadcast %sub3A_1194 : f32 to vector<32x64xf32>
    %sub3A_1196 = arith.subf %sub3A_1195, %div3A_1193 : vector<32x64xf32>
    %jit3A_1197 = arith.constant 0.000000e+00 : f32
    %broadcast_in_dim3A_1198 = vector.broadcast %jit3A_1197 : f32 to vector<32x64xf32>
    %select_n3A_1199 = arith.select %gt3A_1190, %sub3A_1196, %broadcast_in_dim3A_1198 : vector<32x64xi1>, vector<32x64xf32>
    %sub3A_1200 = arith.subf %add3A_1169, %add3A_1162 : vector<32x64xf32>
    %sub3A_1201 = arith.subf %add3A_1176, %squeeze3A_1159 : vector<32x64xf32>
    %add3A_1202 = vector.broadcast %reduce_sum3A_1181 : f32 to vector<32x64xf32>
    %add3A_1203 = arith.addf %add3A_1202, %sub3A_1200 : vector<32x64xf32>
    %sub3A_1204 = arith.subf %add3A_1203, %sub3A_1201 : vector<32x64xf32>
    %max3A_1205 = arith.constant 1.000000e+00 : f32
    %max3A_1206 = vector.broadcast %max3A_1205 : f32 to vector<32x64xf32>
    %max3A_1207 = arith.maximumf %sub3A_1204, %max3A_1206 : vector<32x64xf32>
    %gt3A_1208 = arith.constant 5.000000e-01 : f32
    %gt3A_1209 = vector.broadcast %gt3A_1208 : f32 to vector<32x64xf32>
    %gt3A_1210 = arith.cmpf ogt, %sub3A_1200, %gt3A_1209 : vector<32x64xf32>
    %sub3A_1211 = vector.broadcast %reduce_sum3A_1181 : f32 to vector<32x64xf32>
    %sub3A_1212 = arith.subf %sub3A_1211, %sub3A_1201 : vector<32x64xf32>
    %div3A_1213 = arith.divf %sub3A_1212, %max3A_1207 : vector<32x64xf32>
    %sub3A_1214 = arith.constant 1.000000e+00 : f32
    %sub3A_1215 = vector.broadcast %sub3A_1214 : f32 to vector<32x64xf32>
    %sub3A_1216 = arith.subf %sub3A_1215, %div3A_1213 : vector<32x64xf32>
    %jit3A_1217 = arith.constant 0.000000e+00 : f32
    %broadcast_in_dim3A_1218 = vector.broadcast %jit3A_1217 : f32 to vector<32x64xf32>
    %select_n3A_1219 = arith.select %gt3A_1210, %sub3A_1216, %broadcast_in_dim3A_1218 : vector<32x64xi1>, vector<32x64xf32>
    %sub3A_1220 = arith.subf %select_n3A_1199, %select_n3A_1219 : vector<32x64xf32>
    %mul3A_1221 = arith.mulf %div3A_22, %sub3A_1220 : vector<32x64xf32>
    %reduce_sum3A_1222 = vector.shape_cast %mul3A_1221 : vector<32x64xf32> to vector<1x32x64xf32>
    %reduce_sum3A_1223 = arith.constant dense<0.000000e+00> : vector<1xf32>
    %reduce_sum3A_1224 = vector.multi_reduction <add>, %reduce_sum3A_1222, %reduce_sum3A_1223 [1, 2] : vector<1x32x64xf32> to vector<1xf32>
    %reduce_sum3A_1225 = vector.shape_cast %reduce_sum3A_1224 : vector<1xf32> to vector<1x1x1xf32>
    %reduce_sum3A_1226 = vector.extract %reduce_sum3A_1225[0, 0, 0] : f32 from vector<1x1x1xf32>
    %add3A_1227 = arith.addf %add3A_1126, %reduce_sum3A_1226 : f32
    %get3A_1228 = arith.constant 0 : index
    %get3A_1229 = arith.constant 12 : index
    %get3A_1230 = arith.constant 0 : index
    %get3A_1231 = arith.constant 0 : index
    %get3A_1232 = arith.constant 0 : index
    %get3A_1233 = vector.load %arg1[%get3A_1228, %get3A_1229, %get3A_1230, %get3A_1231, %get3A_1232] : memref<2x19x2x32x64xf32, #tpu.memory_space<vmem>>, vector<1x1x2x32x64xf32>
    %get3A_1234 = vector.shape_cast %get3A_1233 : vector<1x1x2x32x64xf32> to vector<2x32x64xf32>
    %get3A_1235 = arith.constant 1 : index
    %get3A_1236 = arith.constant 12 : index
    %get3A_1237 = arith.constant 0 : index
    %get3A_1238 = arith.constant 0 : index
    %get3A_1239 = arith.constant 0 : index
    %get3A_1240 = vector.load %arg1[%get3A_1235, %get3A_1236, %get3A_1237, %get3A_1238, %get3A_1239] : memref<2x19x2x32x64xf32, #tpu.memory_space<vmem>>, vector<1x1x2x32x64xf32>
    %get3A_1241 = vector.shape_cast %get3A_1240 : vector<1x1x2x32x64xf32> to vector<2x32x64xf32>
    %add3A_1242 = arith.addf %get3A_1234, %get3A_1241 : vector<2x32x64xf32>
    %get3A_1243 = arith.constant 0 : index
    %get3A_1244 = arith.constant 12 : index
    %get3A_1245 = arith.constant 0 : index
    %get3A_1246 = arith.constant 0 : index
    %get3A_1247 = arith.constant 0 : index
    %get3A_1248 = vector.load %arg2[%get3A_1243, %get3A_1244, %get3A_1245, %get3A_1246, %get3A_1247] : memref<2x19x2x32x64xf32, #tpu.memory_space<vmem>>, vector<1x1x2x32x64xf32>
    %get3A_1249 = vector.shape_cast %get3A_1248 : vector<1x1x2x32x64xf32> to vector<2x32x64xf32>
    %add3A_1250 = arith.addf %add3A_1242, %get3A_1249 : vector<2x32x64xf32>
    %get3A_1251 = arith.constant 1 : index
    %get3A_1252 = arith.constant 12 : index
    %get3A_1253 = arith.constant 0 : index
    %get3A_1254 = arith.constant 0 : index
    %get3A_1255 = arith.constant 0 : index
    %get3A_1256 = vector.load %arg2[%get3A_1251, %get3A_1252, %get3A_1253, %get3A_1254, %get3A_1255] : memref<2x19x2x32x64xf32, #tpu.memory_space<vmem>>, vector<1x1x2x32x64xf32>
    %get3A_1257 = vector.shape_cast %get3A_1256 : vector<1x1x2x32x64xf32> to vector<2x32x64xf32>
    %add3A_1258 = arith.addf %add3A_1250, %get3A_1257 : vector<2x32x64xf32>
    %slice3A_1259 = vector.extract_strided_slice %add3A_1258 {offsets = [1, 0, 0], sizes = [1, 32, 64], strides = [1, 1, 1]} : vector<2x32x64xf32> to vector<1x32x64xf32>
    %squeeze3A_1260 = vector.shape_cast %slice3A_1259 : vector<1x32x64xf32> to vector<32x64xf32>
    %slice3A_1261 = vector.extract_strided_slice %add3A_1258 {offsets = [0, 0, 0], sizes = [1, 32, 64], strides = [1, 1, 1]} : vector<2x32x64xf32> to vector<1x32x64xf32>
    %squeeze3A_1262 = vector.shape_cast %slice3A_1261 : vector<1x32x64xf32> to vector<32x64xf32>
    %add3A_1263 = arith.addf %squeeze3A_1262, %squeeze3A_1260 : vector<32x64xf32>
    %dot_general3A_1264 = arith.constant dense<0.000000e+00> : vector<32x64xf32>
    %dot_general3A_1265 = tpu.matmul %add3A_1263, %convert_element_type3A_1, %dot_general3A_1264 {dimension_numbers = #tpu.dot_dimension_numbers<[1], [0], [0], [1], [0, 0, 1, 1], [], []>, transpose_lhs_hint = false} : vector<32x64xf32>, vector<64x64xf32>, vector<32x64xf32> -> vector<32x64xf32>
    %dot_general3A_1266 = arith.constant dense<0.000000e+00> : vector<32x64xf32>
    %dot_general3A_1267 = tpu.matmul %add3A_1263, %broadcast_in_dim3A_2, %dot_general3A_1266 {dimension_numbers = #tpu.dot_dimension_numbers<[1], [0], [0], [1], [0, 0, 1, 1], [], []>, transpose_lhs_hint = false} : vector<32x64xf32>, vector<64x64xf32>, vector<32x64xf32> -> vector<32x64xf32>
    %dot_general3A_1268 = arith.constant dense<0.000000e+00> : vector<32x64xf32>
    %dot_general3A_1269 = tpu.matmul %convert_element_type3A_6, %dot_general3A_1267, %dot_general3A_1268 {dimension_numbers = #tpu.dot_dimension_numbers<[1], [0], [0], [1], [0, 0, 1, 1], [], []>, transpose_lhs_hint = false} : vector<32x32xf32>, vector<32x64xf32>, vector<32x64xf32> -> vector<32x64xf32>
    %add3A_1270 = arith.addf %dot_general3A_1265, %dot_general3A_1269 : vector<32x64xf32>
    %dot_general3A_1271 = arith.constant dense<0.000000e+00> : vector<32x64xf32>
    %dot_general3A_1272 = tpu.matmul %squeeze3A_1260, %convert_element_type3A_1, %dot_general3A_1271 {dimension_numbers = #tpu.dot_dimension_numbers<[1], [0], [0], [1], [0, 0, 1, 1], [], []>, transpose_lhs_hint = false} : vector<32x64xf32>, vector<64x64xf32>, vector<32x64xf32> -> vector<32x64xf32>
    %dot_general3A_1273 = arith.constant dense<0.000000e+00> : vector<32x64xf32>
    %dot_general3A_1274 = tpu.matmul %squeeze3A_1260, %broadcast_in_dim3A_2, %dot_general3A_1273 {dimension_numbers = #tpu.dot_dimension_numbers<[1], [0], [0], [1], [0, 0, 1, 1], [], []>, transpose_lhs_hint = false} : vector<32x64xf32>, vector<64x64xf32>, vector<32x64xf32> -> vector<32x64xf32>
    %dot_general3A_1275 = arith.constant dense<0.000000e+00> : vector<32x64xf32>
    %dot_general3A_1276 = tpu.matmul %convert_element_type3A_6, %dot_general3A_1274, %dot_general3A_1275 {dimension_numbers = #tpu.dot_dimension_numbers<[1], [0], [0], [1], [0, 0, 1, 1], [], []>, transpose_lhs_hint = false} : vector<32x32xf32>, vector<32x64xf32>, vector<32x64xf32> -> vector<32x64xf32>
    %add3A_1277 = arith.addf %dot_general3A_1272, %dot_general3A_1276 : vector<32x64xf32>
    %reduce_sum3A_1278 = vector.shape_cast %squeeze3A_1260 : vector<32x64xf32> to vector<1x32x64xf32>
    %reduce_sum3A_1279 = arith.constant dense<0.000000e+00> : vector<1xf32>
    %reduce_sum3A_1280 = vector.multi_reduction <add>, %reduce_sum3A_1278, %reduce_sum3A_1279 [1, 2] : vector<1x32x64xf32> to vector<1xf32>
    %reduce_sum3A_1281 = vector.shape_cast %reduce_sum3A_1280 : vector<1xf32> to vector<1x1x1xf32>
    %reduce_sum3A_1282 = vector.extract %reduce_sum3A_1281[0, 0, 0] : f32 from vector<1x1x1xf32>
    %add3A_1283 = vector.broadcast %reduce_sum3A_1282 : f32 to vector<32x64xf32>
    %add3A_1284 = arith.addf %add3A_1283, %add3A_1270 : vector<32x64xf32>
    %sub3A_1285 = arith.subf %add3A_1284, %add3A_1277 : vector<32x64xf32>
    %max3A_1286 = arith.constant 1.000000e+00 : f32
    %max3A_1287 = vector.broadcast %max3A_1286 : f32 to vector<32x64xf32>
    %max3A_1288 = arith.maximumf %sub3A_1285, %max3A_1287 : vector<32x64xf32>
    %gt3A_1289 = arith.constant 5.000000e-01 : f32
    %gt3A_1290 = vector.broadcast %gt3A_1289 : f32 to vector<32x64xf32>
    %gt3A_1291 = arith.cmpf ogt, %add3A_1270, %gt3A_1290 : vector<32x64xf32>
    %sub3A_1292 = vector.broadcast %reduce_sum3A_1282 : f32 to vector<32x64xf32>
    %sub3A_1293 = arith.subf %sub3A_1292, %add3A_1277 : vector<32x64xf32>
    %div3A_1294 = arith.divf %sub3A_1293, %max3A_1288 : vector<32x64xf32>
    %sub3A_1295 = arith.constant 1.000000e+00 : f32
    %sub3A_1296 = vector.broadcast %sub3A_1295 : f32 to vector<32x64xf32>
    %sub3A_1297 = arith.subf %sub3A_1296, %div3A_1294 : vector<32x64xf32>
    %jit3A_1298 = arith.constant 0.000000e+00 : f32
    %broadcast_in_dim3A_1299 = vector.broadcast %jit3A_1298 : f32 to vector<32x64xf32>
    %select_n3A_1300 = arith.select %gt3A_1291, %sub3A_1297, %broadcast_in_dim3A_1299 : vector<32x64xi1>, vector<32x64xf32>
    %sub3A_1301 = arith.subf %add3A_1270, %add3A_1263 : vector<32x64xf32>
    %sub3A_1302 = arith.subf %add3A_1277, %squeeze3A_1260 : vector<32x64xf32>
    %add3A_1303 = vector.broadcast %reduce_sum3A_1282 : f32 to vector<32x64xf32>
    %add3A_1304 = arith.addf %add3A_1303, %sub3A_1301 : vector<32x64xf32>
    %sub3A_1305 = arith.subf %add3A_1304, %sub3A_1302 : vector<32x64xf32>
    %max3A_1306 = arith.constant 1.000000e+00 : f32
    %max3A_1307 = vector.broadcast %max3A_1306 : f32 to vector<32x64xf32>
    %max3A_1308 = arith.maximumf %sub3A_1305, %max3A_1307 : vector<32x64xf32>
    %gt3A_1309 = arith.constant 5.000000e-01 : f32
    %gt3A_1310 = vector.broadcast %gt3A_1309 : f32 to vector<32x64xf32>
    %gt3A_1311 = arith.cmpf ogt, %sub3A_1301, %gt3A_1310 : vector<32x64xf32>
    %sub3A_1312 = vector.broadcast %reduce_sum3A_1282 : f32 to vector<32x64xf32>
    %sub3A_1313 = arith.subf %sub3A_1312, %sub3A_1302 : vector<32x64xf32>
    %div3A_1314 = arith.divf %sub3A_1313, %max3A_1308 : vector<32x64xf32>
    %sub3A_1315 = arith.constant 1.000000e+00 : f32
    %sub3A_1316 = vector.broadcast %sub3A_1315 : f32 to vector<32x64xf32>
    %sub3A_1317 = arith.subf %sub3A_1316, %div3A_1314 : vector<32x64xf32>
    %jit3A_1318 = arith.constant 0.000000e+00 : f32
    %broadcast_in_dim3A_1319 = vector.broadcast %jit3A_1318 : f32 to vector<32x64xf32>
    %select_n3A_1320 = arith.select %gt3A_1311, %sub3A_1317, %broadcast_in_dim3A_1319 : vector<32x64xi1>, vector<32x64xf32>
    %sub3A_1321 = arith.subf %select_n3A_1300, %select_n3A_1320 : vector<32x64xf32>
    %mul3A_1322 = arith.mulf %div3A_22, %sub3A_1321 : vector<32x64xf32>
    %reduce_sum3A_1323 = vector.shape_cast %mul3A_1322 : vector<32x64xf32> to vector<1x32x64xf32>
    %reduce_sum3A_1324 = arith.constant dense<0.000000e+00> : vector<1xf32>
    %reduce_sum3A_1325 = vector.multi_reduction <add>, %reduce_sum3A_1323, %reduce_sum3A_1324 [1, 2] : vector<1x32x64xf32> to vector<1xf32>
    %reduce_sum3A_1326 = vector.shape_cast %reduce_sum3A_1325 : vector<1xf32> to vector<1x1x1xf32>
    %reduce_sum3A_1327 = vector.extract %reduce_sum3A_1326[0, 0, 0] : f32 from vector<1x1x1xf32>
    %add3A_1328 = arith.addf %add3A_1227, %reduce_sum3A_1327 : f32
    %get3A_1329 = arith.constant 0 : index
    %get3A_1330 = arith.constant 13 : index
    %get3A_1331 = arith.constant 0 : index
    %get3A_1332 = arith.constant 0 : index
    %get3A_1333 = arith.constant 0 : index
    %get3A_1334 = vector.load %arg1[%get3A_1329, %get3A_1330, %get3A_1331, %get3A_1332, %get3A_1333] : memref<2x19x2x32x64xf32, #tpu.memory_space<vmem>>, vector<1x1x2x32x64xf32>
    %get3A_1335 = vector.shape_cast %get3A_1334 : vector<1x1x2x32x64xf32> to vector<2x32x64xf32>
    %get3A_1336 = arith.constant 1 : index
    %get3A_1337 = arith.constant 13 : index
    %get3A_1338 = arith.constant 0 : index
    %get3A_1339 = arith.constant 0 : index
    %get3A_1340 = arith.constant 0 : index
    %get3A_1341 = vector.load %arg1[%get3A_1336, %get3A_1337, %get3A_1338, %get3A_1339, %get3A_1340] : memref<2x19x2x32x64xf32, #tpu.memory_space<vmem>>, vector<1x1x2x32x64xf32>
    %get3A_1342 = vector.shape_cast %get3A_1341 : vector<1x1x2x32x64xf32> to vector<2x32x64xf32>
    %add3A_1343 = arith.addf %get3A_1335, %get3A_1342 : vector<2x32x64xf32>
    %get3A_1344 = arith.constant 0 : index
    %get3A_1345 = arith.constant 13 : index
    %get3A_1346 = arith.constant 0 : index
    %get3A_1347 = arith.constant 0 : index
    %get3A_1348 = arith.constant 0 : index
    %get3A_1349 = vector.load %arg2[%get3A_1344, %get3A_1345, %get3A_1346, %get3A_1347, %get3A_1348] : memref<2x19x2x32x64xf32, #tpu.memory_space<vmem>>, vector<1x1x2x32x64xf32>
    %get3A_1350 = vector.shape_cast %get3A_1349 : vector<1x1x2x32x64xf32> to vector<2x32x64xf32>
    %add3A_1351 = arith.addf %add3A_1343, %get3A_1350 : vector<2x32x64xf32>
    %get3A_1352 = arith.constant 1 : index
    %get3A_1353 = arith.constant 13 : index
    %get3A_1354 = arith.constant 0 : index
    %get3A_1355 = arith.constant 0 : index
    %get3A_1356 = arith.constant 0 : index
    %get3A_1357 = vector.load %arg2[%get3A_1352, %get3A_1353, %get3A_1354, %get3A_1355, %get3A_1356] : memref<2x19x2x32x64xf32, #tpu.memory_space<vmem>>, vector<1x1x2x32x64xf32>
    %get3A_1358 = vector.shape_cast %get3A_1357 : vector<1x1x2x32x64xf32> to vector<2x32x64xf32>
    %add3A_1359 = arith.addf %add3A_1351, %get3A_1358 : vector<2x32x64xf32>
    %slice3A_1360 = vector.extract_strided_slice %add3A_1359 {offsets = [1, 0, 0], sizes = [1, 32, 64], strides = [1, 1, 1]} : vector<2x32x64xf32> to vector<1x32x64xf32>
    %squeeze3A_1361 = vector.shape_cast %slice3A_1360 : vector<1x32x64xf32> to vector<32x64xf32>
    %slice3A_1362 = vector.extract_strided_slice %add3A_1359 {offsets = [0, 0, 0], sizes = [1, 32, 64], strides = [1, 1, 1]} : vector<2x32x64xf32> to vector<1x32x64xf32>
    %squeeze3A_1363 = vector.shape_cast %slice3A_1362 : vector<1x32x64xf32> to vector<32x64xf32>
    %add3A_1364 = arith.addf %squeeze3A_1363, %squeeze3A_1361 : vector<32x64xf32>
    %dot_general3A_1365 = arith.constant dense<0.000000e+00> : vector<32x64xf32>
    %dot_general3A_1366 = tpu.matmul %add3A_1364, %convert_element_type3A_1, %dot_general3A_1365 {dimension_numbers = #tpu.dot_dimension_numbers<[1], [0], [0], [1], [0, 0, 1, 1], [], []>, transpose_lhs_hint = false} : vector<32x64xf32>, vector<64x64xf32>, vector<32x64xf32> -> vector<32x64xf32>
    %dot_general3A_1367 = arith.constant dense<0.000000e+00> : vector<32x64xf32>
    %dot_general3A_1368 = tpu.matmul %add3A_1364, %broadcast_in_dim3A_2, %dot_general3A_1367 {dimension_numbers = #tpu.dot_dimension_numbers<[1], [0], [0], [1], [0, 0, 1, 1], [], []>, transpose_lhs_hint = false} : vector<32x64xf32>, vector<64x64xf32>, vector<32x64xf32> -> vector<32x64xf32>
    %dot_general3A_1369 = arith.constant dense<0.000000e+00> : vector<32x64xf32>
    %dot_general3A_1370 = tpu.matmul %convert_element_type3A_6, %dot_general3A_1368, %dot_general3A_1369 {dimension_numbers = #tpu.dot_dimension_numbers<[1], [0], [0], [1], [0, 0, 1, 1], [], []>, transpose_lhs_hint = false} : vector<32x32xf32>, vector<32x64xf32>, vector<32x64xf32> -> vector<32x64xf32>
    %add3A_1371 = arith.addf %dot_general3A_1366, %dot_general3A_1370 : vector<32x64xf32>
    %dot_general3A_1372 = arith.constant dense<0.000000e+00> : vector<32x64xf32>
    %dot_general3A_1373 = tpu.matmul %squeeze3A_1361, %convert_element_type3A_1, %dot_general3A_1372 {dimension_numbers = #tpu.dot_dimension_numbers<[1], [0], [0], [1], [0, 0, 1, 1], [], []>, transpose_lhs_hint = false} : vector<32x64xf32>, vector<64x64xf32>, vector<32x64xf32> -> vector<32x64xf32>
    %dot_general3A_1374 = arith.constant dense<0.000000e+00> : vector<32x64xf32>
    %dot_general3A_1375 = tpu.matmul %squeeze3A_1361, %broadcast_in_dim3A_2, %dot_general3A_1374 {dimension_numbers = #tpu.dot_dimension_numbers<[1], [0], [0], [1], [0, 0, 1, 1], [], []>, transpose_lhs_hint = false} : vector<32x64xf32>, vector<64x64xf32>, vector<32x64xf32> -> vector<32x64xf32>
    %dot_general3A_1376 = arith.constant dense<0.000000e+00> : vector<32x64xf32>
    %dot_general3A_1377 = tpu.matmul %convert_element_type3A_6, %dot_general3A_1375, %dot_general3A_1376 {dimension_numbers = #tpu.dot_dimension_numbers<[1], [0], [0], [1], [0, 0, 1, 1], [], []>, transpose_lhs_hint = false} : vector<32x32xf32>, vector<32x64xf32>, vector<32x64xf32> -> vector<32x64xf32>
    %add3A_1378 = arith.addf %dot_general3A_1373, %dot_general3A_1377 : vector<32x64xf32>
    %reduce_sum3A_1379 = vector.shape_cast %squeeze3A_1361 : vector<32x64xf32> to vector<1x32x64xf32>
    %reduce_sum3A_1380 = arith.constant dense<0.000000e+00> : vector<1xf32>
    %reduce_sum3A_1381 = vector.multi_reduction <add>, %reduce_sum3A_1379, %reduce_sum3A_1380 [1, 2] : vector<1x32x64xf32> to vector<1xf32>
    %reduce_sum3A_1382 = vector.shape_cast %reduce_sum3A_1381 : vector<1xf32> to vector<1x1x1xf32>
    %reduce_sum3A_1383 = vector.extract %reduce_sum3A_1382[0, 0, 0] : f32 from vector<1x1x1xf32>
    %add3A_1384 = vector.broadcast %reduce_sum3A_1383 : f32 to vector<32x64xf32>
    %add3A_1385 = arith.addf %add3A_1384, %add3A_1371 : vector<32x64xf32>
    %sub3A_1386 = arith.subf %add3A_1385, %add3A_1378 : vector<32x64xf32>
    %max3A_1387 = arith.constant 1.000000e+00 : f32
    %max3A_1388 = vector.broadcast %max3A_1387 : f32 to vector<32x64xf32>
    %max3A_1389 = arith.maximumf %sub3A_1386, %max3A_1388 : vector<32x64xf32>
    %gt3A_1390 = arith.constant 5.000000e-01 : f32
    %gt3A_1391 = vector.broadcast %gt3A_1390 : f32 to vector<32x64xf32>
    %gt3A_1392 = arith.cmpf ogt, %add3A_1371, %gt3A_1391 : vector<32x64xf32>
    %sub3A_1393 = vector.broadcast %reduce_sum3A_1383 : f32 to vector<32x64xf32>
    %sub3A_1394 = arith.subf %sub3A_1393, %add3A_1378 : vector<32x64xf32>
    %div3A_1395 = arith.divf %sub3A_1394, %max3A_1389 : vector<32x64xf32>
    %sub3A_1396 = arith.constant 1.000000e+00 : f32
    %sub3A_1397 = vector.broadcast %sub3A_1396 : f32 to vector<32x64xf32>
    %sub3A_1398 = arith.subf %sub3A_1397, %div3A_1395 : vector<32x64xf32>
    %jit3A_1399 = arith.constant 0.000000e+00 : f32
    %broadcast_in_dim3A_1400 = vector.broadcast %jit3A_1399 : f32 to vector<32x64xf32>
    %select_n3A_1401 = arith.select %gt3A_1392, %sub3A_1398, %broadcast_in_dim3A_1400 : vector<32x64xi1>, vector<32x64xf32>
    %sub3A_1402 = arith.subf %add3A_1371, %add3A_1364 : vector<32x64xf32>
    %sub3A_1403 = arith.subf %add3A_1378, %squeeze3A_1361 : vector<32x64xf32>
    %add3A_1404 = vector.broadcast %reduce_sum3A_1383 : f32 to vector<32x64xf32>
    %add3A_1405 = arith.addf %add3A_1404, %sub3A_1402 : vector<32x64xf32>
    %sub3A_1406 = arith.subf %add3A_1405, %sub3A_1403 : vector<32x64xf32>
    %max3A_1407 = arith.constant 1.000000e+00 : f32
    %max3A_1408 = vector.broadcast %max3A_1407 : f32 to vector<32x64xf32>
    %max3A_1409 = arith.maximumf %sub3A_1406, %max3A_1408 : vector<32x64xf32>
    %gt3A_1410 = arith.constant 5.000000e-01 : f32
    %gt3A_1411 = vector.broadcast %gt3A_1410 : f32 to vector<32x64xf32>
    %gt3A_1412 = arith.cmpf ogt, %sub3A_1402, %gt3A_1411 : vector<32x64xf32>
    %sub3A_1413 = vector.broadcast %reduce_sum3A_1383 : f32 to vector<32x64xf32>
    %sub3A_1414 = arith.subf %sub3A_1413, %sub3A_1403 : vector<32x64xf32>
    %div3A_1415 = arith.divf %sub3A_1414, %max3A_1409 : vector<32x64xf32>
    %sub3A_1416 = arith.constant 1.000000e+00 : f32
    %sub3A_1417 = vector.broadcast %sub3A_1416 : f32 to vector<32x64xf32>
    %sub3A_1418 = arith.subf %sub3A_1417, %div3A_1415 : vector<32x64xf32>
    %jit3A_1419 = arith.constant 0.000000e+00 : f32
    %broadcast_in_dim3A_1420 = vector.broadcast %jit3A_1419 : f32 to vector<32x64xf32>
    %select_n3A_1421 = arith.select %gt3A_1412, %sub3A_1418, %broadcast_in_dim3A_1420 : vector<32x64xi1>, vector<32x64xf32>
    %sub3A_1422 = arith.subf %select_n3A_1401, %select_n3A_1421 : vector<32x64xf32>
    %mul3A_1423 = arith.mulf %div3A_22, %sub3A_1422 : vector<32x64xf32>
    %reduce_sum3A_1424 = vector.shape_cast %mul3A_1423 : vector<32x64xf32> to vector<1x32x64xf32>
    %reduce_sum3A_1425 = arith.constant dense<0.000000e+00> : vector<1xf32>
    %reduce_sum3A_1426 = vector.multi_reduction <add>, %reduce_sum3A_1424, %reduce_sum3A_1425 [1, 2] : vector<1x32x64xf32> to vector<1xf32>
    %reduce_sum3A_1427 = vector.shape_cast %reduce_sum3A_1426 : vector<1xf32> to vector<1x1x1xf32>
    %reduce_sum3A_1428 = vector.extract %reduce_sum3A_1427[0, 0, 0] : f32 from vector<1x1x1xf32>
    %add3A_1429 = arith.addf %add3A_1328, %reduce_sum3A_1428 : f32
    %get3A_1430 = arith.constant 0 : index
    %get3A_1431 = arith.constant 14 : index
    %get3A_1432 = arith.constant 0 : index
    %get3A_1433 = arith.constant 0 : index
    %get3A_1434 = arith.constant 0 : index
    %get3A_1435 = vector.load %arg1[%get3A_1430, %get3A_1431, %get3A_1432, %get3A_1433, %get3A_1434] : memref<2x19x2x32x64xf32, #tpu.memory_space<vmem>>, vector<1x1x2x32x64xf32>
    %get3A_1436 = vector.shape_cast %get3A_1435 : vector<1x1x2x32x64xf32> to vector<2x32x64xf32>
    %get3A_1437 = arith.constant 1 : index
    %get3A_1438 = arith.constant 14 : index
    %get3A_1439 = arith.constant 0 : index
    %get3A_1440 = arith.constant 0 : index
    %get3A_1441 = arith.constant 0 : index
    %get3A_1442 = vector.load %arg1[%get3A_1437, %get3A_1438, %get3A_1439, %get3A_1440, %get3A_1441] : memref<2x19x2x32x64xf32, #tpu.memory_space<vmem>>, vector<1x1x2x32x64xf32>
    %get3A_1443 = vector.shape_cast %get3A_1442 : vector<1x1x2x32x64xf32> to vector<2x32x64xf32>
    %add3A_1444 = arith.addf %get3A_1436, %get3A_1443 : vector<2x32x64xf32>
    %get3A_1445 = arith.constant 0 : index
    %get3A_1446 = arith.constant 14 : index
    %get3A_1447 = arith.constant 0 : index
    %get3A_1448 = arith.constant 0 : index
    %get3A_1449 = arith.constant 0 : index
    %get3A_1450 = vector.load %arg2[%get3A_1445, %get3A_1446, %get3A_1447, %get3A_1448, %get3A_1449] : memref<2x19x2x32x64xf32, #tpu.memory_space<vmem>>, vector<1x1x2x32x64xf32>
    %get3A_1451 = vector.shape_cast %get3A_1450 : vector<1x1x2x32x64xf32> to vector<2x32x64xf32>
    %add3A_1452 = arith.addf %add3A_1444, %get3A_1451 : vector<2x32x64xf32>
    %get3A_1453 = arith.constant 1 : index
    %get3A_1454 = arith.constant 14 : index
    %get3A_1455 = arith.constant 0 : index
    %get3A_1456 = arith.constant 0 : index
    %get3A_1457 = arith.constant 0 : index
    %get3A_1458 = vector.load %arg2[%get3A_1453, %get3A_1454, %get3A_1455, %get3A_1456, %get3A_1457] : memref<2x19x2x32x64xf32, #tpu.memory_space<vmem>>, vector<1x1x2x32x64xf32>
    %get3A_1459 = vector.shape_cast %get3A_1458 : vector<1x1x2x32x64xf32> to vector<2x32x64xf32>
    %add3A_1460 = arith.addf %add3A_1452, %get3A_1459 : vector<2x32x64xf32>
    %slice3A_1461 = vector.extract_strided_slice %add3A_1460 {offsets = [1, 0, 0], sizes = [1, 32, 64], strides = [1, 1, 1]} : vector<2x32x64xf32> to vector<1x32x64xf32>
    %squeeze3A_1462 = vector.shape_cast %slice3A_1461 : vector<1x32x64xf32> to vector<32x64xf32>
    %slice3A_1463 = vector.extract_strided_slice %add3A_1460 {offsets = [0, 0, 0], sizes = [1, 32, 64], strides = [1, 1, 1]} : vector<2x32x64xf32> to vector<1x32x64xf32>
    %squeeze3A_1464 = vector.shape_cast %slice3A_1463 : vector<1x32x64xf32> to vector<32x64xf32>
    %add3A_1465 = arith.addf %squeeze3A_1464, %squeeze3A_1462 : vector<32x64xf32>
    %dot_general3A_1466 = arith.constant dense<0.000000e+00> : vector<32x64xf32>
    %dot_general3A_1467 = tpu.matmul %add3A_1465, %convert_element_type3A_1, %dot_general3A_1466 {dimension_numbers = #tpu.dot_dimension_numbers<[1], [0], [0], [1], [0, 0, 1, 1], [], []>, transpose_lhs_hint = false} : vector<32x64xf32>, vector<64x64xf32>, vector<32x64xf32> -> vector<32x64xf32>
    %dot_general3A_1468 = arith.constant dense<0.000000e+00> : vector<32x64xf32>
    %dot_general3A_1469 = tpu.matmul %add3A_1465, %broadcast_in_dim3A_2, %dot_general3A_1468 {dimension_numbers = #tpu.dot_dimension_numbers<[1], [0], [0], [1], [0, 0, 1, 1], [], []>, transpose_lhs_hint = false} : vector<32x64xf32>, vector<64x64xf32>, vector<32x64xf32> -> vector<32x64xf32>
    %dot_general3A_1470 = arith.constant dense<0.000000e+00> : vector<32x64xf32>
    %dot_general3A_1471 = tpu.matmul %convert_element_type3A_6, %dot_general3A_1469, %dot_general3A_1470 {dimension_numbers = #tpu.dot_dimension_numbers<[1], [0], [0], [1], [0, 0, 1, 1], [], []>, transpose_lhs_hint = false} : vector<32x32xf32>, vector<32x64xf32>, vector<32x64xf32> -> vector<32x64xf32>
    %add3A_1472 = arith.addf %dot_general3A_1467, %dot_general3A_1471 : vector<32x64xf32>
    %dot_general3A_1473 = arith.constant dense<0.000000e+00> : vector<32x64xf32>
    %dot_general3A_1474 = tpu.matmul %squeeze3A_1462, %convert_element_type3A_1, %dot_general3A_1473 {dimension_numbers = #tpu.dot_dimension_numbers<[1], [0], [0], [1], [0, 0, 1, 1], [], []>, transpose_lhs_hint = false} : vector<32x64xf32>, vector<64x64xf32>, vector<32x64xf32> -> vector<32x64xf32>
    %dot_general3A_1475 = arith.constant dense<0.000000e+00> : vector<32x64xf32>
    %dot_general3A_1476 = tpu.matmul %squeeze3A_1462, %broadcast_in_dim3A_2, %dot_general3A_1475 {dimension_numbers = #tpu.dot_dimension_numbers<[1], [0], [0], [1], [0, 0, 1, 1], [], []>, transpose_lhs_hint = false} : vector<32x64xf32>, vector<64x64xf32>, vector<32x64xf32> -> vector<32x64xf32>
    %dot_general3A_1477 = arith.constant dense<0.000000e+00> : vector<32x64xf32>
    %dot_general3A_1478 = tpu.matmul %convert_element_type3A_6, %dot_general3A_1476, %dot_general3A_1477 {dimension_numbers = #tpu.dot_dimension_numbers<[1], [0], [0], [1], [0, 0, 1, 1], [], []>, transpose_lhs_hint = false} : vector<32x32xf32>, vector<32x64xf32>, vector<32x64xf32> -> vector<32x64xf32>
    %add3A_1479 = arith.addf %dot_general3A_1474, %dot_general3A_1478 : vector<32x64xf32>
    %reduce_sum3A_1480 = vector.shape_cast %squeeze3A_1462 : vector<32x64xf32> to vector<1x32x64xf32>
    %reduce_sum3A_1481 = arith.constant dense<0.000000e+00> : vector<1xf32>
    %reduce_sum3A_1482 = vector.multi_reduction <add>, %reduce_sum3A_1480, %reduce_sum3A_1481 [1, 2] : vector<1x32x64xf32> to vector<1xf32>
    %reduce_sum3A_1483 = vector.shape_cast %reduce_sum3A_1482 : vector<1xf32> to vector<1x1x1xf32>
    %reduce_sum3A_1484 = vector.extract %reduce_sum3A_1483[0, 0, 0] : f32 from vector<1x1x1xf32>
    %add3A_1485 = vector.broadcast %reduce_sum3A_1484 : f32 to vector<32x64xf32>
    %add3A_1486 = arith.addf %add3A_1485, %add3A_1472 : vector<32x64xf32>
    %sub3A_1487 = arith.subf %add3A_1486, %add3A_1479 : vector<32x64xf32>
    %max3A_1488 = arith.constant 1.000000e+00 : f32
    %max3A_1489 = vector.broadcast %max3A_1488 : f32 to vector<32x64xf32>
    %max3A_1490 = arith.maximumf %sub3A_1487, %max3A_1489 : vector<32x64xf32>
    %gt3A_1491 = arith.constant 5.000000e-01 : f32
    %gt3A_1492 = vector.broadcast %gt3A_1491 : f32 to vector<32x64xf32>
    %gt3A_1493 = arith.cmpf ogt, %add3A_1472, %gt3A_1492 : vector<32x64xf32>
    %sub3A_1494 = vector.broadcast %reduce_sum3A_1484 : f32 to vector<32x64xf32>
    %sub3A_1495 = arith.subf %sub3A_1494, %add3A_1479 : vector<32x64xf32>
    %div3A_1496 = arith.divf %sub3A_1495, %max3A_1490 : vector<32x64xf32>
    %sub3A_1497 = arith.constant 1.000000e+00 : f32
    %sub3A_1498 = vector.broadcast %sub3A_1497 : f32 to vector<32x64xf32>
    %sub3A_1499 = arith.subf %sub3A_1498, %div3A_1496 : vector<32x64xf32>
    %jit3A_1500 = arith.constant 0.000000e+00 : f32
    %broadcast_in_dim3A_1501 = vector.broadcast %jit3A_1500 : f32 to vector<32x64xf32>
    %select_n3A_1502 = arith.select %gt3A_1493, %sub3A_1499, %broadcast_in_dim3A_1501 : vector<32x64xi1>, vector<32x64xf32>
    %sub3A_1503 = arith.subf %add3A_1472, %add3A_1465 : vector<32x64xf32>
    %sub3A_1504 = arith.subf %add3A_1479, %squeeze3A_1462 : vector<32x64xf32>
    %add3A_1505 = vector.broadcast %reduce_sum3A_1484 : f32 to vector<32x64xf32>
    %add3A_1506 = arith.addf %add3A_1505, %sub3A_1503 : vector<32x64xf32>
    %sub3A_1507 = arith.subf %add3A_1506, %sub3A_1504 : vector<32x64xf32>
    %max3A_1508 = arith.constant 1.000000e+00 : f32
    %max3A_1509 = vector.broadcast %max3A_1508 : f32 to vector<32x64xf32>
    %max3A_1510 = arith.maximumf %sub3A_1507, %max3A_1509 : vector<32x64xf32>
    %gt3A_1511 = arith.constant 5.000000e-01 : f32
    %gt3A_1512 = vector.broadcast %gt3A_1511 : f32 to vector<32x64xf32>
    %gt3A_1513 = arith.cmpf ogt, %sub3A_1503, %gt3A_1512 : vector<32x64xf32>
    %sub3A_1514 = vector.broadcast %reduce_sum3A_1484 : f32 to vector<32x64xf32>
    %sub3A_1515 = arith.subf %sub3A_1514, %sub3A_1504 : vector<32x64xf32>
    %div3A_1516 = arith.divf %sub3A_1515, %max3A_1510 : vector<32x64xf32>
    %sub3A_1517 = arith.constant 1.000000e+00 : f32
    %sub3A_1518 = vector.broadcast %sub3A_1517 : f32 to vector<32x64xf32>
    %sub3A_1519 = arith.subf %sub3A_1518, %div3A_1516 : vector<32x64xf32>
    %jit3A_1520 = arith.constant 0.000000e+00 : f32
    %broadcast_in_dim3A_1521 = vector.broadcast %jit3A_1520 : f32 to vector<32x64xf32>
    %select_n3A_1522 = arith.select %gt3A_1513, %sub3A_1519, %broadcast_in_dim3A_1521 : vector<32x64xi1>, vector<32x64xf32>
    %sub3A_1523 = arith.subf %select_n3A_1502, %select_n3A_1522 : vector<32x64xf32>
    %mul3A_1524 = arith.mulf %div3A_22, %sub3A_1523 : vector<32x64xf32>
    %reduce_sum3A_1525 = vector.shape_cast %mul3A_1524 : vector<32x64xf32> to vector<1x32x64xf32>
    %reduce_sum3A_1526 = arith.constant dense<0.000000e+00> : vector<1xf32>
    %reduce_sum3A_1527 = vector.multi_reduction <add>, %reduce_sum3A_1525, %reduce_sum3A_1526 [1, 2] : vector<1x32x64xf32> to vector<1xf32>
    %reduce_sum3A_1528 = vector.shape_cast %reduce_sum3A_1527 : vector<1xf32> to vector<1x1x1xf32>
    %reduce_sum3A_1529 = vector.extract %reduce_sum3A_1528[0, 0, 0] : f32 from vector<1x1x1xf32>
    %add3A_1530 = arith.addf %add3A_1429, %reduce_sum3A_1529 : f32
    %get3A_1531 = arith.constant 0 : index
    %get3A_1532 = arith.constant 15 : index
    %get3A_1533 = arith.constant 0 : index
    %get3A_1534 = arith.constant 0 : index
    %get3A_1535 = arith.constant 0 : index
    %get3A_1536 = vector.load %arg1[%get3A_1531, %get3A_1532, %get3A_1533, %get3A_1534, %get3A_1535] : memref<2x19x2x32x64xf32, #tpu.memory_space<vmem>>, vector<1x1x2x32x64xf32>
    %get3A_1537 = vector.shape_cast %get3A_1536 : vector<1x1x2x32x64xf32> to vector<2x32x64xf32>
    %get3A_1538 = arith.constant 1 : index
    %get3A_1539 = arith.constant 15 : index
    %get3A_1540 = arith.constant 0 : index
    %get3A_1541 = arith.constant 0 : index
    %get3A_1542 = arith.constant 0 : index
    %get3A_1543 = vector.load %arg1[%get3A_1538, %get3A_1539, %get3A_1540, %get3A_1541, %get3A_1542] : memref<2x19x2x32x64xf32, #tpu.memory_space<vmem>>, vector<1x1x2x32x64xf32>
    %get3A_1544 = vector.shape_cast %get3A_1543 : vector<1x1x2x32x64xf32> to vector<2x32x64xf32>
    %add3A_1545 = arith.addf %get3A_1537, %get3A_1544 : vector<2x32x64xf32>
    %get3A_1546 = arith.constant 0 : index
    %get3A_1547 = arith.constant 15 : index
    %get3A_1548 = arith.constant 0 : index
    %get3A_1549 = arith.constant 0 : index
    %get3A_1550 = arith.constant 0 : index
    %get3A_1551 = vector.load %arg2[%get3A_1546, %get3A_1547, %get3A_1548, %get3A_1549, %get3A_1550] : memref<2x19x2x32x64xf32, #tpu.memory_space<vmem>>, vector<1x1x2x32x64xf32>
    %get3A_1552 = vector.shape_cast %get3A_1551 : vector<1x1x2x32x64xf32> to vector<2x32x64xf32>
    %add3A_1553 = arith.addf %add3A_1545, %get3A_1552 : vector<2x32x64xf32>
    %get3A_1554 = arith.constant 1 : index
    %get3A_1555 = arith.constant 15 : index
    %get3A_1556 = arith.constant 0 : index
    %get3A_1557 = arith.constant 0 : index
    %get3A_1558 = arith.constant 0 : index
    %get3A_1559 = vector.load %arg2[%get3A_1554, %get3A_1555, %get3A_1556, %get3A_1557, %get3A_1558] : memref<2x19x2x32x64xf32, #tpu.memory_space<vmem>>, vector<1x1x2x32x64xf32>
    %get3A_1560 = vector.shape_cast %get3A_1559 : vector<1x1x2x32x64xf32> to vector<2x32x64xf32>
    %add3A_1561 = arith.addf %add3A_1553, %get3A_1560 : vector<2x32x64xf32>
    %slice3A_1562 = vector.extract_strided_slice %add3A_1561 {offsets = [1, 0, 0], sizes = [1, 32, 64], strides = [1, 1, 1]} : vector<2x32x64xf32> to vector<1x32x64xf32>
    %squeeze3A_1563 = vector.shape_cast %slice3A_1562 : vector<1x32x64xf32> to vector<32x64xf32>
    %slice3A_1564 = vector.extract_strided_slice %add3A_1561 {offsets = [0, 0, 0], sizes = [1, 32, 64], strides = [1, 1, 1]} : vector<2x32x64xf32> to vector<1x32x64xf32>
    %squeeze3A_1565 = vector.shape_cast %slice3A_1564 : vector<1x32x64xf32> to vector<32x64xf32>
    %add3A_1566 = arith.addf %squeeze3A_1565, %squeeze3A_1563 : vector<32x64xf32>
    %dot_general3A_1567 = arith.constant dense<0.000000e+00> : vector<32x64xf32>
    %dot_general3A_1568 = tpu.matmul %add3A_1566, %convert_element_type3A_1, %dot_general3A_1567 {dimension_numbers = #tpu.dot_dimension_numbers<[1], [0], [0], [1], [0, 0, 1, 1], [], []>, transpose_lhs_hint = false} : vector<32x64xf32>, vector<64x64xf32>, vector<32x64xf32> -> vector<32x64xf32>
    %dot_general3A_1569 = arith.constant dense<0.000000e+00> : vector<32x64xf32>
    %dot_general3A_1570 = tpu.matmul %add3A_1566, %broadcast_in_dim3A_2, %dot_general3A_1569 {dimension_numbers = #tpu.dot_dimension_numbers<[1], [0], [0], [1], [0, 0, 1, 1], [], []>, transpose_lhs_hint = false} : vector<32x64xf32>, vector<64x64xf32>, vector<32x64xf32> -> vector<32x64xf32>
    %dot_general3A_1571 = arith.constant dense<0.000000e+00> : vector<32x64xf32>
    %dot_general3A_1572 = tpu.matmul %convert_element_type3A_6, %dot_general3A_1570, %dot_general3A_1571 {dimension_numbers = #tpu.dot_dimension_numbers<[1], [0], [0], [1], [0, 0, 1, 1], [], []>, transpose_lhs_hint = false} : vector<32x32xf32>, vector<32x64xf32>, vector<32x64xf32> -> vector<32x64xf32>
    %add3A_1573 = arith.addf %dot_general3A_1568, %dot_general3A_1572 : vector<32x64xf32>
    %dot_general3A_1574 = arith.constant dense<0.000000e+00> : vector<32x64xf32>
    %dot_general3A_1575 = tpu.matmul %squeeze3A_1563, %convert_element_type3A_1, %dot_general3A_1574 {dimension_numbers = #tpu.dot_dimension_numbers<[1], [0], [0], [1], [0, 0, 1, 1], [], []>, transpose_lhs_hint = false} : vector<32x64xf32>, vector<64x64xf32>, vector<32x64xf32> -> vector<32x64xf32>
    %dot_general3A_1576 = arith.constant dense<0.000000e+00> : vector<32x64xf32>
    %dot_general3A_1577 = tpu.matmul %squeeze3A_1563, %broadcast_in_dim3A_2, %dot_general3A_1576 {dimension_numbers = #tpu.dot_dimension_numbers<[1], [0], [0], [1], [0, 0, 1, 1], [], []>, transpose_lhs_hint = false} : vector<32x64xf32>, vector<64x64xf32>, vector<32x64xf32> -> vector<32x64xf32>
    %dot_general3A_1578 = arith.constant dense<0.000000e+00> : vector<32x64xf32>
    %dot_general3A_1579 = tpu.matmul %convert_element_type3A_6, %dot_general3A_1577, %dot_general3A_1578 {dimension_numbers = #tpu.dot_dimension_numbers<[1], [0], [0], [1], [0, 0, 1, 1], [], []>, transpose_lhs_hint = false} : vector<32x32xf32>, vector<32x64xf32>, vector<32x64xf32> -> vector<32x64xf32>
    %add3A_1580 = arith.addf %dot_general3A_1575, %dot_general3A_1579 : vector<32x64xf32>
    %reduce_sum3A_1581 = vector.shape_cast %squeeze3A_1563 : vector<32x64xf32> to vector<1x32x64xf32>
    %reduce_sum3A_1582 = arith.constant dense<0.000000e+00> : vector<1xf32>
    %reduce_sum3A_1583 = vector.multi_reduction <add>, %reduce_sum3A_1581, %reduce_sum3A_1582 [1, 2] : vector<1x32x64xf32> to vector<1xf32>
    %reduce_sum3A_1584 = vector.shape_cast %reduce_sum3A_1583 : vector<1xf32> to vector<1x1x1xf32>
    %reduce_sum3A_1585 = vector.extract %reduce_sum3A_1584[0, 0, 0] : f32 from vector<1x1x1xf32>
    %add3A_1586 = vector.broadcast %reduce_sum3A_1585 : f32 to vector<32x64xf32>
    %add3A_1587 = arith.addf %add3A_1586, %add3A_1573 : vector<32x64xf32>
    %sub3A_1588 = arith.subf %add3A_1587, %add3A_1580 : vector<32x64xf32>
    %max3A_1589 = arith.constant 1.000000e+00 : f32
    %max3A_1590 = vector.broadcast %max3A_1589 : f32 to vector<32x64xf32>
    %max3A_1591 = arith.maximumf %sub3A_1588, %max3A_1590 : vector<32x64xf32>
    %gt3A_1592 = arith.constant 5.000000e-01 : f32
    %gt3A_1593 = vector.broadcast %gt3A_1592 : f32 to vector<32x64xf32>
    %gt3A_1594 = arith.cmpf ogt, %add3A_1573, %gt3A_1593 : vector<32x64xf32>
    %sub3A_1595 = vector.broadcast %reduce_sum3A_1585 : f32 to vector<32x64xf32>
    %sub3A_1596 = arith.subf %sub3A_1595, %add3A_1580 : vector<32x64xf32>
    %div3A_1597 = arith.divf %sub3A_1596, %max3A_1591 : vector<32x64xf32>
    %sub3A_1598 = arith.constant 1.000000e+00 : f32
    %sub3A_1599 = vector.broadcast %sub3A_1598 : f32 to vector<32x64xf32>
    %sub3A_1600 = arith.subf %sub3A_1599, %div3A_1597 : vector<32x64xf32>
    %jit3A_1601 = arith.constant 0.000000e+00 : f32
    %broadcast_in_dim3A_1602 = vector.broadcast %jit3A_1601 : f32 to vector<32x64xf32>
    %select_n3A_1603 = arith.select %gt3A_1594, %sub3A_1600, %broadcast_in_dim3A_1602 : vector<32x64xi1>, vector<32x64xf32>
    %sub3A_1604 = arith.subf %add3A_1573, %add3A_1566 : vector<32x64xf32>
    %sub3A_1605 = arith.subf %add3A_1580, %squeeze3A_1563 : vector<32x64xf32>
    %add3A_1606 = vector.broadcast %reduce_sum3A_1585 : f32 to vector<32x64xf32>
    %add3A_1607 = arith.addf %add3A_1606, %sub3A_1604 : vector<32x64xf32>
    %sub3A_1608 = arith.subf %add3A_1607, %sub3A_1605 : vector<32x64xf32>
    %max3A_1609 = arith.constant 1.000000e+00 : f32
    %max3A_1610 = vector.broadcast %max3A_1609 : f32 to vector<32x64xf32>
    %max3A_1611 = arith.maximumf %sub3A_1608, %max3A_1610 : vector<32x64xf32>
    %gt3A_1612 = arith.constant 5.000000e-01 : f32
    %gt3A_1613 = vector.broadcast %gt3A_1612 : f32 to vector<32x64xf32>
    %gt3A_1614 = arith.cmpf ogt, %sub3A_1604, %gt3A_1613 : vector<32x64xf32>
    %sub3A_1615 = vector.broadcast %reduce_sum3A_1585 : f32 to vector<32x64xf32>
    %sub3A_1616 = arith.subf %sub3A_1615, %sub3A_1605 : vector<32x64xf32>
    %div3A_1617 = arith.divf %sub3A_1616, %max3A_1611 : vector<32x64xf32>
    %sub3A_1618 = arith.constant 1.000000e+00 : f32
    %sub3A_1619 = vector.broadcast %sub3A_1618 : f32 to vector<32x64xf32>
    %sub3A_1620 = arith.subf %sub3A_1619, %div3A_1617 : vector<32x64xf32>
    %jit3A_1621 = arith.constant 0.000000e+00 : f32
    %broadcast_in_dim3A_1622 = vector.broadcast %jit3A_1621 : f32 to vector<32x64xf32>
    %select_n3A_1623 = arith.select %gt3A_1614, %sub3A_1620, %broadcast_in_dim3A_1622 : vector<32x64xi1>, vector<32x64xf32>
    %sub3A_1624 = arith.subf %select_n3A_1603, %select_n3A_1623 : vector<32x64xf32>
    %mul3A_1625 = arith.mulf %div3A_22, %sub3A_1624 : vector<32x64xf32>
    %reduce_sum3A_1626 = vector.shape_cast %mul3A_1625 : vector<32x64xf32> to vector<1x32x64xf32>
    %reduce_sum3A_1627 = arith.constant dense<0.000000e+00> : vector<1xf32>
    %reduce_sum3A_1628 = vector.multi_reduction <add>, %reduce_sum3A_1626, %reduce_sum3A_1627 [1, 2] : vector<1x32x64xf32> to vector<1xf32>
    %reduce_sum3A_1629 = vector.shape_cast %reduce_sum3A_1628 : vector<1xf32> to vector<1x1x1xf32>
    %reduce_sum3A_1630 = vector.extract %reduce_sum3A_1629[0, 0, 0] : f32 from vector<1x1x1xf32>
    %add3A_1631 = arith.addf %add3A_1530, %reduce_sum3A_1630 : f32
    %get3A_1632 = arith.constant 0 : index
    %get3A_1633 = arith.constant 16 : index
    %get3A_1634 = arith.constant 0 : index
    %get3A_1635 = arith.constant 0 : index
    %get3A_1636 = arith.constant 0 : index
    %get3A_1637 = vector.load %arg1[%get3A_1632, %get3A_1633, %get3A_1634, %get3A_1635, %get3A_1636] : memref<2x19x2x32x64xf32, #tpu.memory_space<vmem>>, vector<1x1x2x32x64xf32>
    %get3A_1638 = vector.shape_cast %get3A_1637 : vector<1x1x2x32x64xf32> to vector<2x32x64xf32>
    %get3A_1639 = arith.constant 1 : index
    %get3A_1640 = arith.constant 16 : index
    %get3A_1641 = arith.constant 0 : index
    %get3A_1642 = arith.constant 0 : index
    %get3A_1643 = arith.constant 0 : index
    %get3A_1644 = vector.load %arg1[%get3A_1639, %get3A_1640, %get3A_1641, %get3A_1642, %get3A_1643] : memref<2x19x2x32x64xf32, #tpu.memory_space<vmem>>, vector<1x1x2x32x64xf32>
    %get3A_1645 = vector.shape_cast %get3A_1644 : vector<1x1x2x32x64xf32> to vector<2x32x64xf32>
    %add3A_1646 = arith.addf %get3A_1638, %get3A_1645 : vector<2x32x64xf32>
    %get3A_1647 = arith.constant 0 : index
    %get3A_1648 = arith.constant 16 : index
    %get3A_1649 = arith.constant 0 : index
    %get3A_1650 = arith.constant 0 : index
    %get3A_1651 = arith.constant 0 : index
    %get3A_1652 = vector.load %arg2[%get3A_1647, %get3A_1648, %get3A_1649, %get3A_1650, %get3A_1651] : memref<2x19x2x32x64xf32, #tpu.memory_space<vmem>>, vector<1x1x2x32x64xf32>
    %get3A_1653 = vector.shape_cast %get3A_1652 : vector<1x1x2x32x64xf32> to vector<2x32x64xf32>
    %add3A_1654 = arith.addf %add3A_1646, %get3A_1653 : vector<2x32x64xf32>
    %get3A_1655 = arith.constant 1 : index
    %get3A_1656 = arith.constant 16 : index
    %get3A_1657 = arith.constant 0 : index
    %get3A_1658 = arith.constant 0 : index
    %get3A_1659 = arith.constant 0 : index
    %get3A_1660 = vector.load %arg2[%get3A_1655, %get3A_1656, %get3A_1657, %get3A_1658, %get3A_1659] : memref<2x19x2x32x64xf32, #tpu.memory_space<vmem>>, vector<1x1x2x32x64xf32>
    %get3A_1661 = vector.shape_cast %get3A_1660 : vector<1x1x2x32x64xf32> to vector<2x32x64xf32>
    %add3A_1662 = arith.addf %add3A_1654, %get3A_1661 : vector<2x32x64xf32>
    %slice3A_1663 = vector.extract_strided_slice %add3A_1662 {offsets = [1, 0, 0], sizes = [1, 32, 64], strides = [1, 1, 1]} : vector<2x32x64xf32> to vector<1x32x64xf32>
    %squeeze3A_1664 = vector.shape_cast %slice3A_1663 : vector<1x32x64xf32> to vector<32x64xf32>
    %slice3A_1665 = vector.extract_strided_slice %add3A_1662 {offsets = [0, 0, 0], sizes = [1, 32, 64], strides = [1, 1, 1]} : vector<2x32x64xf32> to vector<1x32x64xf32>
    %squeeze3A_1666 = vector.shape_cast %slice3A_1665 : vector<1x32x64xf32> to vector<32x64xf32>
    %add3A_1667 = arith.addf %squeeze3A_1666, %squeeze3A_1664 : vector<32x64xf32>
    %dot_general3A_1668 = arith.constant dense<0.000000e+00> : vector<32x64xf32>
    %dot_general3A_1669 = tpu.matmul %add3A_1667, %convert_element_type3A_1, %dot_general3A_1668 {dimension_numbers = #tpu.dot_dimension_numbers<[1], [0], [0], [1], [0, 0, 1, 1], [], []>, transpose_lhs_hint = false} : vector<32x64xf32>, vector<64x64xf32>, vector<32x64xf32> -> vector<32x64xf32>
    %dot_general3A_1670 = arith.constant dense<0.000000e+00> : vector<32x64xf32>
    %dot_general3A_1671 = tpu.matmul %add3A_1667, %broadcast_in_dim3A_2, %dot_general3A_1670 {dimension_numbers = #tpu.dot_dimension_numbers<[1], [0], [0], [1], [0, 0, 1, 1], [], []>, transpose_lhs_hint = false} : vector<32x64xf32>, vector<64x64xf32>, vector<32x64xf32> -> vector<32x64xf32>
    %dot_general3A_1672 = arith.constant dense<0.000000e+00> : vector<32x64xf32>
    %dot_general3A_1673 = tpu.matmul %convert_element_type3A_6, %dot_general3A_1671, %dot_general3A_1672 {dimension_numbers = #tpu.dot_dimension_numbers<[1], [0], [0], [1], [0, 0, 1, 1], [], []>, transpose_lhs_hint = false} : vector<32x32xf32>, vector<32x64xf32>, vector<32x64xf32> -> vector<32x64xf32>
    %add3A_1674 = arith.addf %dot_general3A_1669, %dot_general3A_1673 : vector<32x64xf32>
    %dot_general3A_1675 = arith.constant dense<0.000000e+00> : vector<32x64xf32>
    %dot_general3A_1676 = tpu.matmul %squeeze3A_1664, %convert_element_type3A_1, %dot_general3A_1675 {dimension_numbers = #tpu.dot_dimension_numbers<[1], [0], [0], [1], [0, 0, 1, 1], [], []>, transpose_lhs_hint = false} : vector<32x64xf32>, vector<64x64xf32>, vector<32x64xf32> -> vector<32x64xf32>
    %dot_general3A_1677 = arith.constant dense<0.000000e+00> : vector<32x64xf32>
    %dot_general3A_1678 = tpu.matmul %squeeze3A_1664, %broadcast_in_dim3A_2, %dot_general3A_1677 {dimension_numbers = #tpu.dot_dimension_numbers<[1], [0], [0], [1], [0, 0, 1, 1], [], []>, transpose_lhs_hint = false} : vector<32x64xf32>, vector<64x64xf32>, vector<32x64xf32> -> vector<32x64xf32>
    %dot_general3A_1679 = arith.constant dense<0.000000e+00> : vector<32x64xf32>
    %dot_general3A_1680 = tpu.matmul %convert_element_type3A_6, %dot_general3A_1678, %dot_general3A_1679 {dimension_numbers = #tpu.dot_dimension_numbers<[1], [0], [0], [1], [0, 0, 1, 1], [], []>, transpose_lhs_hint = false} : vector<32x32xf32>, vector<32x64xf32>, vector<32x64xf32> -> vector<32x64xf32>
    %add3A_1681 = arith.addf %dot_general3A_1676, %dot_general3A_1680 : vector<32x64xf32>
    %reduce_sum3A_1682 = vector.shape_cast %squeeze3A_1664 : vector<32x64xf32> to vector<1x32x64xf32>
    %reduce_sum3A_1683 = arith.constant dense<0.000000e+00> : vector<1xf32>
    %reduce_sum3A_1684 = vector.multi_reduction <add>, %reduce_sum3A_1682, %reduce_sum3A_1683 [1, 2] : vector<1x32x64xf32> to vector<1xf32>
    %reduce_sum3A_1685 = vector.shape_cast %reduce_sum3A_1684 : vector<1xf32> to vector<1x1x1xf32>
    %reduce_sum3A_1686 = vector.extract %reduce_sum3A_1685[0, 0, 0] : f32 from vector<1x1x1xf32>
    %add3A_1687 = vector.broadcast %reduce_sum3A_1686 : f32 to vector<32x64xf32>
    %add3A_1688 = arith.addf %add3A_1687, %add3A_1674 : vector<32x64xf32>
    %sub3A_1689 = arith.subf %add3A_1688, %add3A_1681 : vector<32x64xf32>
    %max3A_1690 = arith.constant 1.000000e+00 : f32
    %max3A_1691 = vector.broadcast %max3A_1690 : f32 to vector<32x64xf32>
    %max3A_1692 = arith.maximumf %sub3A_1689, %max3A_1691 : vector<32x64xf32>
    %gt3A_1693 = arith.constant 5.000000e-01 : f32
    %gt3A_1694 = vector.broadcast %gt3A_1693 : f32 to vector<32x64xf32>
    %gt3A_1695 = arith.cmpf ogt, %add3A_1674, %gt3A_1694 : vector<32x64xf32>
    %sub3A_1696 = vector.broadcast %reduce_sum3A_1686 : f32 to vector<32x64xf32>
    %sub3A_1697 = arith.subf %sub3A_1696, %add3A_1681 : vector<32x64xf32>
    %div3A_1698 = arith.divf %sub3A_1697, %max3A_1692 : vector<32x64xf32>
    %sub3A_1699 = arith.constant 1.000000e+00 : f32
    %sub3A_1700 = vector.broadcast %sub3A_1699 : f32 to vector<32x64xf32>
    %sub3A_1701 = arith.subf %sub3A_1700, %div3A_1698 : vector<32x64xf32>
    %jit3A_1702 = arith.constant 0.000000e+00 : f32
    %broadcast_in_dim3A_1703 = vector.broadcast %jit3A_1702 : f32 to vector<32x64xf32>
    %select_n3A_1704 = arith.select %gt3A_1695, %sub3A_1701, %broadcast_in_dim3A_1703 : vector<32x64xi1>, vector<32x64xf32>
    %sub3A_1705 = arith.subf %add3A_1674, %add3A_1667 : vector<32x64xf32>
    %sub3A_1706 = arith.subf %add3A_1681, %squeeze3A_1664 : vector<32x64xf32>
    %add3A_1707 = vector.broadcast %reduce_sum3A_1686 : f32 to vector<32x64xf32>
    %add3A_1708 = arith.addf %add3A_1707, %sub3A_1705 : vector<32x64xf32>
    %sub3A_1709 = arith.subf %add3A_1708, %sub3A_1706 : vector<32x64xf32>
    %max3A_1710 = arith.constant 1.000000e+00 : f32
    %max3A_1711 = vector.broadcast %max3A_1710 : f32 to vector<32x64xf32>
    %max3A_1712 = arith.maximumf %sub3A_1709, %max3A_1711 : vector<32x64xf32>
    %gt3A_1713 = arith.constant 5.000000e-01 : f32
    %gt3A_1714 = vector.broadcast %gt3A_1713 : f32 to vector<32x64xf32>
    %gt3A_1715 = arith.cmpf ogt, %sub3A_1705, %gt3A_1714 : vector<32x64xf32>
    %sub3A_1716 = vector.broadcast %reduce_sum3A_1686 : f32 to vector<32x64xf32>
    %sub3A_1717 = arith.subf %sub3A_1716, %sub3A_1706 : vector<32x64xf32>
    %div3A_1718 = arith.divf %sub3A_1717, %max3A_1712 : vector<32x64xf32>
    %sub3A_1719 = arith.constant 1.000000e+00 : f32
    %sub3A_1720 = vector.broadcast %sub3A_1719 : f32 to vector<32x64xf32>
    %sub3A_1721 = arith.subf %sub3A_1720, %div3A_1718 : vector<32x64xf32>
    %jit3A_1722 = arith.constant 0.000000e+00 : f32
    %broadcast_in_dim3A_1723 = vector.broadcast %jit3A_1722 : f32 to vector<32x64xf32>
    %select_n3A_1724 = arith.select %gt3A_1715, %sub3A_1721, %broadcast_in_dim3A_1723 : vector<32x64xi1>, vector<32x64xf32>
    %sub3A_1725 = arith.subf %select_n3A_1704, %select_n3A_1724 : vector<32x64xf32>
    %mul3A_1726 = arith.mulf %div3A_22, %sub3A_1725 : vector<32x64xf32>
    %reduce_sum3A_1727 = vector.shape_cast %mul3A_1726 : vector<32x64xf32> to vector<1x32x64xf32>
    %reduce_sum3A_1728 = arith.constant dense<0.000000e+00> : vector<1xf32>
    %reduce_sum3A_1729 = vector.multi_reduction <add>, %reduce_sum3A_1727, %reduce_sum3A_1728 [1, 2] : vector<1x32x64xf32> to vector<1xf32>
    %reduce_sum3A_1730 = vector.shape_cast %reduce_sum3A_1729 : vector<1xf32> to vector<1x1x1xf32>
    %reduce_sum3A_1731 = vector.extract %reduce_sum3A_1730[0, 0, 0] : f32 from vector<1x1x1xf32>
    %add3A_1732 = arith.addf %add3A_1631, %reduce_sum3A_1731 : f32
    %get3A_1733 = arith.constant 0 : index
    %get3A_1734 = arith.constant 17 : index
    %get3A_1735 = arith.constant 0 : index
    %get3A_1736 = arith.constant 0 : index
    %get3A_1737 = arith.constant 0 : index
    %get3A_1738 = vector.load %arg1[%get3A_1733, %get3A_1734, %get3A_1735, %get3A_1736, %get3A_1737] : memref<2x19x2x32x64xf32, #tpu.memory_space<vmem>>, vector<1x1x2x32x64xf32>
    %get3A_1739 = vector.shape_cast %get3A_1738 : vector<1x1x2x32x64xf32> to vector<2x32x64xf32>
    %get3A_1740 = arith.constant 1 : index
    %get3A_1741 = arith.constant 17 : index
    %get3A_1742 = arith.constant 0 : index
    %get3A_1743 = arith.constant 0 : index
    %get3A_1744 = arith.constant 0 : index
    %get3A_1745 = vector.load %arg1[%get3A_1740, %get3A_1741, %get3A_1742, %get3A_1743, %get3A_1744] : memref<2x19x2x32x64xf32, #tpu.memory_space<vmem>>, vector<1x1x2x32x64xf32>
    %get3A_1746 = vector.shape_cast %get3A_1745 : vector<1x1x2x32x64xf32> to vector<2x32x64xf32>
    %add3A_1747 = arith.addf %get3A_1739, %get3A_1746 : vector<2x32x64xf32>
    %get3A_1748 = arith.constant 0 : index
    %get3A_1749 = arith.constant 17 : index
    %get3A_1750 = arith.constant 0 : index
    %get3A_1751 = arith.constant 0 : index
    %get3A_1752 = arith.constant 0 : index
    %get3A_1753 = vector.load %arg2[%get3A_1748, %get3A_1749, %get3A_1750, %get3A_1751, %get3A_1752] : memref<2x19x2x32x64xf32, #tpu.memory_space<vmem>>, vector<1x1x2x32x64xf32>
    %get3A_1754 = vector.shape_cast %get3A_1753 : vector<1x1x2x32x64xf32> to vector<2x32x64xf32>
    %add3A_1755 = arith.addf %add3A_1747, %get3A_1754 : vector<2x32x64xf32>
    %get3A_1756 = arith.constant 1 : index
    %get3A_1757 = arith.constant 17 : index
    %get3A_1758 = arith.constant 0 : index
    %get3A_1759 = arith.constant 0 : index
    %get3A_1760 = arith.constant 0 : index
    %get3A_1761 = vector.load %arg2[%get3A_1756, %get3A_1757, %get3A_1758, %get3A_1759, %get3A_1760] : memref<2x19x2x32x64xf32, #tpu.memory_space<vmem>>, vector<1x1x2x32x64xf32>
    %get3A_1762 = vector.shape_cast %get3A_1761 : vector<1x1x2x32x64xf32> to vector<2x32x64xf32>
    %add3A_1763 = arith.addf %add3A_1755, %get3A_1762 : vector<2x32x64xf32>
    %slice3A_1764 = vector.extract_strided_slice %add3A_1763 {offsets = [1, 0, 0], sizes = [1, 32, 64], strides = [1, 1, 1]} : vector<2x32x64xf32> to vector<1x32x64xf32>
    %squeeze3A_1765 = vector.shape_cast %slice3A_1764 : vector<1x32x64xf32> to vector<32x64xf32>
    %slice3A_1766 = vector.extract_strided_slice %add3A_1763 {offsets = [0, 0, 0], sizes = [1, 32, 64], strides = [1, 1, 1]} : vector<2x32x64xf32> to vector<1x32x64xf32>
    %squeeze3A_1767 = vector.shape_cast %slice3A_1766 : vector<1x32x64xf32> to vector<32x64xf32>
    %add3A_1768 = arith.addf %squeeze3A_1767, %squeeze3A_1765 : vector<32x64xf32>
    %dot_general3A_1769 = arith.constant dense<0.000000e+00> : vector<32x64xf32>
    %dot_general3A_1770 = tpu.matmul %add3A_1768, %convert_element_type3A_1, %dot_general3A_1769 {dimension_numbers = #tpu.dot_dimension_numbers<[1], [0], [0], [1], [0, 0, 1, 1], [], []>, transpose_lhs_hint = false} : vector<32x64xf32>, vector<64x64xf32>, vector<32x64xf32> -> vector<32x64xf32>
    %dot_general3A_1771 = arith.constant dense<0.000000e+00> : vector<32x64xf32>
    %dot_general3A_1772 = tpu.matmul %add3A_1768, %broadcast_in_dim3A_2, %dot_general3A_1771 {dimension_numbers = #tpu.dot_dimension_numbers<[1], [0], [0], [1], [0, 0, 1, 1], [], []>, transpose_lhs_hint = false} : vector<32x64xf32>, vector<64x64xf32>, vector<32x64xf32> -> vector<32x64xf32>
    %dot_general3A_1773 = arith.constant dense<0.000000e+00> : vector<32x64xf32>
    %dot_general3A_1774 = tpu.matmul %convert_element_type3A_6, %dot_general3A_1772, %dot_general3A_1773 {dimension_numbers = #tpu.dot_dimension_numbers<[1], [0], [0], [1], [0, 0, 1, 1], [], []>, transpose_lhs_hint = false} : vector<32x32xf32>, vector<32x64xf32>, vector<32x64xf32> -> vector<32x64xf32>
    %add3A_1775 = arith.addf %dot_general3A_1770, %dot_general3A_1774 : vector<32x64xf32>
    %dot_general3A_1776 = arith.constant dense<0.000000e+00> : vector<32x64xf32>
    %dot_general3A_1777 = tpu.matmul %squeeze3A_1765, %convert_element_type3A_1, %dot_general3A_1776 {dimension_numbers = #tpu.dot_dimension_numbers<[1], [0], [0], [1], [0, 0, 1, 1], [], []>, transpose_lhs_hint = false} : vector<32x64xf32>, vector<64x64xf32>, vector<32x64xf32> -> vector<32x64xf32>
    %dot_general3A_1778 = arith.constant dense<0.000000e+00> : vector<32x64xf32>
    %dot_general3A_1779 = tpu.matmul %squeeze3A_1765, %broadcast_in_dim3A_2, %dot_general3A_1778 {dimension_numbers = #tpu.dot_dimension_numbers<[1], [0], [0], [1], [0, 0, 1, 1], [], []>, transpose_lhs_hint = false} : vector<32x64xf32>, vector<64x64xf32>, vector<32x64xf32> -> vector<32x64xf32>
    %dot_general3A_1780 = arith.constant dense<0.000000e+00> : vector<32x64xf32>
    %dot_general3A_1781 = tpu.matmul %convert_element_type3A_6, %dot_general3A_1779, %dot_general3A_1780 {dimension_numbers = #tpu.dot_dimension_numbers<[1], [0], [0], [1], [0, 0, 1, 1], [], []>, transpose_lhs_hint = false} : vector<32x32xf32>, vector<32x64xf32>, vector<32x64xf32> -> vector<32x64xf32>
    %add3A_1782 = arith.addf %dot_general3A_1777, %dot_general3A_1781 : vector<32x64xf32>
    %reduce_sum3A_1783 = vector.shape_cast %squeeze3A_1765 : vector<32x64xf32> to vector<1x32x64xf32>
    %reduce_sum3A_1784 = arith.constant dense<0.000000e+00> : vector<1xf32>
    %reduce_sum3A_1785 = vector.multi_reduction <add>, %reduce_sum3A_1783, %reduce_sum3A_1784 [1, 2] : vector<1x32x64xf32> to vector<1xf32>
    %reduce_sum3A_1786 = vector.shape_cast %reduce_sum3A_1785 : vector<1xf32> to vector<1x1x1xf32>
    %reduce_sum3A_1787 = vector.extract %reduce_sum3A_1786[0, 0, 0] : f32 from vector<1x1x1xf32>
    %add3A_1788 = vector.broadcast %reduce_sum3A_1787 : f32 to vector<32x64xf32>
    %add3A_1789 = arith.addf %add3A_1788, %add3A_1775 : vector<32x64xf32>
    %sub3A_1790 = arith.subf %add3A_1789, %add3A_1782 : vector<32x64xf32>
    %max3A_1791 = arith.constant 1.000000e+00 : f32
    %max3A_1792 = vector.broadcast %max3A_1791 : f32 to vector<32x64xf32>
    %max3A_1793 = arith.maximumf %sub3A_1790, %max3A_1792 : vector<32x64xf32>
    %gt3A_1794 = arith.constant 5.000000e-01 : f32
    %gt3A_1795 = vector.broadcast %gt3A_1794 : f32 to vector<32x64xf32>
    %gt3A_1796 = arith.cmpf ogt, %add3A_1775, %gt3A_1795 : vector<32x64xf32>
    %sub3A_1797 = vector.broadcast %reduce_sum3A_1787 : f32 to vector<32x64xf32>
    %sub3A_1798 = arith.subf %sub3A_1797, %add3A_1782 : vector<32x64xf32>
    %div3A_1799 = arith.divf %sub3A_1798, %max3A_1793 : vector<32x64xf32>
    %sub3A_1800 = arith.constant 1.000000e+00 : f32
    %sub3A_1801 = vector.broadcast %sub3A_1800 : f32 to vector<32x64xf32>
    %sub3A_1802 = arith.subf %sub3A_1801, %div3A_1799 : vector<32x64xf32>
    %jit3A_1803 = arith.constant 0.000000e+00 : f32
    %broadcast_in_dim3A_1804 = vector.broadcast %jit3A_1803 : f32 to vector<32x64xf32>
    %select_n3A_1805 = arith.select %gt3A_1796, %sub3A_1802, %broadcast_in_dim3A_1804 : vector<32x64xi1>, vector<32x64xf32>
    %sub3A_1806 = arith.subf %add3A_1775, %add3A_1768 : vector<32x64xf32>
    %sub3A_1807 = arith.subf %add3A_1782, %squeeze3A_1765 : vector<32x64xf32>
    %add3A_1808 = vector.broadcast %reduce_sum3A_1787 : f32 to vector<32x64xf32>
    %add3A_1809 = arith.addf %add3A_1808, %sub3A_1806 : vector<32x64xf32>
    %sub3A_1810 = arith.subf %add3A_1809, %sub3A_1807 : vector<32x64xf32>
    %max3A_1811 = arith.constant 1.000000e+00 : f32
    %max3A_1812 = vector.broadcast %max3A_1811 : f32 to vector<32x64xf32>
    %max3A_1813 = arith.maximumf %sub3A_1810, %max3A_1812 : vector<32x64xf32>
    %gt3A_1814 = arith.constant 5.000000e-01 : f32
    %gt3A_1815 = vector.broadcast %gt3A_1814 : f32 to vector<32x64xf32>
    %gt3A_1816 = arith.cmpf ogt, %sub3A_1806, %gt3A_1815 : vector<32x64xf32>
    %sub3A_1817 = vector.broadcast %reduce_sum3A_1787 : f32 to vector<32x64xf32>
    %sub3A_1818 = arith.subf %sub3A_1817, %sub3A_1807 : vector<32x64xf32>
    %div3A_1819 = arith.divf %sub3A_1818, %max3A_1813 : vector<32x64xf32>
    %sub3A_1820 = arith.constant 1.000000e+00 : f32
    %sub3A_1821 = vector.broadcast %sub3A_1820 : f32 to vector<32x64xf32>
    %sub3A_1822 = arith.subf %sub3A_1821, %div3A_1819 : vector<32x64xf32>
    %jit3A_1823 = arith.constant 0.000000e+00 : f32
    %broadcast_in_dim3A_1824 = vector.broadcast %jit3A_1823 : f32 to vector<32x64xf32>
    %select_n3A_1825 = arith.select %gt3A_1816, %sub3A_1822, %broadcast_in_dim3A_1824 : vector<32x64xi1>, vector<32x64xf32>
    %sub3A_1826 = arith.subf %select_n3A_1805, %select_n3A_1825 : vector<32x64xf32>
    %mul3A_1827 = arith.mulf %div3A_22, %sub3A_1826 : vector<32x64xf32>
    %reduce_sum3A_1828 = vector.shape_cast %mul3A_1827 : vector<32x64xf32> to vector<1x32x64xf32>
    %reduce_sum3A_1829 = arith.constant dense<0.000000e+00> : vector<1xf32>
    %reduce_sum3A_1830 = vector.multi_reduction <add>, %reduce_sum3A_1828, %reduce_sum3A_1829 [1, 2] : vector<1x32x64xf32> to vector<1xf32>
    %reduce_sum3A_1831 = vector.shape_cast %reduce_sum3A_1830 : vector<1xf32> to vector<1x1x1xf32>
    %reduce_sum3A_1832 = vector.extract %reduce_sum3A_1831[0, 0, 0] : f32 from vector<1x1x1xf32>
    %add3A_1833 = arith.addf %add3A_1732, %reduce_sum3A_1832 : f32
    %get3A_1834 = arith.constant 0 : index
    %get3A_1835 = arith.constant 18 : index
    %get3A_1836 = arith.constant 0 : index
    %get3A_1837 = arith.constant 0 : index
    %get3A_1838 = arith.constant 0 : index
    %get3A_1839 = vector.load %arg1[%get3A_1834, %get3A_1835, %get3A_1836, %get3A_1837, %get3A_1838] : memref<2x19x2x32x64xf32, #tpu.memory_space<vmem>>, vector<1x1x2x32x64xf32>
    %get3A_1840 = vector.shape_cast %get3A_1839 : vector<1x1x2x32x64xf32> to vector<2x32x64xf32>
    %get3A_1841 = arith.constant 1 : index
    %get3A_1842 = arith.constant 18 : index
    %get3A_1843 = arith.constant 0 : index
    %get3A_1844 = arith.constant 0 : index
    %get3A_1845 = arith.constant 0 : index
    %get3A_1846 = vector.load %arg1[%get3A_1841, %get3A_1842, %get3A_1843, %get3A_1844, %get3A_1845] : memref<2x19x2x32x64xf32, #tpu.memory_space<vmem>>, vector<1x1x2x32x64xf32>
    %get3A_1847 = vector.shape_cast %get3A_1846 : vector<1x1x2x32x64xf32> to vector<2x32x64xf32>
    %add3A_1848 = arith.addf %get3A_1840, %get3A_1847 : vector<2x32x64xf32>
    %get3A_1849 = arith.constant 0 : index
    %get3A_1850 = arith.constant 18 : index
    %get3A_1851 = arith.constant 0 : index
    %get3A_1852 = arith.constant 0 : index
    %get3A_1853 = arith.constant 0 : index
    %get3A_1854 = vector.load %arg2[%get3A_1849, %get3A_1850, %get3A_1851, %get3A_1852, %get3A_1853] : memref<2x19x2x32x64xf32, #tpu.memory_space<vmem>>, vector<1x1x2x32x64xf32>
    %get3A_1855 = vector.shape_cast %get3A_1854 : vector<1x1x2x32x64xf32> to vector<2x32x64xf32>
    %add3A_1856 = arith.addf %add3A_1848, %get3A_1855 : vector<2x32x64xf32>
    %get3A_1857 = arith.constant 1 : index
    %get3A_1858 = arith.constant 18 : index
    %get3A_1859 = arith.constant 0 : index
    %get3A_1860 = arith.constant 0 : index
    %get3A_1861 = arith.constant 0 : index
    %get3A_1862 = vector.load %arg2[%get3A_1857, %get3A_1858, %get3A_1859, %get3A_1860, %get3A_1861] : memref<2x19x2x32x64xf32, #tpu.memory_space<vmem>>, vector<1x1x2x32x64xf32>
    %get3A_1863 = vector.shape_cast %get3A_1862 : vector<1x1x2x32x64xf32> to vector<2x32x64xf32>
    %add3A_1864 = arith.addf %add3A_1856, %get3A_1863 : vector<2x32x64xf32>
    %slice3A_1865 = vector.extract_strided_slice %add3A_1864 {offsets = [1, 0, 0], sizes = [1, 32, 64], strides = [1, 1, 1]} : vector<2x32x64xf32> to vector<1x32x64xf32>
    %squeeze3A_1866 = vector.shape_cast %slice3A_1865 : vector<1x32x64xf32> to vector<32x64xf32>
    %slice3A_1867 = vector.extract_strided_slice %add3A_1864 {offsets = [0, 0, 0], sizes = [1, 32, 64], strides = [1, 1, 1]} : vector<2x32x64xf32> to vector<1x32x64xf32>
    %squeeze3A_1868 = vector.shape_cast %slice3A_1867 : vector<1x32x64xf32> to vector<32x64xf32>
    %add3A_1869 = arith.addf %squeeze3A_1868, %squeeze3A_1866 : vector<32x64xf32>
    %dot_general3A_1870 = arith.constant dense<0.000000e+00> : vector<32x64xf32>
    %dot_general3A_1871 = tpu.matmul %add3A_1869, %convert_element_type3A_1, %dot_general3A_1870 {dimension_numbers = #tpu.dot_dimension_numbers<[1], [0], [0], [1], [0, 0, 1, 1], [], []>, transpose_lhs_hint = false} : vector<32x64xf32>, vector<64x64xf32>, vector<32x64xf32> -> vector<32x64xf32>
    %dot_general3A_1872 = arith.constant dense<0.000000e+00> : vector<32x64xf32>
    %dot_general3A_1873 = tpu.matmul %add3A_1869, %broadcast_in_dim3A_2, %dot_general3A_1872 {dimension_numbers = #tpu.dot_dimension_numbers<[1], [0], [0], [1], [0, 0, 1, 1], [], []>, transpose_lhs_hint = false} : vector<32x64xf32>, vector<64x64xf32>, vector<32x64xf32> -> vector<32x64xf32>
    %dot_general3A_1874 = arith.constant dense<0.000000e+00> : vector<32x64xf32>
    %dot_general3A_1875 = tpu.matmul %convert_element_type3A_6, %dot_general3A_1873, %dot_general3A_1874 {dimension_numbers = #tpu.dot_dimension_numbers<[1], [0], [0], [1], [0, 0, 1, 1], [], []>, transpose_lhs_hint = false} : vector<32x32xf32>, vector<32x64xf32>, vector<32x64xf32> -> vector<32x64xf32>
    %add3A_1876 = arith.addf %dot_general3A_1871, %dot_general3A_1875 : vector<32x64xf32>
    %dot_general3A_1877 = arith.constant dense<0.000000e+00> : vector<32x64xf32>
    %dot_general3A_1878 = tpu.matmul %squeeze3A_1866, %convert_element_type3A_1, %dot_general3A_1877 {dimension_numbers = #tpu.dot_dimension_numbers<[1], [0], [0], [1], [0, 0, 1, 1], [], []>, transpose_lhs_hint = false} : vector<32x64xf32>, vector<64x64xf32>, vector<32x64xf32> -> vector<32x64xf32>
    %dot_general3A_1879 = arith.constant dense<0.000000e+00> : vector<32x64xf32>
    %dot_general3A_1880 = tpu.matmul %squeeze3A_1866, %broadcast_in_dim3A_2, %dot_general3A_1879 {dimension_numbers = #tpu.dot_dimension_numbers<[1], [0], [0], [1], [0, 0, 1, 1], [], []>, transpose_lhs_hint = false} : vector<32x64xf32>, vector<64x64xf32>, vector<32x64xf32> -> vector<32x64xf32>
    %dot_general3A_1881 = arith.constant dense<0.000000e+00> : vector<32x64xf32>
    %dot_general3A_1882 = tpu.matmul %convert_element_type3A_6, %dot_general3A_1880, %dot_general3A_1881 {dimension_numbers = #tpu.dot_dimension_numbers<[1], [0], [0], [1], [0, 0, 1, 1], [], []>, transpose_lhs_hint = false} : vector<32x32xf32>, vector<32x64xf32>, vector<32x64xf32> -> vector<32x64xf32>
    %add3A_1883 = arith.addf %dot_general3A_1878, %dot_general3A_1882 : vector<32x64xf32>
    %reduce_sum3A_1884 = vector.shape_cast %squeeze3A_1866 : vector<32x64xf32> to vector<1x32x64xf32>
    %reduce_sum3A_1885 = arith.constant dense<0.000000e+00> : vector<1xf32>
    %reduce_sum3A_1886 = vector.multi_reduction <add>, %reduce_sum3A_1884, %reduce_sum3A_1885 [1, 2] : vector<1x32x64xf32> to vector<1xf32>
    %reduce_sum3A_1887 = vector.shape_cast %reduce_sum3A_1886 : vector<1xf32> to vector<1x1x1xf32>
    %reduce_sum3A_1888 = vector.extract %reduce_sum3A_1887[0, 0, 0] : f32 from vector<1x1x1xf32>
    %add3A_1889 = vector.broadcast %reduce_sum3A_1888 : f32 to vector<32x64xf32>
    %add3A_1890 = arith.addf %add3A_1889, %add3A_1876 : vector<32x64xf32>
    %sub3A_1891 = arith.subf %add3A_1890, %add3A_1883 : vector<32x64xf32>
    %max3A_1892 = arith.constant 1.000000e+00 : f32
    %max3A_1893 = vector.broadcast %max3A_1892 : f32 to vector<32x64xf32>
    %max3A_1894 = arith.maximumf %sub3A_1891, %max3A_1893 : vector<32x64xf32>
    %gt3A_1895 = arith.constant 5.000000e-01 : f32
    %gt3A_1896 = vector.broadcast %gt3A_1895 : f32 to vector<32x64xf32>
    %gt3A_1897 = arith.cmpf ogt, %add3A_1876, %gt3A_1896 : vector<32x64xf32>
    %sub3A_1898 = vector.broadcast %reduce_sum3A_1888 : f32 to vector<32x64xf32>
    %sub3A_1899 = arith.subf %sub3A_1898, %add3A_1883 : vector<32x64xf32>
    %div3A_1900 = arith.divf %sub3A_1899, %max3A_1894 : vector<32x64xf32>
    %sub3A_1901 = arith.constant 1.000000e+00 : f32
    %sub3A_1902 = vector.broadcast %sub3A_1901 : f32 to vector<32x64xf32>
    %sub3A_1903 = arith.subf %sub3A_1902, %div3A_1900 : vector<32x64xf32>
    %jit3A_1904 = arith.constant 0.000000e+00 : f32
    %broadcast_in_dim3A_1905 = vector.broadcast %jit3A_1904 : f32 to vector<32x64xf32>
    %select_n3A_1906 = arith.select %gt3A_1897, %sub3A_1903, %broadcast_in_dim3A_1905 : vector<32x64xi1>, vector<32x64xf32>
    %sub3A_1907 = arith.subf %add3A_1876, %add3A_1869 : vector<32x64xf32>
    %sub3A_1908 = arith.subf %add3A_1883, %squeeze3A_1866 : vector<32x64xf32>
    %add3A_1909 = vector.broadcast %reduce_sum3A_1888 : f32 to vector<32x64xf32>
    %add3A_1910 = arith.addf %add3A_1909, %sub3A_1907 : vector<32x64xf32>
    %sub3A_1911 = arith.subf %add3A_1910, %sub3A_1908 : vector<32x64xf32>
    %max3A_1912 = arith.constant 1.000000e+00 : f32
    %max3A_1913 = vector.broadcast %max3A_1912 : f32 to vector<32x64xf32>
    %max3A_1914 = arith.maximumf %sub3A_1911, %max3A_1913 : vector<32x64xf32>
    %gt3A_1915 = arith.constant 5.000000e-01 : f32
    %gt3A_1916 = vector.broadcast %gt3A_1915 : f32 to vector<32x64xf32>
    %gt3A_1917 = arith.cmpf ogt, %sub3A_1907, %gt3A_1916 : vector<32x64xf32>
    %sub3A_1918 = vector.broadcast %reduce_sum3A_1888 : f32 to vector<32x64xf32>
    %sub3A_1919 = arith.subf %sub3A_1918, %sub3A_1908 : vector<32x64xf32>
    %div3A_1920 = arith.divf %sub3A_1919, %max3A_1914 : vector<32x64xf32>
    %sub3A_1921 = arith.constant 1.000000e+00 : f32
    %sub3A_1922 = vector.broadcast %sub3A_1921 : f32 to vector<32x64xf32>
    %sub3A_1923 = arith.subf %sub3A_1922, %div3A_1920 : vector<32x64xf32>
    %jit3A_1924 = arith.constant 0.000000e+00 : f32
    %broadcast_in_dim3A_1925 = vector.broadcast %jit3A_1924 : f32 to vector<32x64xf32>
    %select_n3A_1926 = arith.select %gt3A_1917, %sub3A_1923, %broadcast_in_dim3A_1925 : vector<32x64xi1>, vector<32x64xf32>
    %sub3A_1927 = arith.subf %select_n3A_1906, %select_n3A_1926 : vector<32x64xf32>
    %mul3A_1928 = arith.mulf %div3A_22, %sub3A_1927 : vector<32x64xf32>
    %reduce_sum3A_1929 = vector.shape_cast %mul3A_1928 : vector<32x64xf32> to vector<1x32x64xf32>
    %reduce_sum3A_1930 = arith.constant dense<0.000000e+00> : vector<1xf32>
    %reduce_sum3A_1931 = vector.multi_reduction <add>, %reduce_sum3A_1929, %reduce_sum3A_1930 [1, 2] : vector<1x32x64xf32> to vector<1xf32>
    %reduce_sum3A_1932 = vector.shape_cast %reduce_sum3A_1931 : vector<1xf32> to vector<1x1x1xf32>
    %reduce_sum3A_1933 = vector.extract %reduce_sum3A_1932[0, 0, 0] : f32 from vector<1x1x1xf32>
    %add3A_1934 = arith.addf %add3A_1833, %reduce_sum3A_1933 : f32
    %div3A_1935 = arith.constant 1.900000e+01 : f32
    %div3A_1936 = arith.divf %add3A_1934, %div3A_1935 : f32
    %broadcast_in_dim3A_1937 = vector.broadcast %div3A_1936 : f32 to vector<1x1xf32>
    %swap3A = arith.constant 0 : index
    %swap3A_1938 = arith.constant 0 : index
    %swap3A_1939 = vector.load %arg3[%swap3A, %swap3A_1938] : memref<1x1xf32, #tpu.memory_space<vmem>>, vector<1x1xf32>
    tpu.vector_store %arg3[%swap3A, %swap3A_1938], %broadcast_in_dim3A_1937 {strides = array<i32>} : memref<1x1xf32, #tpu.memory_space<vmem>>, vector<1x1xf32>,
    return
  }
}

</mosaic_0001>

<sc_bundles>
// kernel: kernel.6.cloned.1.call-start
scs
__scs_entry_jumppad:
0x0: {  	(pc) =	sbr.rel $0x88, $3  }
0x1: {  	(tag) =	ssettag $0x0;
	lr =	simm.s32 $0x1  }
0x2: {  	[smem:$0x3F9F] =	sst lr;
	_ =	strace $0xD0000000  }
0x3: {  	_ = 	snop  }
0x4: {  	_ = 	snop  }
0x5: {  	_ = 	snop  }
0x6: {  	_ = 	snop  }
0x7: {  	_ = 	snop  }
__scs_overlays_trampoline_lowered:
0x8: {  	[smem:$0x3FAE] =	sst s0  }
0x9: {  	[smem:$0x3FAF] =	sst s1  }
0xa: {  	[smem:$0x3FB0] =	sst s2  }
0xb: {  	[smem:$0x3FB1] =	sst s3  }
0xc: {  	[smem:$0x3FB2] =	sst s4  }
0xd: {  	[smem:$0x3FB3] =	sst s5  }
0xe: {  	[smem:$0x3FB4] =	sst s6  }
0xf: {  	[smem:$0x3FB5] =	sst s7  }
0x10: {  	[smem:$0x3FB6] =	sst s8  }
0x11: {  	[smem:$0x3FB7] =	sst s9;
	s0 =	simm.s32 @!p0 $0x0  }
0x12: {  	s1 =	sld [smem:$0x3F9D];
	s0 =	simm.s32 @p0 $0x1  }
0x13: {  	[smem:$0x3FB8] =	sst s0;
	s0 =	simm.s32 @!p1 $0x0  }
0x14: {  	s2 =	sld [smem:$0x3F9C];
	s0 =	simm.s32 @p1 $0x1  }
0x15: {  	[smem:$0x3FB9] =	sst s0;
	s0 =	simm.s32 @!p2 $0x0  }
0x16: {  	s3 =	sld [smem:$0x3FDB];
	s0 =	simm.s32 @p2 $0x1  }
0x17: {  	s4 =	simm.s32 $0x1BF5;
	[smem:$0x3FBB] =	sst s0  }
0x18: {  	s0 =	sld [smem:$0x3F9E];
	_ =	swait.ge [sflag:s4], $0x0  }
0x19: {  	s7 =	sld [smem:$0x3F9F]  }
0x1a: {  	s8 =	sadd.s32 $0xFFFFE003, lr  }
0x1b: {  	s9 =	sadd.s32 $0xFFFFFEF7, lr;
	s5 =	simm.s32 $0xFFFFFFFF;
	p2 =	slt.u32 s8, $0xFFFFF086  }
0x1c: {  	p1 =	slt.u32 s9, $0xF7A;
	s5 =	simm.s32 @!p2 $0x0  }
0x1d: {  	s5 =	simm.s32 @p1 $0x1;
	p0 =	seq.s32 s7, s2  }
0x1e: {  	s7 =	smul.u32 @!p0 $0xF7A, s2;
	p2 =	seq.s32 @!p0 s5, $0x0  }
0x1f: {  	s9 =	smul.u32 $0xF7A, s1;
	s8 =	simm.s32 @!p0 $0x1BF5;
	p2 =	por !p2, p0  }
0x20: {  	[sflag:s8] =	ssyncset.s32 @!p0 $0xFFFFF086;
	s6 =	sadd.s32 @!p0 s3, s7;
	s7 =	simm.s32 @!p0 $0x108  }
0x21: {  	s3 =	sadd.s32 s3, s9;
	s6 =	sadd.s32 @!p0 $0x88, s6;
	s7 =	simm.s32 @p2 $0x1082  }
0x22: {  	[simem:s7], [sflag:s8] =	dma.local @!p0 [hbm:s6], $0xF7A  }
0x23: {  	s9 =	sor.u32 $0xD0000000, s2;
	s6 =	simm.s32 $0x108;
	_ =	swait.ge @!p0 [sflag:s8], $0x0  }
0x24: {  	s3 =	sadd.s32 $0x88, s3;
	s6 =	simm.s32 @!p1 $0x1082;
	[sflag:s4] =	ssyncset.s32 $0xFFFFF086  }
0x25: {  	[simem:s6], [sflag:s4] =	dma.local [hbm:s3], $0xF7A  }
0x26: {  	[smem:$0x3F9F] =	sst s1;
	(tag) =	ssettag s2;
	_ =	strace s9  }
0x27: {  	s1 =	sld [smem:$0x3FAF]  }
0x28: {  	s2 =	sld [smem:$0x3FB0]  }
0x29: {  	s4 =	sld [smem:$0x3FB2]  }
0x2a: {  	p0 =	seq.s32 s5, $0x0;
	s5 =	sld [smem:$0x3FB3]  }
0x2b: {  	s6 =	sld [smem:$0x3FB4]  }
0x2c: {  	s7 =	sld [smem:$0x3FB5]  }
0x2d: {  	s3 =	simm.s32 $0x108;
	s8 =	sld [smem:$0x3FB6]  }
0x2e: {  	s3 =	simm.s32 @!p0 $0x1082;
	s9 =	sld [smem:$0x3FB7]  }
0x2f: {  	lr =	sadd.s32 s0, s3;
	s0 =	sld [smem:$0x3FAE]  }
0x30: {  	s3 =	sld [smem:$0x3FB1]  }
0x31: {  	[smem:$0x3FBA] =	sst s10  }
0x32: {  	s10 =	sld [smem:$0x3FB8];
	_ =	sdelay $0x3  }
0x33: {  	p0 =	seq.s32 s10, $0x1;
	s10 =	sld [smem:$0x3FBA];
	_ =	sdelay $0x3  }
0x34: {  	[smem:$0x3FBA] =	sst s10  }
0x35: {  	s10 =	sld [smem:$0x3FB9];
	_ =	sdelay $0x3  }
0x36: {  	p1 =	seq.s32 s10, $0x1;
	s10 =	sld [smem:$0x3FBA];
	_ =	sdelay $0x3  }
0x37: {  	[smem:$0x3FBA] =	sst s10  }
0x38: {  	s10 =	sld [smem:$0x3FBB]  }
0x39: {  	_ = 	snop;
	(pc) =	sbr.ind lr, $3  }
0x3a: {  	_ = 	snop  }
0x3b: {  	_ = 	snop  }
0x3c: {  	p2 =	seq.s32 s10, $0x1;
	s10 =	sld [smem:$0x3FBA]  }
0x3d: {  	_ =	shalt  }
0x3e: {  	_ =	shalt  }
0x3f: {  	_ =	shalt  }
0x40: {  	_ =	shalt  }
0x41: {  	_ =	shalt  }
0x42: {  	_ =	shalt  }
0x43: {  	_ =	shalt  }
0x44: {  	_ =	shalt  }
0x45: {  	_ =	shalt  }
0x46: {  	_ =	shalt  }
0x47: {  	_ =	shalt  }
0x48: {  	_ =	shalt  }
0x49: {  	_ =	shalt  }
0x4a: {  	_ =	shalt  }
0x4b: {  	_ =	shalt  }
0x4c: {  	_ =	shalt  }
0x4d: {  	_ =	shalt  }
0x4e: {  	_ =	shalt  }
0x4f: {  	_ =	shalt  }
0x50: {  	_ =	shalt  }
0x51: {  	_ =	shalt  }
0x52: {  	_ =	shalt  }
0x53: {  	_ =	shalt  }
0x54: {  	_ =	shalt  }
0x55: {  	_ =	shalt  }
0x56: {  	_ =	shalt  }
0x57: {  	_ =	shalt  }
0x58: {  	_ =	shalt  }
0x59: {  	_ =	shalt  }
0x5a: {  	_ =	shalt  }
0x5b: {  	_ =	shalt  }
0x5c: {  	_ =	shalt  }
0x5d: {  	_ =	shalt  }
0x5e: {  	_ =	shalt  }
0x5f: {  	_ =	shalt  }
0x60: {  	_ =	shalt  }
0x61: {  	_ =	shalt  }
0x62: {  	_ =	shalt  }
0x63: {  	_ =	shalt  }
0x64: {  	_ =	shalt  }
0x65: {  	_ =	shalt  }
0x66: {  	_ =	shalt  }
0x67: {  	_ =	shalt  }
0x68: {  	_ =	shalt  }
0x69: {  	_ =	shalt  }
0x6a: {  	_ =	shalt  }
0x6b: {  	_ =	shalt  }
0x6c: {  	_ =	shalt  }
0x6d: {  	_ =	shalt  }
0x6e: {  	_ =	shalt  }
0x6f: {  	_ =	shalt  }
0x70: {  	_ =	shalt  }
0x71: {  	_ =	shalt  }
0x72: {  	_ =	shalt  }
0x73: {  	_ =	shalt  }
0x74: {  	_ =	shalt  }
0x75: {  	_ =	shalt  }
0x76: {  	_ =	shalt  }
0x77: {  	_ =	shalt  }
0x78: {  	_ =	shalt  }
0x79: {  	_ =	shalt  }
0x7a: {  	_ =	shalt  }
0x7b: {  	_ =	shalt  }
0x7c: {  	_ =	shalt  }
0x7d: {  	_ =	shalt  }
0x7e: {  	_ =	shalt  }
0x7f: {  	_ =	shalt  }
0x80: {  	_ =	shalt  }
0x81: {  	_ =	shalt  }
0x82: {  	_ =	shalt  }
0x83: {  	_ =	shalt  }
0x84: {  	_ =	shalt  }
0x85: {  	_ =	shalt  }
0x86: {  	_ =	shalt  }
0x87: {  	_ =	shalt  }
.Lfunc_end0:
.L_simem_size_0:
called_computation_lowered:
.L_overlay_start_0:
0x88: {  	s2 =	sld [smem:$0x3FD9]  }
0x89: {  	s3 =	sld [smem:$0x3FFE];
	_ =	sdelay $0x1  }
0x8a: {  	s1 =	srdreg.scid  }
0x8b: {  	s0 =	sand.u32 $0x1, s1  }
0x8c: {  	s16 =	sshll.u32 s0, $0xA;
	s2 =	sadd.s32 s3, s2  }
0x8d: {  	s2 =	sadd.s32 s2, s16  }
0x8e: {  	[smem:$0x3FC6] =	sst s2  }
0x8f: {  	_ = 	snop  }
0x90: {  	(tm) =	ssettm $0x1  }
0x91: {  	s17 =	sld [smem:$0x3FFB];
	_ =	sdelay $0x3  }
0x92: {  	_ =	strace s17  }
0x93: {  	s2 =	sld [smem:$0x3FFC];
	_ =	sdelay $0x3  }
0x94: {  	_ =	strace s2  }
0x95: {  	s2 =	sld [smem:$0x3FFD];
	_ =	sdelay $0x3  }
0x96: {  	_ =	strace s2  }
0x97: {  	_ =	strace $0x8FFFFFFF  }
0x98: {  	s18 =	sld [smem:$0x3FDB];
	_ =	sdelay $0x1  }
0x99: {  	s19 =	simm.s32 $_scs_section_size  }
0x9a: {  	s4 =	simm.s32 $_size__tile_overlayer_lowered;
	s5 =	simm.s32 $_tile_overlayer_lowered  }
0x9b: {  	s22 =	simm.s32 $0x1BFF;
	s21 =	sshll.u32 s5, $0x1;
	s2 =	sadd.s32 s19, s18  }
0x9c: {  	s6 =	simm.s32 $0x0;
	s20 =	sshll.u32 s4, $0x1;
	s4 =	sadd.s32 s21, s2  }
0x9d: {  	[timem:s6], [sflag:s22] =	dma.local [hbm:s4], s20  }
0x9e: {  	_ =	swait.ge [sflag:s22], s20  }
0x9f: {  	s3 =	ssub.s32 $0x0, s20;
	[sflag:s22] =	ssyncset.done $0x0  }
0xa0: {  	[sflag:s22] =	ssyncadd.s32 s3;
	_ =	sdelay $0x1  }
0xa1: {  	s23 =	simm.s32 $0x1B8B  }
0xa2: {  	_ =	swait.ge [sflag:s23], $0x1  }
0xa3: {  	[sflag:s23] =	ssyncset.done $0x0  }
0xa4: {  	s25 =	simm.s32 $0x1B8E;
	s24 =	sld [smem:$0x3FFE];
	[sflag:s23] =	ssyncadd.s32 $0xFFFFFFFF  }
0xa5: {  	s26 =	simm.s32 $execute0_lowered;
	[smem:$0x3FD2] =	sst s25  }
0xa6: {  	s4 =	sshll.u32 s26, $0x1;
	_ =	strace $0x80000046;
	[dreg:$0x1] =	wrdreg $0xFFFFFFFF  }
0xa7: {  	s28 =	simm.s32 $_size_execute0_lowered;
	s2 =	sadd.s32 s2, s4;
	[dreg:$0x0] =	wrdreg $0x0  }
0xa8: {  	s4 =	sshll.u32 s28, $0x1;
	[dreg:$0x2] =	wrdreg s2  }
0xa9: {  	[dreg:$0x3] =	wrdreg s4  }
0xaa: {  	[dreg:$0x4] =	wrdreg $0xC0  }
0xab: {  	_ =	task [dreg:s6], $0x5FFFF  }
0xac: {  	[dreg:$0x1] =	wrdreg $0xFFFFFFFF  }
0xad: {  	[dreg:$0x0] =	wrdreg $0x60  }
0xae: {  	[dreg:$0x2] =	wrdreg s24  }
0xaf: {  	[dreg:$0x3] =	wrdreg $0x19B000  }
0xb0: {  	[dreg:$0x4] =	wrdreg $0x9  }
0xb1: {  	_ =	task.clear_ibuf [dreg:s6], $0x5FFFF;
	_ =	strace $0x90000046  }
0xb2: {  	s29 =	simm.s32 $0x9;
	_ =	strace $0x80000048  }
0xb3: {  	_ =	swait.ge [sflag:s29], $0x1  }
0xb4: {  	[sflag:s29] =	ssyncadd.s32 $0xFFFFFFFF  }
0xb5: {  	_ =	strace $0x90000048  }
0xb6: {  	_ =	sfence  }
0xb7: {  	s30 =	sld [smem:$0x0];
	_ =	sdelay $0x2  }
0xb8: {  	s31 =	sshll.u32 s1, $0xD;
	s1 =	sshrl.u32 s1, $0x2  }
0xb9: {  	s3 =	sand.u32 $0x4000, s31;
	s1 =	sadd.s32 s1, s30  }
0xba: {  	s0 =	sor.u32 s3, s0;
	s1 =	sshll.u32 s1, $0x11  }
0xbb: {  	s0 =	sor.u32 s1, s0  }
0xbc: {  	s0 =	sadd.s32 $0x8F2B, s0  }
0xbd: {  	[sflag:s0] =	ssyncadd.remote.s32 $0x1  }
0xbe: {  	_ =	sfence.sel $0xFFFF  }
0xbf: {  	[dreg:$0x0] =	wrdreg $0xFFFFFFFF;
	(pc) =	sbr.abs _section_cstart, $3  }
0xc0: {  	[dreg:$0x1] =	wrdreg $0xFFFFFFFF  }
0xc1: {  	_ =	task.clear_ibuf [dreg:s6], $0x2FFFF;
	_ =	strace $0x9FFFFFFF  }
0xc2: {  	(tm) =	ssettm $0x7FFFFFFF  }
0xc3: {  	_ =	shalt  }
tec
execute0_lowered:
.L_overlay_start_1:
0x0: {  	(tag) =	ssettag $0x1  }
0x1: {  	s0 =	srdreg.scid;
	s3 =	rddreg [dreg:$0x0]  }
0x2: {  	s13 =	stileid.u32;
	s1 =	rddreg [dreg:$0x1];
	s2 =	simm.s32 $0x0  }
0x3: {  	s14 =	simm.s32 $0x3570;
	s4 =	sand.u32 $0x1, s0;
	s31 =	sshll.u32 s13, $0x1  }
0x4: {  	s15 =	simm.s32 $0x3580;
	s0 =	sor.u32 s4, s31;
	s6 =	smul.u32 $0x2600, s4  }
0x5: {  	s17 =	simm.s32 $0x0;
	[smem:$0x7FF] =	sst s2;
	s5 =	smul.u32 $0x1AB80, s0  }
0x6: {  	p0 =	sne.s32 s13, $0x0;
	s13 =	simm.s32 $0x1;
	s8 =	ssub.s32 $0x2, s4  }
0x7: {  	s0 =	rddreg [dreg:$0x2];
	s6 =	sadd.s32 s6, s3;
	s5 =	sshrl.u32 s5, $0x3  }
0x8: {  	_ =	strace $0x80000047;
	s12 =	sadd.s32 s5, s3;
	s3 =	sadd.s32 $0x21B200, s6  }
0x9: {  	s16 =	sshrl.u32 @!p0 s1, $0x3;
	s4 =	sadd.s32 $0x1B0400, s12;
	s5 =	sadd.s32 $0x1B0AAE, s12  }
0xa: {  	s9 =	sshrl.u32 s8, $0x1;
	s6 =	sadd.s32 $0x1B115C, s12;
	s7 =	sadd.s32 $0x1B180A, s12  }
0xb: {  	s10 =	ssub.s32 s8, s9;
	s8 =	sadd.s32 $0x1B1EB8, s12;
	s9 =	sadd.s32 $0x1B2566, s12  }
0xc: {  	v0 =	vimm.f32 $0.0e+00;
	v1 =	vimm.f32 $1.000000000e+00;
	s10 =	smax.u32 s10, $0x1;
	s11 =	sadd.s32 $0x1B2C14, s12;
	s12 =	sadd.s32 $0x1B32C2, s12  }
.LBB2_1:
0xd: {  	s18 =	simm.s32 $0x0  }
.LBB2_2:
0xe: {  	p1 =	sne.s32 s18, $0x4BFC0  }
.Ltmp0:
0xf: {  	_ = 	snop;
	(pc) =	sbr.rel @p1 .LBB2_2-.Ltmp0, $3  }
0x10: {  	_ =	sdelay $0x1  }
0x11: {  	s19 =	sshra.s32 s18, $0x2  }
0x12: {  	s18 =	sadd.s32 $0x40, s18;
	[tilespmem:s19+$0x6B00] =	vst v0  }
0x13: {  	s18 =	simm.s32 $0x40;
	s19 =	simm.s32 $0x0  }
.LBB2_4:
0x14: {  	p1 =	sne.s32 s18, $0xD580;
	[tilespmem:s19+$0x3580] =	vst v1;
	s19 =	smov.u32 s18;
	s18 =	sadd.s32 $0x40, s18  }
.Ltmp1:
0x15: {  	(pc) =	sbr.rel @p1 .LBB2_4-.Ltmp1, $2  }
0x16: {  	_ =	sdelay $0x2  }
0x17: {  	s19 =	sshra.s32 s19, $0x2  }
0x18: {  	[tilespmem:s19+$0x3580] =	vst v1;
	s18 =	simm.s32 @!p0 $0x6B00  }
0x19: {  	[spmem:s1] =	stream.linear.scatter @!p0 [tilespmem:s18], [sflag:$0x1], $0x13000, $0x38;
	[tilespmem:$0x1AE00] =	vst v63  }
0x1a: {  	s18 =	simm.s32 @!p0 $0x1  }
0x1b: {  	_ =	swait.ge @!p0 [sflag:s18], $0x13000  }
0x1c: {  	[sflag:s18] =	ssyncset.done @!p0 $0x0  }
0x1d: {  	[sflag:s18] =	ssyncadd.s32 @!p0 $0xFFFED000  }
0x1e: {  	[bflag:$0x0] =	sbarrier.arrive $0xFFFF  }
0x1f: {  	[tilespmem:s2], [sflag:$0x1] =	stream.linear.gather [hbm4b:s4+s2], $0x3570, $0x38;
	[tilespmem:$0x1AE00] =	vst v63  }
0x20: {  	_ =	swait.ge [sflag:s13], $0x3570  }
0x21: {  	[sflag:s13] =	ssyncset.done $0x0  }
0x22: {  	[sflag:s13] =	ssyncadd.s32 $0xFFFFCA90  }
0x23: {  	[spmem:s1] =	stream.indirect.scatter.add.f32 [tilespmem:s15], [sflag:$0x1], $0x1, s2, s14, $0xb8;
	[tilespmem:$0x1AE00] =	vst v63  }
0x24: {  	_ =	swait.ge [sflag:s13], $0x3570  }
0x25: {  	[sflag:s13] =	ssyncset.done $0x0  }
0x26: {  	[sflag:s13] =	ssyncadd.s32 $0xFFFFCA90  }
0x27: {  	[tilespmem:s2], [sflag:$0x1] =	stream.linear.gather [hbm4b:s5+s2], $0x3570, $0x38;
	[tilespmem:$0x1AE00] =	vst v63  }
0x28: {  	_ =	swait.ge [sflag:s13], $0x3570  }
0x29: {  	[sflag:s13] =	ssyncset.done $0x0  }
0x2a: {  	[sflag:s13] =	ssyncadd.s32 $0xFFFFCA90  }
0x2b: {  	[spmem:s1] =	stream.indirect.scatter.add.f32 [tilespmem:s15], [sflag:$0x1], $0x1, s2, s14, $0xb8;
	[tilespmem:$0x1AE00] =	vst v63  }
0x2c: {  	_ =	swait.ge [sflag:s13], $0x3570  }
0x2d: {  	[sflag:s13] =	ssyncset.done $0x0  }
0x2e: {  	[sflag:s13] =	ssyncadd.s32 $0xFFFFCA90  }
0x2f: {  	[tilespmem:s2], [sflag:$0x1] =	stream.linear.gather [hbm4b:s6+s2], $0x3570, $0x38;
	[tilespmem:$0x1AE00] =	vst v63  }
0x30: {  	_ =	swait.ge [sflag:s13], $0x3570  }
0x31: {  	[sflag:s13] =	ssyncset.done $0x0  }
0x32: {  	[sflag:s13] =	ssyncadd.s32 $0xFFFFCA90  }
0x33: {  	[spmem:s1] =	stream.indirect.scatter.add.f32 [tilespmem:s15], [sflag:$0x1], $0x1, s2, s14, $0xb8;
	[tilespmem:$0x1AE00] =	vst v63  }
0x34: {  	_ =	swait.ge [sflag:s13], $0x3570  }
0x35: {  	[sflag:s13] =	ssyncset.done $0x0  }
0x36: {  	[sflag:s13] =	ssyncadd.s32 $0xFFFFCA90  }
0x37: {  	[tilespmem:s2], [sflag:$0x1] =	stream.linear.gather [hbm4b:s7+s2], $0x3570, $0x38;
	[tilespmem:$0x1AE00] =	vst v63  }
0x38: {  	_ =	swait.ge [sflag:s13], $0x3570  }
0x39: {  	[sflag:s13] =	ssyncset.done $0x0  }
0x3a: {  	[sflag:s13] =	ssyncadd.s32 $0xFFFFCA90  }
0x3b: {  	[spmem:s1] =	stream.indirect.scatter.add.f32 [tilespmem:s15], [sflag:$0x1], $0x1, s2, s14, $0xb8;
	[tilespmem:$0x1AE00] =	vst v63  }
0x3c: {  	_ =	swait.ge [sflag:s13], $0x3570  }
0x3d: {  	[sflag:s13] =	ssyncset.done $0x0  }
0x3e: {  	[sflag:s13] =	ssyncadd.s32 $0xFFFFCA90  }
0x3f: {  	[tilespmem:s2], [sflag:$0x1] =	stream.linear.gather [hbm4b:s8+s2], $0x3570, $0x38;
	[tilespmem:$0x1AE00] =	vst v63  }
0x40: {  	_ =	swait.ge [sflag:s13], $0x3570  }
0x41: {  	[sflag:s13] =	ssyncset.done $0x0  }
0x42: {  	[sflag:s13] =	ssyncadd.s32 $0xFFFFCA90  }
0x43: {  	[spmem:s1] =	stream.indirect.scatter.add.f32 [tilespmem:s15], [sflag:$0x1], $0x1, s2, s14, $0xb8;
	[tilespmem:$0x1AE00] =	vst v63  }
0x44: {  	_ =	swait.ge [sflag:s13], $0x3570  }
0x45: {  	[sflag:s13] =	ssyncset.done $0x0  }
0x46: {  	[sflag:s13] =	ssyncadd.s32 $0xFFFFCA90  }
0x47: {  	[tilespmem:s2], [sflag:$0x1] =	stream.linear.gather [hbm4b:s9+s2], $0x3570, $0x38;
	[tilespmem:$0x1AE00] =	vst v63  }
0x48: {  	_ =	swait.ge [sflag:s13], $0x3570  }
0x49: {  	[sflag:s13] =	ssyncset.done $0x0  }
0x4a: {  	[sflag:s13] =	ssyncadd.s32 $0xFFFFCA90  }
0x4b: {  	[spmem:s1] =	stream.indirect.scatter.add.f32 [tilespmem:s15], [sflag:$0x1], $0x1, s2, s14, $0xb8;
	[tilespmem:$0x1AE00] =	vst v63  }
0x4c: {  	_ =	swait.ge [sflag:s13], $0x3570  }
0x4d: {  	[sflag:s13] =	ssyncset.done $0x0  }
0x4e: {  	[sflag:s13] =	ssyncadd.s32 $0xFFFFCA90  }
0x4f: {  	[tilespmem:s2], [sflag:$0x1] =	stream.linear.gather [hbm4b:s11+s2], $0x3570, $0x38;
	[tilespmem:$0x1AE00] =	vst v63  }
0x50: {  	_ =	swait.ge [sflag:s13], $0x3570  }
0x51: {  	[sflag:s13] =	ssyncset.done $0x0  }
0x52: {  	[sflag:s13] =	ssyncadd.s32 $0xFFFFCA90  }
0x53: {  	[spmem:s1] =	stream.indirect.scatter.add.f32 [tilespmem:s15], [sflag:$0x1], $0x1, s2, s14, $0xb8;
	[tilespmem:$0x1AE00] =	vst v63  }
0x54: {  	_ =	swait.ge [sflag:s13], $0x3570  }
0x55: {  	[sflag:s13] =	ssyncset.done $0x0  }
0x56: {  	[sflag:s13] =	ssyncadd.s32 $0xFFFFCA90  }
0x57: {  	[tilespmem:s2], [sflag:$0x1] =	stream.linear.gather [hbm4b:s12+s2], $0x3570, $0x38;
	[tilespmem:$0x1AE00] =	vst v63  }
0x58: {  	_ =	swait.ge [sflag:s13], $0x3570  }
0x59: {  	[sflag:s13] =	ssyncset.done $0x0  }
0x5a: {  	[sflag:s13] =	ssyncadd.s32 $0xFFFFCA90  }
0x5b: {  	[spmem:s1] =	stream.indirect.scatter.add.f32 [tilespmem:s15], [sflag:$0x1], $0x1, s2, s14, $0xb8;
	[tilespmem:$0x1AE00] =	vst v63  }
0x5c: {  	_ =	swait.ge [sflag:s13], $0x3570  }
0x5d: {  	s17 =	sadd.s32 $0x1, s17;
	[sflag:s13] =	ssyncset.done $0x0  }
0x5e: {  	p1 =	sne.s32 s17, s10;
	[sflag:s13] =	ssyncadd.s32 $0xFFFFCA90  }
.Ltmp2:
0x5f: {  	s19 =	simm.s32 @!p0 $0x1C01;
	[bflag:$0x0] =	sbarrier.arrive $0xFFFF;
	(pc) =	sbr.rel @p1 .LBB2_1-.Ltmp2, $4  }
0x60: {  	[hbm:s3], [sflag:s19] =	dma.local @!p0 [spmem:s16], $0x2600  }
0x61: {  	_ =	swait.ge @!p0 [sflag:s18], $0x2600  }
0x62: {  	[sflag:s18] =	ssyncset.done @!p0 $0x0  }
0x63: {  	[sflag:s18] =	ssyncadd.s32 @!p0 $0xFFFFDA00  }
0x64: {  	_ =	sfence.sel $0x180000  }
0x65: {  	[bflag:$0x0] =	sbarrier.arrive $0xFFFF  }
0x66: {  	_ =	strace $0x90000047  }
0x67: {  	s0 =	sadd.s32 @!p0 $0x100000, s0;
	[bflag:$0x2] =	sbarrier.arrive $0xFFFF  }
0x68: {  	[sflag:s0] =	ssyncadd.tile.s32 @!p0 $0x1;
	_ =	shalt  }
.Lfunc_end2:
_tile_overlayer_lowered:
.L_overlay_start_2:
0x69: {  	(tag) =	ssettag $0x2  }
0x6a: {  	s0 =	rddreg [dreg:$0x0];
	s2 =	stileid.u32  }
0x6b: {  	s1 =	rddreg [dreg:$0x1];
	p0 =	sne.s32 s2, $0x0  }
0x6c: {  	s3 =	rddreg [dreg:$0x2];
	[bflag:$0x3] =	sbarrier.arrive $0xFFFF;
	s2 =	simm.s32 @!p0 $0x1C01  }
0x6d: {  	[timem:s3], [sflag:s2] =	dma.local @!p0 [hbm:s0], s1  }
0x6e: {  	s0 =	simm.s32 @!p0 $0x1  }
0x6f: {  	_ =	swait.ge @!p0 [sflag:s0], s1  }
0x70: {  	s1 =	ssub.s32 @!p0 $0x0, s1;
	[sflag:s0] =	ssyncset.done @!p0 $0x0  }
0x71: {  	[sflag:s0] =	ssyncadd.s32 @!p0 s1  }
0x72: {  	[bflag:$0x3] =	sbarrier.arrive $0xFFFF  }
0x73: {  	_ =	shalt  }

</sc_bundles>
